<compile_context>
chip_gen: v7x
topology: tpu7x:2x2x1
jax: 0.10.2.dev20260603
libtpu: 0.0.44.dev20260713+nightly
codegen_flags: <defaults>
</compile_context>

<pallas_src>
import functools

import jax
import jax.numpy as jnp
from jax import lax
from jax.experimental import pallas as pl
from jax.experimental.pallas import tpu as pltpu
from jax.experimental.pallas import tpu_sc as plsc



def _pre_body(nf_ref, ew1_ref, ps_ref, pd_ref):
    nf = nf_ref[...]
    nd = nf.shape[1]
    ws = ew1_ref[pl.ds(0, nd), :]
    wd = ew1_ref[pl.ds(nd, nd), :]
    ps_ref[...] = jnp.dot(nf, ws, preferred_element_type=jnp.float32)
    pd_ref[...] = jnp.dot(nf, wd, preferred_element_type=jnp.float32)


def _gelu(x):
    return 0.5 * x * (1.0 + lax.erf(x * 0.7071067811865476))


def _edge_body(s_ref, ef_ref, ew1_ref, eb1_ref, ew2_ref, eb2_ref,
               eg_ref, ebn_ref, eo_ref, pay_ref):
    ef = ef_ref[...]
    ed = ef.shape[1]
    nd2 = ew1_ref.shape[0] - ed
    we = ew1_ref[pl.ds(nd2, ed), :]
    x = s_ref[...]
    x = x + jnp.dot(ef, we, preferred_element_type=jnp.float32) + eb1_ref[...]
    h = _gelu(x)
    upd = jnp.dot(h, ew2_ref[...], preferred_element_type=jnp.float32)
    eo = ef + upd + eb2_ref[...]
    mu = jnp.mean(eo, axis=-1, keepdims=True)
    var = jnp.mean((eo - mu) ** 2, axis=-1, keepdims=True)
    eo = (eo - mu) * lax.rsqrt(var + 1e-5) * eg_ref[...] + ebn_ref[...]
    eo_ref[...] = eo
    pay_ref[...] = jnp.concatenate(
        [eo, jnp.ones(eo.shape, jnp.float32)], axis=-1)


def _node_body(nf_ref, acc_ref, nw1_ref,
               nb1_ref, nw2_ref, nb2_ref, ng_ref, nbn_ref, no_ref):
    nf = nf_ref[...]
    nd = nf.shape[1]
    ed = acc_ref.shape[1] // 2
    cnt = jnp.maximum(acc_ref[:, ed:ed + 1], 1.0)
    agg = acc_ref[:, 0:ed] / cnt
    w_nf = nw1_ref[pl.ds(0, nd), :]
    w_ag = nw1_ref[pl.ds(nd, agg.shape[1]), :]
    x = (jnp.dot(nf, w_nf, preferred_element_type=jnp.float32)
         + jnp.dot(agg, w_ag, preferred_element_type=jnp.float32)
         + nb1_ref[...])
    h = _gelu(x)
    upd = jnp.dot(h, nw2_ref[...], preferred_element_type=jnp.float32)
    no = nf + upd + nb2_ref[...]
    mu = jnp.mean(no, axis=-1, keepdims=True)
    var = jnp.mean((no - mu) ** 2, axis=-1, keepdims=True)
    no_ref[...] = (no - mu) * lax.rsqrt(var + 1e-5) * ng_ref[...] + nbn_ref[...]



def _make_sc_gather(E, ND, NC, NS, K, GBUF=3):
    NW = NC * NS
    EW = E // NW
    FULL = EW // K
    MAIN = (FULL // GBUF) * GBUF
    CHUNKS = FULL + (1 if EW % K else 0)

    mesh = plsc.VectorSubcoreMesh(core_axis_name="c", subcore_axis_name="s")

    @functools.partial(
        pl.kernel,
        out_type=jax.ShapeDtypeStruct((E, ND), jnp.float32),
        mesh=mesh,
        scratch_types=(
            [pltpu.VMEM((EW,), jnp.int32), pltpu.VMEM((EW,), jnp.int32)]
            + [pltpu.VMEM((K, ND), jnp.float32) for _ in range(2 * GBUF)]
            + [pltpu.SemaphoreType.DMA for _ in range(2 * GBUF)]
        ),
    )
    def sc_gather(ps_hbm, pd_hbm, src_hbm, dst_hbm, s_hbm,
                  idx_all_s, idx_all_d, *bufs):
        rows_s = bufs[:GBUF]
        rows_d = bufs[GBUF:2 * GBUF]
        sem_g = bufs[2 * GBUF:3 * GBUF]
        sem_w = bufs[3 * GBUF:]
        wid = lax.axis_index("s") * NC + lax.axis_index("c")
        base = wid * EW

        pltpu.sync_copy(src_hbm.at[pl.ds(base, EW)], idx_all_s)
        pltpu.sync_copy(dst_hbm.at[pl.ds(base, EW)], idx_all_d)

        def add_rows(j, n):
            def add_row(r, _):
                for cc in range(ND // 16):
                    sl = pl.ds(cc * 16, 16)
                    rows_s[j][r, sl] = rows_s[j][r, sl] + rows_d[j][r, sl]
                return 0
            lax.fori_loop(0, n, add_row, 0)

        def drain_w(j):
            pltpu.make_async_copy(
                rows_s[j], s_hbm.at[pl.ds(base, K)], sem_w[j]).wait()

        def group(g, _):
            descs = []
            for j in range(GBUF):
                off = (g * GBUF + j) * K

                @pl.when(g > 0)
                def _():
                    drain_w(j)
                cs = pltpu.async_copy(
                    ps_hbm.at[idx_all_s.at[pl.ds(off, K)]], rows_s[j],
                    sem_g[j])
                cd = pltpu.async_copy(
                    pd_hbm.at[idx_all_d.at[pl.ds(off, K)]], rows_d[j],
                    sem_g[j])
                descs.append((cs, cd, off))
            for j, (cs, cd, off) in enumerate(descs):
                cs.wait()
                cd.wait()
                add_rows(j, K)
                pltpu.async_copy(rows_s[j], s_hbm.at[pl.ds(base + off, K)],
                                 sem_w[j])
            return 0

        NGROUP = MAIN // GBUF
        lax.fori_loop(0, NGROUP, group, 0)

        done0 = False
        for c in range(MAIN, CHUNKS):
            off = c * K
            kt = min(K, EW - off)
            if NGROUP > 0 and not done0:
                drain_w(0)
                done0 = True
            cs = pltpu.async_copy(
                ps_hbm.at[idx_all_s.at[pl.ds(off, kt)]],
                rows_s[0].at[pl.ds(0, kt)], sem_g[0])
            cd = pltpu.async_copy(
                pd_hbm.at[idx_all_d.at[pl.ds(off, kt)]],
                rows_d[0].at[pl.ds(0, kt)], sem_g[0])
            cs.wait()
            cd.wait()
            add_rows(0, kt)
            pltpu.sync_copy(rows_s[0].at[pl.ds(0, kt)],
                            s_hbm.at[pl.ds(base + off, kt)])

        if NGROUP > 0:
            for j in range(GBUF):
                if j == 0 and done0:
                    continue
                drain_w(j)

    return sc_gather


def _make_sc_scatter(E, N, ED, NC, NS, K, PBUF=4):
    EW = E // NS
    FULL = EW // K
    MAIN = (FULL // PBUF) * PBUF
    TAIL = EW - FULL * K
    HALF = N // NC
    CH = 40
    NCHUNK = HALF // CH
    ACC = HALF + 8
    ED2 = 2 * ED

    mesh = plsc.VectorSubcoreMesh(core_axis_name="c", subcore_axis_name="s")

    @functools.partial(
        pl.kernel,
        out_type=jax.ShapeDtypeStruct((N, ED2), jnp.float32),
        mesh=mesh,
        scratch_types=(
            [pltpu.VMEM((K,), jnp.int32) for _ in range(PBUF)]
            + [pltpu.VMEM((K,), jnp.int32) for _ in range(PBUF)]
            + [pltpu.VMEM((K, ED2), jnp.float32) for _ in range(PBUF)]
            + [pltpu.SemaphoreType.DMA for _ in range(PBUF)]
            + [pltpu.SemaphoreType.DMA for _ in range(PBUF)]
            + [
                pltpu.VMEM((max(TAIL, 8),), jnp.int32),
                pltpu.VMEM((max(TAIL, 8),), jnp.int32),
                pltpu.VMEM((CH, ED2), jnp.float32),
                pltpu.VMEM_SHARED((ACC, ED2), jnp.float32),
            ]
        ),
    )
    def sc_scatter(pay_hbm, dst_hbm, acc_hbm, *refs):
        idx_v = refs[:PBUF]
        idx2_v = refs[PBUF:2 * PBUF]
        pay_v = refs[2 * PBUF:3 * PBUF]
        sem_l = refs[3 * PBUF:4 * PBUF]
        sem_s = refs[4 * PBUF:5 * PBUF]
        idx_t, idx2_t, tmp_v, acc_sh = refs[5 * PBUF:]
        cid = lax.axis_index("c")
        sid = lax.axis_index("s")
        base = sid * EW
        lo = cid * HALF

        def fill_zero(i, _):
            tmp_v[i, :] = jnp.zeros((ED2,), jnp.float32)
            return 0
        lax.fori_loop(0, CH, fill_zero, 0)

        def init_chunk(j, _):
            c = sid + j * NS

            @pl.when(c < NCHUNK)
            def _():
                pltpu.sync_copy(tmp_v, acc_sh.at[pl.ds(c * CH, CH)])
            return 0
        lax.fori_loop(0, (NCHUNK + NS - 1) // NS, init_chunk, 0)
        plsc.subcore_barrier()

        def remap(src_idx, dst_idx, n):
            def rm(t, _):
                v = src_idx[pl.ds(t * 16, 16)] - lo
                ok = (v >= 0) & (v < HALF)
                dst_idx[pl.ds(t * 16, 16)] = jnp.where(ok, v, HALF)
                return 0
            lax.fori_loop(0, n // 16, rm, 0)

        def drain_scat(b):
            pltpu.make_async_copy(
                pay_v[b], acc_sh.at[idx2_v[b]], sem_s[b]).wait()

        def group(g, _):
            loads = []
            for b in range(PBUF):
                off = base + (g * PBUF + b) * K

                @pl.when(g > 0)
                def _():
                    drain_scat(b)
                li = pltpu.async_copy(dst_hbm.at[pl.ds(off, K)],
                                      idx_v[b], sem_l[b])
                lp = pltpu.async_copy(pay_hbm.at[pl.ds(off, K)],
                                      pay_v[b], sem_l[b])
                loads.append((li, lp))
            for b, (li, lp) in enumerate(loads):
                li.wait()
                lp.wait()
                remap(idx_v[b], idx2_v[b], K)
                pltpu.async_copy(pay_v[b], acc_sh.at[idx2_v[b]],
                                 sem_s[b], add=True)
            return 0

        NGROUP = MAIN // PBUF
        lax.fori_loop(0, NGROUP, group, 0)

        for i, c in enumerate(range(MAIN, FULL)):
            b = i % PBUF
            off = base + c * K
            if NGROUP > 0 or i >= PBUF:
                drain_scat(b)
            li = pltpu.async_copy(dst_hbm.at[pl.ds(off, K)], idx_v[b],
                                  sem_l[b])
            lp = pltpu.async_copy(pay_hbm.at[pl.ds(off, K)], pay_v[b],
                                  sem_l[b])
            li.wait()
            lp.wait()
            remap(idx_v[b], idx2_v[b], K)
            pltpu.async_copy(pay_v[b], acc_sh.at[idx2_v[b]], sem_s[b],
                             add=True)

        if TAIL:
            off = base + FULL * K
            b = (FULL - MAIN) % PBUF
            if FULL > 0:
                drain_scat(b)
            li = pltpu.async_copy(dst_hbm.at[pl.ds(off, TAIL)], idx_t,
                                  sem_l[b])
            lp = pltpu.async_copy(pay_hbm.at[pl.ds(off, TAIL)],
                                  pay_v[b].at[pl.ds(0, TAIL)], sem_l[b])
            li.wait()
            lp.wait()
            remap(idx_t, idx2_t, TAIL)
            pltpu.async_copy(pay_v[b].at[pl.ds(0, TAIL)],
                             acc_sh.at[idx2_t], sem_s[b], add=True).wait()

        nleft = FULL - MAIN
        for b in range(PBUF):
            used_main = NGROUP > 0 or b < nleft
            tail_b = TAIL and b == (FULL - MAIN) % PBUF
            if used_main and not tail_b:
                drain_scat(b)
        plsc.subcore_barrier()

        def exp_chunk(j, _):
            c = sid + j * NS

            @pl.when(c < NCHUNK)
            def _():
                pltpu.sync_copy(acc_sh.at[pl.ds(c * CH, CH)], tmp_v)
                pltpu.sync_copy(tmp_v, acc_hbm.at[pl.ds(lo + c * CH, CH)])
            return 0
        lax.fori_loop(0, (NCHUNK + NS - 1) // NS, exp_chunk, 0)

    return sc_scatter



def kernel(node_features, edge_index, edge_features, ew1, eb1, ew2, eb2,
           nw1, nb1, nw2, nb2, eg, ebn, ng, nbn):
    N, ND = node_features.shape
    E, ED = edge_features.shape
    H = ew1.shape[1]
    NC, NS = 2, 16

    src = edge_index[0]
    dst = edge_index[1]

    ps, pd = pl.pallas_call(
        _pre_body,
        out_shape=(jax.ShapeDtypeStruct((N, H), jnp.float32),
                   jax.ShapeDtypeStruct((N, H), jnp.float32)),
    )(node_features, ew1)

    s = _make_sc_gather(E, H, NC, NS, K=128)(ps, pd, src, dst)

    EB = 6400
    grid = (E // EB,)
    eo, pay = pl.pallas_call(
        _edge_body,
        grid=grid,
        in_specs=[
            pl.BlockSpec((EB, H), lambda i: (i, 0)),
            pl.BlockSpec((EB, ED), lambda i: (i, 0)),
            pl.BlockSpec((2 * ND + ED, H), lambda i: (0, 0)),
            pl.BlockSpec((1, H), lambda i: (0, 0)),
            pl.BlockSpec((H, ED), lambda i: (0, 0)),
            pl.BlockSpec((1, ED), lambda i: (0, 0)),
            pl.BlockSpec((1, ED), lambda i: (0, 0)),
            pl.BlockSpec((1, ED), lambda i: (0, 0)),
        ],
        out_specs=(pl.BlockSpec((EB, ED), lambda i: (i, 0)),
                   pl.BlockSpec((EB, 2 * ED), lambda i: (i, 0))),
        out_shape=(jax.ShapeDtypeStruct((E, ED), jnp.float32),
                   jax.ShapeDtypeStruct((E, 2 * ED), jnp.float32)),
    )(s, edge_features, ew1, eb1.reshape(1, H), ew2,
      eb2.reshape(1, ED), eg.reshape(1, ED), ebn.reshape(1, ED))

    acc = _make_sc_scatter(E, N, ED, NC, NS, K=128)(pay, dst)

    no = pl.pallas_call(
        _node_body,
        out_shape=jax.ShapeDtypeStruct((N, ND), jnp.float32),
    )(node_features, acc, nw1,
      nb1.reshape(1, H), nw2, nb2.reshape(1, ND), ng.reshape(1, ND),
      nbn.reshape(1, ND))

    return (no, eo)

# --- scband reference (transcript-rebuilt; emitter-appended) ---
"""Pipeline reference for scband-edge-message-passing-78142634983851 (READ-ONLY COPY).

The authoritative reference and input builder live on the scoring server;
editing this copy changes nothing except your own understanding.
"""

import jax, jax.numpy as jnp
import numpy as np

N = 10000
E = 320000
ND = 128
ED = 16
H = 128


def _layer_norm(x, g, b):
    mu = jnp.mean(x, axis=-1, keepdims=True)
    var = jnp.var(x, axis=-1, keepdims=True)
    return (x - mu) / jnp.sqrt(var + 1e-5) * g + b


def setup_inputs(seed: int = 0) -> dict:
    key = jax.random.key(seed)
    ks = jax.random.split(key, 16)
    s = 0.05
    return {
        "node_features": jax.random.normal(ks[0], (N, ND), dtype=jnp.float32),
        "edge_index": jax.random.randint(ks[1], (2, E), 0, N, dtype=jnp.int32),
        "edge_features": jax.random.normal(ks[2], (E, ED), dtype=jnp.float32),
        # edge_mlp: Linear(2*ND+ED -> H), GELU, Linear(H -> ED)
        "ew1": jax.random.normal(ks[3], (2 * ND + ED, H), dtype=jnp.float32) * s,
        "eb1": jnp.zeros((H,), dtype=jnp.float32),
        "ew2": jax.random.normal(ks[4], (H, ED), dtype=jnp.float32) * s,
        "eb2": jnp.zeros((ED,), dtype=jnp.float32),
        # node_mlp: Linear(ND+ED -> H), GELU, Linear(H -> ND)
        "nw1": jax.random.normal(ks[5], (ND + ED, H), dtype=jnp.float32) * s,
        "nb1": jnp.zeros((H,), dtype=jnp.float32),
        "nw2": jax.random.normal(ks[6], (H, ND), dtype=jnp.float32) * s,
        "nb2": jnp.zeros((ND,), dtype=jnp.float32),
        # layer norms
        "eg": jnp.ones((ED,), dtype=jnp.float32),
        "ebn": jnp.zeros((ED,), dtype=jnp.float32),
        "ng": jnp.ones((ND,), dtype=jnp.float32),
        "nbn": jnp.zeros((ND,), dtype=jnp.float32),
    }


def reference(node_features, edge_index, edge_features, ew1, eb1, ew2, eb2,
              nw1, nb1, nw2, nb2, eg, ebn, ng, nbn):
    src = edge_index[0]
    dst = edge_index[1]
    src_feats = jnp.take(node_features, src, axis=0)
    dst_feats = jnp.take(node_features, dst, axis=0)
    edge_input = jnp.concatenate([src_feats, dst_feats, edge_features], axis=-1)
    h = jax.nn.gelu(edge_input @ ew1 + eb1, approximate=False)
    edge_update = h @ ew2 + eb2
    edge_out = edge_features + edge_update
    edge_out = _layer_norm(edge_out, eg, ebn)
    num_nodes = node_features.shape[0]
    agg = jnp.zeros((num_nodes, edge_out.shape[-1]), dtype=node_features.dtype).at[dst].add(edge_out)
    deg = jnp.zeros((num_nodes,), dtype=node_features.dtype).at[dst].add(1.0)
    count = jnp.clip(deg, 1.0, None)[:, None]
    agg = agg / count
    node_input = jnp.concatenate([node_features, agg], axis=-1)
    hn = jax.nn.gelu(node_input @ nw1 + nb1, approximate=False)
    node_update = hn @ nw2 + nb2
    node_out = node_features + node_update
    node_out = _layer_norm(node_out, ng, nbn)
    return (node_out, edge_out)

if __name__ == "__main__":
    import jax
    _d = setup_inputs()
    print(jax.jit(kernel)(*tuple(_d.values())))

</pallas_src>

<mosaic_0001>
#map = affine_map<(d0, d1) -> (0, 0)>
#map1 = affine_map<(d0, d1) -> (0)>
module attributes {stable_mosaic.version = 14 : i64} {
  func.func @sc_scatter(%arg0: i32, %arg1: i32, %arg2: memref<320000x32xf32, #tpu.memory_space<hbm>>, %arg3: memref<320000xi32, #tpu.memory_space<hbm>>, %arg4: memref<10000x32xf32, #tpu.memory_space<hbm>>, %arg5: memref<128xi32, #tpu.memory_space<vmem>>, %arg6: memref<128xi32, #tpu.memory_space<vmem>>, %arg7: memref<128xi32, #tpu.memory_space<vmem>>, %arg8: memref<128xi32, #tpu.memory_space<vmem>>, %arg9: memref<128xi32, #tpu.memory_space<vmem>>, %arg10: memref<128xi32, #tpu.memory_space<vmem>>, %arg11: memref<128xi32, #tpu.memory_space<vmem>>, %arg12: memref<128xi32, #tpu.memory_space<vmem>>, %arg13: memref<128x32xf32, #tpu.memory_space<vmem>>, %arg14: memref<128x32xf32, #tpu.memory_space<vmem>>, %arg15: memref<128x32xf32, #tpu.memory_space<vmem>>, %arg16: memref<128x32xf32, #tpu.memory_space<vmem>>, %arg17: memref<!tpu.dma_semaphore, #tpu.memory_space<semaphore_mem>>, %arg18: memref<!tpu.dma_semaphore, #tpu.memory_space<semaphore_mem>>, %arg19: memref<!tpu.dma_semaphore, #tpu.memory_space<semaphore_mem>>, %arg20: memref<!tpu.dma_semaphore, #tpu.memory_space<semaphore_mem>>, %arg21: memref<!tpu.dma_semaphore, #tpu.memory_space<semaphore_mem>>, %arg22: memref<!tpu.dma_semaphore, #tpu.memory_space<semaphore_mem>>, %arg23: memref<!tpu.dma_semaphore, #tpu.memory_space<semaphore_mem>>, %arg24: memref<!tpu.dma_semaphore, #tpu.memory_space<semaphore_mem>>, %arg25: memref<32xi32, #tpu.memory_space<vmem>>, %arg26: memref<32xi32, #tpu.memory_space<vmem>>, %arg27: memref<40x32xf32, #tpu.memory_space<vmem>>, %arg28: memref<5008x32xf32, #tpu.memory_space<vmem_shared>>) attributes {dimension_semantics = [#tpu.dimension_semantics<core_parallel>, #tpu.dimension_semantics<subcore_parallel>], iteration_bounds = array<i64: 2, 16>, scalar_prefetch = 0 : i64, scratch_operands = 24 : i64, tpu.core_type = #tpu.core_type<sc_vector_subcore>, window_params = [{transform_indices = #map}, {transform_indices = #map1}, {transform_indices = #map}]} {
    %mul3A = arith.constant 20000 : i32
    %mul3A_0 = arith.muli %arg1, %mul3A : i32
    %mul3A_1 = arith.constant 5000 : i32
    %mul3A_2 = arith.muli %arg0, %mul3A_1 : i32
    %scan3A = arith.constant 0 : i32
    %scan3A_3 = arith.constant 0 : i32
    %scan3A_4 = arith.constant 40 : i32
    %scan3A_5 = arith.addi %scan3A_3, %scan3A_4 : i32
    %scan3A_6 = arith.constant 1 : i32
    %scan3A_7 = scf.for %scan3A_85 = %scan3A_3 to %scan3A_5 step %scan3A_6 iter_args(%scan3A_86 = %scan3A) -> (i32)  : i32 {
      %broadcast_in_dim3A = arith.constant 0.000000e+00 : f32
      %broadcast_in_dim3A_87 = vector.broadcast %broadcast_in_dim3A : f32 to vector<32xf32>
      %swap3A = arith.index_cast %scan3A_85 : i32 to index
      %swap3A_88 = arith.constant 0 : index
      %swap3A_89 = tpu.vector_load %arg27[%swap3A, %swap3A_88] {strides = array<i32>} : memref<40x32xf32, #tpu.memory_space<vmem>>, vector<1x32xf32>,
      %swap3A_90 = vector.shape_cast %swap3A_89 : vector<1x32xf32> to vector<32xf32>
      %swap3A_91 = vector.shape_cast %broadcast_in_dim3A_87 : vector<32xf32> to vector<1x32xf32>
      tpu.vector_store %arg27[%swap3A, %swap3A_88], %swap3A_91 {strides = array<i32>} : memref<40x32xf32, #tpu.memory_space<vmem>>, vector<1x32xf32>,
      %scan3A_92 = arith.constant 0 : i32
      scf.yield %scan3A_92 : i32
    }
    %scan3A_8 = arith.constant 40 : i32
    %scan3A_9 = arith.constant 0 : i32
    %scan3A_10 = arith.constant 0 : i32
    %scan3A_11 = arith.constant 8 : i32
    %scan3A_12 = arith.addi %scan3A_10, %scan3A_11 : i32
    %scan3A_13 = arith.constant 1 : i32
    %scan3A_14 = scf.for %scan3A_85 = %scan3A_10 to %scan3A_12 step %scan3A_13 iter_args(%scan3A_86 = %scan3A_9) -> (i32)  : i32 {
      %mul3A_87 = arith.constant 16 : i32
      %mul3A_88 = arith.muli %scan3A_85, %mul3A_87 : i32
      %add3A_89 = arith.addi %arg1, %mul3A_88 : i32
      %lt3A = arith.constant 125 : i32
      %lt3A_90 = arith.cmpi slt, %add3A_89, %lt3A : i32
      %convert_element_type3A = arith.extui %lt3A_90 : i1 to i32
      %cond3A = arith.constant 0 : i32
      %cond3A_91 = arith.cmpi ne, %convert_element_type3A, %cond3A : i32
      scf.if %cond3A_91 {
        %mul3A_93 = arith.constant 40 : i32
        %mul3A_94 = arith.muli %add3A_89, %mul3A_93 : i32
        "tpu.region"() ({
          %run_scoped3A = tpu.sem_alloc : memref<!tpu.dma_semaphore, #tpu.memory_space<semaphore_mem>>
          %dma_start3A_95 = arith.constant 0 : i32
          %dma_start3A_96 = tpu.memref_slice %arg28[%mul3A_94, %dma_start3A_95] : memref<5008x32xf32, #tpu.memory_space<vmem_shared>> -> memref<40x32xf32, #tpu.memory_space<vmem_shared>>
          %dma_start3A_97 = arith.constant 0 : i32
          %dma_start3A_98 = tpu.memref_slice %arg28[%mul3A_94, %dma_start3A_97] : memref<5008x32xf32, #tpu.memory_space<vmem_shared>> -> memref<40x32xf32, #tpu.memory_space<vmem_shared>>
          tpu.enqueue_dma source(%arg27 : memref<40x32xf32, #tpu.memory_space<vmem>>) target(%dma_start3A_98 : memref<40x32xf32, #tpu.memory_space<vmem_shared>>) target_semaphore(%run_scoped3A : memref<!tpu.dma_semaphore, #tpu.memory_space<semaphore_mem>>)
          %dma_wait3A_99 = arith.constant 0 : i32
          %dma_wait3A_100 = tpu.memref_slice %arg28[%mul3A_94, %dma_wait3A_99] : memref<5008x32xf32, #tpu.memory_space<vmem_shared>> -> memref<40x32xf32, #tpu.memory_space<vmem_shared>>
          %dma_wait3A_101 = arith.constant 0 : i32
          %dma_wait3A_102 = tpu.memref_slice %arg28[%mul3A_94, %dma_wait3A_101] : memref<5008x32xf32, #tpu.memory_space<vmem_shared>> -> memref<40x32xf32, #tpu.memory_space<vmem_shared>>
          tpu.wait_dma2 semaphore(%run_scoped3A : memref<!tpu.dma_semaphore, #tpu.memory_space<semaphore_mem>>) src(%arg27 : memref<40x32xf32, #tpu.memory_space<vmem>>) dst(%dma_wait3A_102 : memref<40x32xf32, #tpu.memory_space<vmem_shared>>)
          tpu.yield
        }) : () -> ()
      } else {
      }
      %scan3A_92 = arith.constant 0 : i32
      scf.yield %scan3A_92 : i32
    }
    %scan3A_15 = arith.constant 8 : i32
    %barrier3A = arith.constant 0 : index
    tpu.barrier barrier_id(%barrier3A)
    %scan3A_16 = arith.constant 0 : i32
    %scan3A_17 = arith.constant 0 : i32
    %scan3A_18 = arith.constant 39 : i32
    %scan3A_19 = arith.addi %scan3A_17, %scan3A_18 : i32
    %scan3A_20 = arith.constant 1 : i32
    %scan3A_21 = scf.for %scan3A_85 = %scan3A_17 to %scan3A_19 step %scan3A_20 iter_args(%scan3A_86 = %scan3A_16) -> (i32)  : i32 {
      %mul3A_87 = arith.constant 4 : i32
      %mul3A_88 = arith.muli %scan3A_85, %mul3A_87 : i32
      %add3A_89 = arith.constant 0 : i32
      %add3A_90 = arith.addi %mul3A_88, %add3A_89 : i32
      %mul3A_91 = arith.constant 128 : i32
      %mul3A_92 = arith.muli %add3A_90, %mul3A_91 : i32
      %add3A_93 = arith.addi %mul3A_0, %mul3A_92 : i32
      %gt3A = arith.constant 0 : i32
      %gt3A_94 = arith.cmpi sgt, %scan3A_85, %gt3A : i32
      %convert_element_type3A = arith.extui %gt3A_94 : i1 to i32
      %cond3A = arith.constant 0 : i32
      %cond3A_95 = arith.cmpi ne, %convert_element_type3A, %cond3A : i32
      scf.if %cond3A_95 {
        %dma_wait3A_221 = arith.constant 0 : i32
        %dma_wait3A_222 = arith.constant 0 : i32
        %dma_wait3A_223 = tpu.memref_slice %arg28[%dma_wait3A_221, %dma_wait3A_222] : memref<5008x32xf32, #tpu.memory_space<vmem_shared>> -> memref<5008x32xf32, #tpu.memory_space<vmem_shared>>
        tpu.wait_indirect_dma semaphore(%arg21 : memref<!tpu.dma_semaphore, #tpu.memory_space<semaphore_mem>>) src(%arg13 : memref<128x32xf32, #tpu.memory_space<vmem>>) dst(%dma_wait3A_223 : memref<5008x32xf32, #tpu.memory_space<vmem_shared>>)
      } else {
      }
      %dma_start3A_96 = tpu.memref_slice %arg3[%add3A_93] : memref<320000xi32, #tpu.memory_space<hbm>> -> memref<128xi32, #tpu.memory_space<hbm>>
      %dma_start3A_97 = tpu.memref_slice %arg3[%add3A_93] : memref<320000xi32, #tpu.memory_space<hbm>> -> memref<128xi32, #tpu.memory_space<hbm>>
      tpu.enqueue_dma source(%dma_start3A_97 : memref<128xi32, #tpu.memory_space<hbm>>) target(%arg5 : memref<128xi32, #tpu.memory_space<vmem>>) target_semaphore(%arg17 : memref<!tpu.dma_semaphore, #tpu.memory_space<semaphore_mem>>)
      %dma_start3A_98 = arith.constant 0 : i32
      %dma_start3A_99 = tpu.memref_slice %arg2[%add3A_93, %dma_start3A_98] : memref<320000x32xf32, #tpu.memory_space<hbm>> -> memref<128x32xf32, #tpu.memory_space<hbm>>
      %dma_start3A_100 = arith.constant 0 : i32
      %dma_start3A_101 = tpu.memref_slice %arg2[%add3A_93, %dma_start3A_100] : memref<320000x32xf32, #tpu.memory_space<hbm>> -> memref<128x32xf32, #tpu.memory_space<hbm>>
      tpu.enqueue_dma source(%dma_start3A_101 : memref<128x32xf32, #tpu.memory_space<hbm>>) target(%arg13 : memref<128x32xf32, #tpu.memory_space<vmem>>) target_semaphore(%arg17 : memref<!tpu.dma_semaphore, #tpu.memory_space<semaphore_mem>>)
      %mul3A_102 = arith.constant 4 : i32
      %mul3A_103 = arith.muli %scan3A_85, %mul3A_102 : i32
      %add3A_104 = arith.constant 1 : i32
      %add3A_105 = arith.addi %mul3A_103, %add3A_104 : i32
      %mul3A_106 = arith.constant 128 : i32
      %mul3A_107 = arith.muli %add3A_105, %mul3A_106 : i32
      %add3A_108 = arith.addi %mul3A_0, %mul3A_107 : i32
      %gt3A_109 = arith.constant 0 : i32
      %gt3A_110 = arith.cmpi sgt, %scan3A_85, %gt3A_109 : i32
      %convert_element_type3A_111 = arith.extui %gt3A_110 : i1 to i32
      %cond3A_112 = arith.constant 0 : i32
      %cond3A_113 = arith.cmpi ne, %convert_element_type3A_111, %cond3A_112 : i32
      scf.if %cond3A_113 {
        %dma_wait3A_221 = arith.constant 0 : i32
        %dma_wait3A_222 = arith.constant 0 : i32
        %dma_wait3A_223 = tpu.memref_slice %arg28[%dma_wait3A_221, %dma_wait3A_222] : memref<5008x32xf32, #tpu.memory_space<vmem_shared>> -> memref<5008x32xf32, #tpu.memory_space<vmem_shared>>
        tpu.wait_indirect_dma semaphore(%arg22 : memref<!tpu.dma_semaphore, #tpu.memory_space<semaphore_mem>>) src(%arg14 : memref<128x32xf32, #tpu.memory_space<vmem>>) dst(%dma_wait3A_223 : memref<5008x32xf32, #tpu.memory_space<vmem_shared>>)
      } else {
      }
      %dma_start3A_114 = tpu.memref_slice %arg3[%add3A_108] : memref<320000xi32, #tpu.memory_space<hbm>> -> memref<128xi32, #tpu.memory_space<hbm>>
      %dma_start3A_115 = tpu.memref_slice %arg3[%add3A_108] : memref<320000xi32, #tpu.memory_space<hbm>> -> memref<128xi32, #tpu.memory_space<hbm>>
      tpu.enqueue_dma source(%dma_start3A_115 : memref<128xi32, #tpu.memory_space<hbm>>) target(%arg6 : memref<128xi32, #tpu.memory_space<vmem>>) target_semaphore(%arg18 : memref<!tpu.dma_semaphore, #tpu.memory_space<semaphore_mem>>)
      %dma_start3A_116 = arith.constant 0 : i32
      %dma_start3A_117 = tpu.memref_slice %arg2[%add3A_108, %dma_start3A_116] : memref<320000x32xf32, #tpu.memory_space<hbm>> -> memref<128x32xf32, #tpu.memory_space<hbm>>
      %dma_start3A_118 = arith.constant 0 : i32
      %dma_start3A_119 = tpu.memref_slice %arg2[%add3A_108, %dma_start3A_118] : memref<320000x32xf32, #tpu.memory_space<hbm>> -> memref<128x32xf32, #tpu.memory_space<hbm>>
      tpu.enqueue_dma source(%dma_start3A_119 : memref<128x32xf32, #tpu.memory_space<hbm>>) target(%arg14 : memref<128x32xf32, #tpu.memory_space<vmem>>) target_semaphore(%arg18 : memref<!tpu.dma_semaphore, #tpu.memory_space<semaphore_mem>>)
      %mul3A_120 = arith.constant 4 : i32
      %mul3A_121 = arith.muli %scan3A_85, %mul3A_120 : i32
      %add3A_122 = arith.constant 2 : i32
      %add3A_123 = arith.addi %mul3A_121, %add3A_122 : i32
      %mul3A_124 = arith.constant 128 : i32
      %mul3A_125 = arith.muli %add3A_123, %mul3A_124 : i32
      %add3A_126 = arith.addi %mul3A_0, %mul3A_125 : i32
      %gt3A_127 = arith.constant 0 : i32
      %gt3A_128 = arith.cmpi sgt, %scan3A_85, %gt3A_127 : i32
      %convert_element_type3A_129 = arith.extui %gt3A_128 : i1 to i32
      %cond3A_130 = arith.constant 0 : i32
      %cond3A_131 = arith.cmpi ne, %convert_element_type3A_129, %cond3A_130 : i32
      scf.if %cond3A_131 {
        %dma_wait3A_221 = arith.constant 0 : i32
        %dma_wait3A_222 = arith.constant 0 : i32
        %dma_wait3A_223 = tpu.memref_slice %arg28[%dma_wait3A_221, %dma_wait3A_222] : memref<5008x32xf32, #tpu.memory_space<vmem_shared>> -> memref<5008x32xf32, #tpu.memory_space<vmem_shared>>
        tpu.wait_indirect_dma semaphore(%arg23 : memref<!tpu.dma_semaphore, #tpu.memory_space<semaphore_mem>>) src(%arg15 : memref<128x32xf32, #tpu.memory_space<vmem>>) dst(%dma_wait3A_223 : memref<5008x32xf32, #tpu.memory_space<vmem_shared>>)
      } else {
      }
      %dma_start3A_132 = tpu.memref_slice %arg3[%add3A_126] : memref<320000xi32, #tpu.memory_space<hbm>> -> memref<128xi32, #tpu.memory_space<hbm>>
      %dma_start3A_133 = tpu.memref_slice %arg3[%add3A_126] : memref<320000xi32, #tpu.memory_space<hbm>> -> memref<128xi32, #tpu.memory_space<hbm>>
      tpu.enqueue_dma source(%dma_start3A_133 : memref<128xi32, #tpu.memory_space<hbm>>) target(%arg7 : memref<128xi32, #tpu.memory_space<vmem>>) target_semaphore(%arg19 : memref<!tpu.dma_semaphore, #tpu.memory_space<semaphore_mem>>)
      %dma_start3A_134 = arith.constant 0 : i32
      %dma_start3A_135 = tpu.memref_slice %arg2[%add3A_126, %dma_start3A_134] : memref<320000x32xf32, #tpu.memory_space<hbm>> -> memref<128x32xf32, #tpu.memory_space<hbm>>
      %dma_start3A_136 = arith.constant 0 : i32
      %dma_start3A_137 = tpu.memref_slice %arg2[%add3A_126, %dma_start3A_136] : memref<320000x32xf32, #tpu.memory_space<hbm>> -> memref<128x32xf32, #tpu.memory_space<hbm>>
      tpu.enqueue_dma source(%dma_start3A_137 : memref<128x32xf32, #tpu.memory_space<hbm>>) target(%arg15 : memref<128x32xf32, #tpu.memory_space<vmem>>) target_semaphore(%arg19 : memref<!tpu.dma_semaphore, #tpu.memory_space<semaphore_mem>>)
      %mul3A_138 = arith.constant 4 : i32
      %mul3A_139 = arith.muli %scan3A_85, %mul3A_138 : i32
      %add3A_140 = arith.constant 3 : i32
      %add3A_141 = arith.addi %mul3A_139, %add3A_140 : i32
      %mul3A_142 = arith.constant 128 : i32
      %mul3A_143 = arith.muli %add3A_141, %mul3A_142 : i32
      %add3A_144 = arith.addi %mul3A_0, %mul3A_143 : i32
      %gt3A_145 = arith.constant 0 : i32
      %gt3A_146 = arith.cmpi sgt, %scan3A_85, %gt3A_145 : i32
      %convert_element_type3A_147 = arith.extui %gt3A_146 : i1 to i32
      %cond3A_148 = arith.constant 0 : i32
      %cond3A_149 = arith.cmpi ne, %convert_element_type3A_147, %cond3A_148 : i32
      scf.if %cond3A_149 {
        %dma_wait3A_221 = arith.constant 0 : i32
        %dma_wait3A_222 = arith.constant 0 : i32
        %dma_wait3A_223 = tpu.memref_slice %arg28[%dma_wait3A_221, %dma_wait3A_222] : memref<5008x32xf32, #tpu.memory_space<vmem_shared>> -> memref<5008x32xf32, #tpu.memory_space<vmem_shared>>
        tpu.wait_indirect_dma semaphore(%arg24 : memref<!tpu.dma_semaphore, #tpu.memory_space<semaphore_mem>>) src(%arg16 : memref<128x32xf32, #tpu.memory_space<vmem>>) dst(%dma_wait3A_223 : memref<5008x32xf32, #tpu.memory_space<vmem_shared>>)
      } else {
      }
      %dma_start3A_150 = tpu.memref_slice %arg3[%add3A_144] : memref<320000xi32, #tpu.memory_space<hbm>> -> memref<128xi32, #tpu.memory_space<hbm>>
      %dma_start3A_151 = tpu.memref_slice %arg3[%add3A_144] : memref<320000xi32, #tpu.memory_space<hbm>> -> memref<128xi32, #tpu.memory_space<hbm>>
      tpu.enqueue_dma source(%dma_start3A_151 : memref<128xi32, #tpu.memory_space<hbm>>) target(%arg8 : memref<128xi32, #tpu.memory_space<vmem>>) target_semaphore(%arg20 : memref<!tpu.dma_semaphore, #tpu.memory_space<semaphore_mem>>)
      %dma_start3A_152 = arith.constant 0 : i32
      %dma_start3A_153 = tpu.memref_slice %arg2[%add3A_144, %dma_start3A_152] : memref<320000x32xf32, #tpu.memory_space<hbm>> -> memref<128x32xf32, #tpu.memory_space<hbm>>
      %dma_start3A_154 = arith.constant 0 : i32
      %dma_start3A_155 = tpu.memref_slice %arg2[%add3A_144, %dma_start3A_154] : memref<320000x32xf32, #tpu.memory_space<hbm>> -> memref<128x32xf32, #tpu.memory_space<hbm>>
      tpu.enqueue_dma source(%dma_start3A_155 : memref<128x32xf32, #tpu.memory_space<hbm>>) target(%arg16 : memref<128x32xf32, #tpu.memory_space<vmem>>) target_semaphore(%arg20 : memref<!tpu.dma_semaphore, #tpu.memory_space<semaphore_mem>>)
      %dma_wait3A_156 = tpu.memref_slice %arg3[%add3A_93] : memref<320000xi32, #tpu.memory_space<hbm>> -> memref<128xi32, #tpu.memory_space<hbm>>
      %dma_wait3A_157 = tpu.memref_slice %arg3[%add3A_93] : memref<320000xi32, #tpu.memory_space<hbm>> -> memref<128xi32, #tpu.memory_space<hbm>>
      tpu.wait_dma2 semaphore(%arg17 : memref<!tpu.dma_semaphore, #tpu.memory_space<semaphore_mem>>) src(%dma_wait3A_157 : memref<128xi32, #tpu.memory_space<hbm>>) dst(%arg5 : memref<128xi32, #tpu.memory_space<vmem>>)
      %dma_wait3A_158 = arith.constant 0 : i32
      %dma_wait3A_159 = tpu.memref_slice %arg2[%add3A_93, %dma_wait3A_158] : memref<320000x32xf32, #tpu.memory_space<hbm>> -> memref<128x32xf32, #tpu.memory_space<hbm>>
      %dma_wait3A_160 = arith.constant 0 : i32
      %dma_wait3A_161 = tpu.memref_slice %arg2[%add3A_93, %dma_wait3A_160] : memref<320000x32xf32, #tpu.memory_space<hbm>> -> memref<128x32xf32, #tpu.memory_space<hbm>>
      tpu.wait_dma2 semaphore(%arg17 : memref<!tpu.dma_semaphore, #tpu.memory_space<semaphore_mem>>) src(%dma_wait3A_161 : memref<128x32xf32, #tpu.memory_space<hbm>>) dst(%arg13 : memref<128x32xf32, #tpu.memory_space<vmem>>)
      %scan3A_162 = arith.constant 0 : i32
      %scan3A_163 = arith.constant 0 : i32
      %scan3A_164 = arith.constant 8 : i32
      %scan3A_165 = arith.addi %scan3A_163, %scan3A_164 : i32
      %scan3A_166 = arith.constant 1 : i32
      %scan3A_167 = scf.for %scan3A_221 = %scan3A_163 to %scan3A_165 step %scan3A_166 iter_args(%scan3A_222 = %scan3A_162) -> (i32)  : i32 {
        %mul3A_223 = arith.constant 16 : i32
        %mul3A_224 = arith.muli %scan3A_221, %mul3A_223 : i32
        %get3A = arith.index_cast %mul3A_224 : i32 to index
        %get3A_225 = tpu.vector_load %arg5[%get3A] {strides = array<i32>} : memref<128xi32, #tpu.memory_space<vmem>>, vector<16xi32>,
        %get3A_226 = vector.shape_cast %get3A_225 : vector<16xi32> to vector<16xi32>
        %sub3A = vector.broadcast %mul3A_2 : i32 to vector<16xi32>
        %sub3A_227 = arith.subi %get3A_226, %sub3A : vector<16xi32>
        %ge3A = arith.constant 0 : i32
        %ge3A_228 = vector.broadcast %ge3A : i32 to vector<16xi32>
        %ge3A_229 = arith.cmpi sge, %sub3A_227, %ge3A_228 : vector<16xi32>
        %lt3A = arith.constant 5000 : i32
        %lt3A_230 = vector.broadcast %lt3A : i32 to vector<16xi32>
        %lt3A_231 = arith.cmpi slt, %sub3A_227, %lt3A_230 : vector<16xi32>
        %and3A = arith.andi %ge3A_229, %lt3A_231 : vector<16xi1>
        %jit3A = arith.constant 5000 : i32
        %broadcast_in_dim3A = vector.broadcast %jit3A : i32 to vector<16xi32>
        %select_n3A = arith.select %and3A, %sub3A_227, %broadcast_in_dim3A : vector<16xi1>, vector<16xi32>
        %mul3A_232 = arith.constant 16 : i32
        %mul3A_233 = arith.muli %scan3A_221, %mul3A_232 : i32
        %swap3A = arith.index_cast %mul3A_233 : i32 to index
        %swap3A_234 = tpu.vector_load %arg9[%swap3A] {strides = array<i32>} : memref<128xi32, #tpu.memory_space<vmem>>, vector<16xi32>,
        %swap3A_235 = vector.shape_cast %swap3A_234 : vector<16xi32> to vector<16xi32>
        %swap3A_236 = vector.shape_cast %select_n3A : vector<16xi32> to vector<16xi32>
        tpu.vector_store %arg9[%swap3A], %swap3A_236 {strides = array<i32>} : memref<128xi32, #tpu.memory_space<vmem>>, vector<16xi32>,
        %scan3A_237 = arith.constant 0 : i32
        scf.yield %scan3A_237 : i32
      }
      %scan3A_168 = arith.constant 8 : i32
      %dma_start3A_169 = arith.constant 0 : i32
      %dma_start3A_170 = arith.constant 0 : i32
      %dma_start3A_171 = tpu.memref_slice %arg28[%dma_start3A_169, %dma_start3A_170] : memref<5008x32xf32, #tpu.memory_space<vmem_shared>> -> memref<5008x32xf32, #tpu.memory_space<vmem_shared>>
      tpu.enqueue_indirect_dma source(%arg13 : memref<128x32xf32, #tpu.memory_space<vmem>>) target(%dma_start3A_171 : memref<5008x32xf32, #tpu.memory_space<vmem_shared>>) offsets(%arg9 : memref<128xi32, #tpu.memory_space<vmem>>) semaphore(%arg21 : memref<!tpu.dma_semaphore, #tpu.memory_space<semaphore_mem>>) {add = true}
      %dma_wait3A_172 = tpu.memref_slice %arg3[%add3A_108] : memref<320000xi32, #tpu.memory_space<hbm>> -> memref<128xi32, #tpu.memory_space<hbm>>
      %dma_wait3A_173 = tpu.memref_slice %arg3[%add3A_108] : memref<320000xi32, #tpu.memory_space<hbm>> -> memref<128xi32, #tpu.memory_space<hbm>>
      tpu.wait_dma2 semaphore(%arg18 : memref<!tpu.dma_semaphore, #tpu.memory_space<semaphore_mem>>) src(%dma_wait3A_173 : memref<128xi32, #tpu.memory_space<hbm>>) dst(%arg6 : memref<128xi32, #tpu.memory_space<vmem>>)
      %dma_wait3A_174 = arith.constant 0 : i32
      %dma_wait3A_175 = tpu.memref_slice %arg2[%add3A_108, %dma_wait3A_174] : memref<320000x32xf32, #tpu.memory_space<hbm>> -> memref<128x32xf32, #tpu.memory_space<hbm>>
      %dma_wait3A_176 = arith.constant 0 : i32
      %dma_wait3A_177 = tpu.memref_slice %arg2[%add3A_108, %dma_wait3A_176] : memref<320000x32xf32, #tpu.memory_space<hbm>> -> memref<128x32xf32, #tpu.memory_space<hbm>>
      tpu.wait_dma2 semaphore(%arg18 : memref<!tpu.dma_semaphore, #tpu.memory_space<semaphore_mem>>) src(%dma_wait3A_177 : memref<128x32xf32, #tpu.memory_space<hbm>>) dst(%arg14 : memref<128x32xf32, #tpu.memory_space<vmem>>)
      %scan3A_178 = arith.constant 0 : i32
      %scan3A_179 = arith.constant 0 : i32
      %scan3A_180 = arith.constant 8 : i32
      %scan3A_181 = arith.addi %scan3A_179, %scan3A_180 : i32
      %scan3A_182 = arith.constant 1 : i32
      %scan3A_183 = scf.for %scan3A_221 = %scan3A_179 to %scan3A_181 step %scan3A_182 iter_args(%scan3A_222 = %scan3A_178) -> (i32)  : i32 {
        %mul3A_223 = arith.constant 16 : i32
        %mul3A_224 = arith.muli %scan3A_221, %mul3A_223 : i32
        %get3A = arith.index_cast %mul3A_224 : i32 to index
        %get3A_225 = tpu.vector_load %arg6[%get3A] {strides = array<i32>} : memref<128xi32, #tpu.memory_space<vmem>>, vector<16xi32>,
        %get3A_226 = vector.shape_cast %get3A_225 : vector<16xi32> to vector<16xi32>
        %sub3A = vector.broadcast %mul3A_2 : i32 to vector<16xi32>
        %sub3A_227 = arith.subi %get3A_226, %sub3A : vector<16xi32>
        %ge3A = arith.constant 0 : i32
        %ge3A_228 = vector.broadcast %ge3A : i32 to vector<16xi32>
        %ge3A_229 = arith.cmpi sge, %sub3A_227, %ge3A_228 : vector<16xi32>
        %lt3A = arith.constant 5000 : i32
        %lt3A_230 = vector.broadcast %lt3A : i32 to vector<16xi32>
        %lt3A_231 = arith.cmpi slt, %sub3A_227, %lt3A_230 : vector<16xi32>
        %and3A = arith.andi %ge3A_229, %lt3A_231 : vector<16xi1>
        %jit3A = arith.constant 5000 : i32
        %broadcast_in_dim3A = vector.broadcast %jit3A : i32 to vector<16xi32>
        %select_n3A = arith.select %and3A, %sub3A_227, %broadcast_in_dim3A : vector<16xi1>, vector<16xi32>
        %mul3A_232 = arith.constant 16 : i32
        %mul3A_233 = arith.muli %scan3A_221, %mul3A_232 : i32
        %swap3A = arith.index_cast %mul3A_233 : i32 to index
        %swap3A_234 = tpu.vector_load %arg10[%swap3A] {strides = array<i32>} : memref<128xi32, #tpu.memory_space<vmem>>, vector<16xi32>,
        %swap3A_235 = vector.shape_cast %swap3A_234 : vector<16xi32> to vector<16xi32>
        %swap3A_236 = vector.shape_cast %select_n3A : vector<16xi32> to vector<16xi32>
        tpu.vector_store %arg10[%swap3A], %swap3A_236 {strides = array<i32>} : memref<128xi32, #tpu.memory_space<vmem>>, vector<16xi32>,
        %scan3A_237 = arith.constant 0 : i32
        scf.yield %scan3A_237 : i32
      }
      %scan3A_184 = arith.constant 8 : i32
      %dma_start3A_185 = arith.constant 0 : i32
      %dma_start3A_186 = arith.constant 0 : i32
      %dma_start3A_187 = tpu.memref_slice %arg28[%dma_start3A_185, %dma_start3A_186] : memref<5008x32xf32, #tpu.memory_space<vmem_shared>> -> memref<5008x32xf32, #tpu.memory_space<vmem_shared>>
      tpu.enqueue_indirect_dma source(%arg14 : memref<128x32xf32, #tpu.memory_space<vmem>>) target(%dma_start3A_187 : memref<5008x32xf32, #tpu.memory_space<vmem_shared>>) offsets(%arg10 : memref<128xi32, #tpu.memory_space<vmem>>) semaphore(%arg22 : memref<!tpu.dma_semaphore, #tpu.memory_space<semaphore_mem>>) {add = true}
      %dma_wait3A_188 = tpu.memref_slice %arg3[%add3A_126] : memref<320000xi32, #tpu.memory_space<hbm>> -> memref<128xi32, #tpu.memory_space<hbm>>
      %dma_wait3A_189 = tpu.memref_slice %arg3[%add3A_126] : memref<320000xi32, #tpu.memory_space<hbm>> -> memref<128xi32, #tpu.memory_space<hbm>>
      tpu.wait_dma2 semaphore(%arg19 : memref<!tpu.dma_semaphore, #tpu.memory_space<semaphore_mem>>) src(%dma_wait3A_189 : memref<128xi32, #tpu.memory_space<hbm>>) dst(%arg7 : memref<128xi32, #tpu.memory_space<vmem>>)
      %dma_wait3A_190 = arith.constant 0 : i32
      %dma_wait3A_191 = tpu.memref_slice %arg2[%add3A_126, %dma_wait3A_190] : memref<320000x32xf32, #tpu.memory_space<hbm>> -> memref<128x32xf32, #tpu.memory_space<hbm>>
      %dma_wait3A_192 = arith.constant 0 : i32
      %dma_wait3A_193 = tpu.memref_slice %arg2[%add3A_126, %dma_wait3A_192] : memref<320000x32xf32, #tpu.memory_space<hbm>> -> memref<128x32xf32, #tpu.memory_space<hbm>>
      tpu.wait_dma2 semaphore(%arg19 : memref<!tpu.dma_semaphore, #tpu.memory_space<semaphore_mem>>) src(%dma_wait3A_193 : memref<128x32xf32, #tpu.memory_space<hbm>>) dst(%arg15 : memref<128x32xf32, #tpu.memory_space<vmem>>)
      %scan3A_194 = arith.constant 0 : i32
      %scan3A_195 = arith.constant 0 : i32
      %scan3A_196 = arith.constant 8 : i32
      %scan3A_197 = arith.addi %scan3A_195, %scan3A_196 : i32
      %scan3A_198 = arith.constant 1 : i32
      %scan3A_199 = scf.for %scan3A_221 = %scan3A_195 to %scan3A_197 step %scan3A_198 iter_args(%scan3A_222 = %scan3A_194) -> (i32)  : i32 {
        %mul3A_223 = arith.constant 16 : i32
        %mul3A_224 = arith.muli %scan3A_221, %mul3A_223 : i32
        %get3A = arith.index_cast %mul3A_224 : i32 to index
        %get3A_225 = tpu.vector_load %arg7[%get3A] {strides = array<i32>} : memref<128xi32, #tpu.memory_space<vmem>>, vector<16xi32>,
        %get3A_226 = vector.shape_cast %get3A_225 : vector<16xi32> to vector<16xi32>
        %sub3A = vector.broadcast %mul3A_2 : i32 to vector<16xi32>
        %sub3A_227 = arith.subi %get3A_226, %sub3A : vector<16xi32>
        %ge3A = arith.constant 0 : i32
        %ge3A_228 = vector.broadcast %ge3A : i32 to vector<16xi32>
        %ge3A_229 = arith.cmpi sge, %sub3A_227, %ge3A_228 : vector<16xi32>
        %lt3A = arith.constant 5000 : i32
        %lt3A_230 = vector.broadcast %lt3A : i32 to vector<16xi32>
        %lt3A_231 = arith.cmpi slt, %sub3A_227, %lt3A_230 : vector<16xi32>
        %and3A = arith.andi %ge3A_229, %lt3A_231 : vector<16xi1>
        %jit3A = arith.constant 5000 : i32
        %broadcast_in_dim3A = vector.broadcast %jit3A : i32 to vector<16xi32>
        %select_n3A = arith.select %and3A, %sub3A_227, %broadcast_in_dim3A : vector<16xi1>, vector<16xi32>
        %mul3A_232 = arith.constant 16 : i32
        %mul3A_233 = arith.muli %scan3A_221, %mul3A_232 : i32
        %swap3A = arith.index_cast %mul3A_233 : i32 to index
        %swap3A_234 = tpu.vector_load %arg11[%swap3A] {strides = array<i32>} : memref<128xi32, #tpu.memory_space<vmem>>, vector<16xi32>,
        %swap3A_235 = vector.shape_cast %swap3A_234 : vector<16xi32> to vector<16xi32>
        %swap3A_236 = vector.shape_cast %select_n3A : vector<16xi32> to vector<16xi32>
        tpu.vector_store %arg11[%swap3A], %swap3A_236 {strides = array<i32>} : memref<128xi32, #tpu.memory_space<vmem>>, vector<16xi32>,
        %scan3A_237 = arith.constant 0 : i32
        scf.yield %scan3A_237 : i32
      }
      %scan3A_200 = arith.constant 8 : i32
      %dma_start3A_201 = arith.constant 0 : i32
      %dma_start3A_202 = arith.constant 0 : i32
      %dma_start3A_203 = tpu.memref_slice %arg28[%dma_start3A_201, %dma_start3A_202] : memref<5008x32xf32, #tpu.memory_space<vmem_shared>> -> memref<5008x32xf32, #tpu.memory_space<vmem_shared>>
      tpu.enqueue_indirect_dma source(%arg15 : memref<128x32xf32, #tpu.memory_space<vmem>>) target(%dma_start3A_203 : memref<5008x32xf32, #tpu.memory_space<vmem_shared>>) offsets(%arg11 : memref<128xi32, #tpu.memory_space<vmem>>) semaphore(%arg23 : memref<!tpu.dma_semaphore, #tpu.memory_space<semaphore_mem>>) {add = true}
      %dma_wait3A_204 = tpu.memref_slice %arg3[%add3A_144] : memref<320000xi32, #tpu.memory_space<hbm>> -> memref<128xi32, #tpu.memory_space<hbm>>
      %dma_wait3A_205 = tpu.memref_slice %arg3[%add3A_144] : memref<320000xi32, #tpu.memory_space<hbm>> -> memref<128xi32, #tpu.memory_space<hbm>>
      tpu.wait_dma2 semaphore(%arg20 : memref<!tpu.dma_semaphore, #tpu.memory_space<semaphore_mem>>) src(%dma_wait3A_205 : memref<128xi32, #tpu.memory_space<hbm>>) dst(%arg8 : memref<128xi32, #tpu.memory_space<vmem>>)
      %dma_wait3A_206 = arith.constant 0 : i32
      %dma_wait3A_207 = tpu.memref_slice %arg2[%add3A_144, %dma_wait3A_206] : memref<320000x32xf32, #tpu.memory_space<hbm>> -> memref<128x32xf32, #tpu.memory_space<hbm>>
      %dma_wait3A_208 = arith.constant 0 : i32
      %dma_wait3A_209 = tpu.memref_slice %arg2[%add3A_144, %dma_wait3A_208] : memref<320000x32xf32, #tpu.memory_space<hbm>> -> memref<128x32xf32, #tpu.memory_space<hbm>>
      tpu.wait_dma2 semaphore(%arg20 : memref<!tpu.dma_semaphore, #tpu.memory_space<semaphore_mem>>) src(%dma_wait3A_209 : memref<128x32xf32, #tpu.memory_space<hbm>>) dst(%arg16 : memref<128x32xf32, #tpu.memory_space<vmem>>)
      %scan3A_210 = arith.constant 0 : i32
      %scan3A_211 = arith.constant 0 : i32
      %scan3A_212 = arith.constant 8 : i32
      %scan3A_213 = arith.addi %scan3A_211, %scan3A_212 : i32
      %scan3A_214 = arith.constant 1 : i32
      %scan3A_215 = scf.for %scan3A_221 = %scan3A_211 to %scan3A_213 step %scan3A_214 iter_args(%scan3A_222 = %scan3A_210) -> (i32)  : i32 {
        %mul3A_223 = arith.constant 16 : i32
        %mul3A_224 = arith.muli %scan3A_221, %mul3A_223 : i32
        %get3A = arith.index_cast %mul3A_224 : i32 to index
        %get3A_225 = tpu.vector_load %arg8[%get3A] {strides = array<i32>} : memref<128xi32, #tpu.memory_space<vmem>>, vector<16xi32>,
        %get3A_226 = vector.shape_cast %get3A_225 : vector<16xi32> to vector<16xi32>
        %sub3A = vector.broadcast %mul3A_2 : i32 to vector<16xi32>
        %sub3A_227 = arith.subi %get3A_226, %sub3A : vector<16xi32>
        %ge3A = arith.constant 0 : i32
        %ge3A_228 = vector.broadcast %ge3A : i32 to vector<16xi32>
        %ge3A_229 = arith.cmpi sge, %sub3A_227, %ge3A_228 : vector<16xi32>
        %lt3A = arith.constant 5000 : i32
        %lt3A_230 = vector.broadcast %lt3A : i32 to vector<16xi32>
        %lt3A_231 = arith.cmpi slt, %sub3A_227, %lt3A_230 : vector<16xi32>
        %and3A = arith.andi %ge3A_229, %lt3A_231 : vector<16xi1>
        %jit3A = arith.constant 5000 : i32
        %broadcast_in_dim3A = vector.broadcast %jit3A : i32 to vector<16xi32>
        %select_n3A = arith.select %and3A, %sub3A_227, %broadcast_in_dim3A : vector<16xi1>, vector<16xi32>
        %mul3A_232 = arith.constant 16 : i32
        %mul3A_233 = arith.muli %scan3A_221, %mul3A_232 : i32
        %swap3A = arith.index_cast %mul3A_233 : i32 to index
        %swap3A_234 = tpu.vector_load %arg12[%swap3A] {strides = array<i32>} : memref<128xi32, #tpu.memory_space<vmem>>, vector<16xi32>,
        %swap3A_235 = vector.shape_cast %swap3A_234 : vector<16xi32> to vector<16xi32>
        %swap3A_236 = vector.shape_cast %select_n3A : vector<16xi32> to vector<16xi32>
        tpu.vector_store %arg12[%swap3A], %swap3A_236 {strides = array<i32>} : memref<128xi32, #tpu.memory_space<vmem>>, vector<16xi32>,
        %scan3A_237 = arith.constant 0 : i32
        scf.yield %scan3A_237 : i32
      }
      %scan3A_216 = arith.constant 8 : i32
      %dma_start3A_217 = arith.constant 0 : i32
      %dma_start3A_218 = arith.constant 0 : i32
      %dma_start3A_219 = tpu.memref_slice %arg28[%dma_start3A_217, %dma_start3A_218] : memref<5008x32xf32, #tpu.memory_space<vmem_shared>> -> memref<5008x32xf32, #tpu.memory_space<vmem_shared>>
      tpu.enqueue_indirect_dma source(%arg16 : memref<128x32xf32, #tpu.memory_space<vmem>>) target(%dma_start3A_219 : memref<5008x32xf32, #tpu.memory_space<vmem_shared>>) offsets(%arg12 : memref<128xi32, #tpu.memory_space<vmem>>) semaphore(%arg24 : memref<!tpu.dma_semaphore, #tpu.memory_space<semaphore_mem>>) {add = true}
      %scan3A_220 = arith.constant 0 : i32
      scf.yield %scan3A_220 : i32
    }
    %scan3A_22 = arith.constant 39 : i32
    %add3A = arith.constant 19968 : i32
    %add3A_23 = arith.addi %mul3A_0, %add3A : i32
    %dma_wait3A = arith.constant 0 : i32
    %dma_wait3A_24 = arith.constant 0 : i32
    %dma_wait3A_25 = tpu.memref_slice %arg28[%dma_wait3A, %dma_wait3A_24] : memref<5008x32xf32, #tpu.memory_space<vmem_shared>> -> memref<5008x32xf32, #tpu.memory_space<vmem_shared>>
    tpu.wait_indirect_dma semaphore(%arg21 : memref<!tpu.dma_semaphore, #tpu.memory_space<semaphore_mem>>) src(%arg13 : memref<128x32xf32, #tpu.memory_space<vmem>>) dst(%dma_wait3A_25 : memref<5008x32xf32, #tpu.memory_space<vmem_shared>>)
    %dma_start3A = tpu.memref_slice %arg3[%add3A_23] : memref<320000xi32, #tpu.memory_space<hbm>> -> memref<32xi32, #tpu.memory_space<hbm>>
    %dma_start3A_26 = tpu.memref_slice %arg3[%add3A_23] : memref<320000xi32, #tpu.memory_space<hbm>> -> memref<32xi32, #tpu.memory_space<hbm>>
    tpu.enqueue_dma source(%dma_start3A_26 : memref<32xi32, #tpu.memory_space<hbm>>) target(%arg25 : memref<32xi32, #tpu.memory_space<vmem>>) target_semaphore(%arg17 : memref<!tpu.dma_semaphore, #tpu.memory_space<semaphore_mem>>)
    %dma_start3A_27 = arith.constant 0 : i32
    %dma_start3A_28 = arith.constant 0 : i32
    %dma_start3A_29 = tpu.memref_slice %arg13[%dma_start3A_27, %dma_start3A_28] : memref<128x32xf32, #tpu.memory_space<vmem>> -> memref<32x32xf32, #tpu.memory_space<vmem>>
    %dma_start3A_30 = arith.constant 0 : i32
    %dma_start3A_31 = tpu.memref_slice %arg2[%add3A_23, %dma_start3A_30] : memref<320000x32xf32, #tpu.memory_space<hbm>> -> memref<32x32xf32, #tpu.memory_space<hbm>>
    %dma_start3A_32 = arith.constant 0 : i32
    %dma_start3A_33 = arith.constant 0 : i32
    %dma_start3A_34 = tpu.memref_slice %arg13[%dma_start3A_32, %dma_start3A_33] : memref<128x32xf32, #tpu.memory_space<vmem>> -> memref<32x32xf32, #tpu.memory_space<vmem>>
    %dma_start3A_35 = arith.constant 0 : i32
    %dma_start3A_36 = tpu.memref_slice %arg2[%add3A_23, %dma_start3A_35] : memref<320000x32xf32, #tpu.memory_space<hbm>> -> memref<32x32xf32, #tpu.memory_space<hbm>>
    tpu.enqueue_dma source(%dma_start3A_36 : memref<32x32xf32, #tpu.memory_space<hbm>>) target(%dma_start3A_34 : memref<32x32xf32, #tpu.memory_space<vmem>>) target_semaphore(%arg17 : memref<!tpu.dma_semaphore, #tpu.memory_space<semaphore_mem>>)
    %dma_wait3A_37 = tpu.memref_slice %arg3[%add3A_23] : memref<320000xi32, #tpu.memory_space<hbm>> -> memref<32xi32, #tpu.memory_space<hbm>>
    %dma_wait3A_38 = tpu.memref_slice %arg3[%add3A_23] : memref<320000xi32, #tpu.memory_space<hbm>> -> memref<32xi32, #tpu.memory_space<hbm>>
    tpu.wait_dma2 semaphore(%arg17 : memref<!tpu.dma_semaphore, #tpu.memory_space<semaphore_mem>>) src(%dma_wait3A_38 : memref<32xi32, #tpu.memory_space<hbm>>) dst(%arg25 : memref<32xi32, #tpu.memory_space<vmem>>)
    %dma_wait3A_39 = arith.constant 0 : i32
    %dma_wait3A_40 = arith.constant 0 : i32
    %dma_wait3A_41 = tpu.memref_slice %arg13[%dma_wait3A_39, %dma_wait3A_40] : memref<128x32xf32, #tpu.memory_space<vmem>> -> memref<32x32xf32, #tpu.memory_space<vmem>>
    %dma_wait3A_42 = arith.constant 0 : i32
    %dma_wait3A_43 = tpu.memref_slice %arg2[%add3A_23, %dma_wait3A_42] : memref<320000x32xf32, #tpu.memory_space<hbm>> -> memref<32x32xf32, #tpu.memory_space<hbm>>
    %dma_wait3A_44 = arith.constant 0 : i32
    %dma_wait3A_45 = arith.constant 0 : i32
    %dma_wait3A_46 = tpu.memref_slice %arg13[%dma_wait3A_44, %dma_wait3A_45] : memref<128x32xf32, #tpu.memory_space<vmem>> -> memref<32x32xf32, #tpu.memory_space<vmem>>
    %dma_wait3A_47 = arith.constant 0 : i32
    %dma_wait3A_48 = tpu.memref_slice %arg2[%add3A_23, %dma_wait3A_47] : memref<320000x32xf32, #tpu.memory_space<hbm>> -> memref<32x32xf32, #tpu.memory_space<hbm>>
    tpu.wait_dma2 semaphore(%arg17 : memref<!tpu.dma_semaphore, #tpu.memory_space<semaphore_mem>>) src(%dma_wait3A_48 : memref<32x32xf32, #tpu.memory_space<hbm>>) dst(%dma_wait3A_46 : memref<32x32xf32, #tpu.memory_space<vmem>>)
    %scan3A_49 = arith.constant 0 : i32
    %scan3A_50 = arith.constant 0 : i32
    %scan3A_51 = arith.constant 2 : i32
    %scan3A_52 = arith.addi %scan3A_50, %scan3A_51 : i32
    %scan3A_53 = arith.constant 1 : i32
    %scan3A_54 = scf.for %scan3A_85 = %scan3A_50 to %scan3A_52 step %scan3A_53 iter_args(%scan3A_86 = %scan3A_49) -> (i32)  : i32 {
      %mul3A_87 = arith.constant 16 : i32
      %mul3A_88 = arith.muli %scan3A_85, %mul3A_87 : i32
      %get3A = arith.index_cast %mul3A_88 : i32 to index
      %get3A_89 = tpu.vector_load %arg25[%get3A] {strides = array<i32>} : memref<32xi32, #tpu.memory_space<vmem>>, vector<16xi32>,
      %get3A_90 = vector.shape_cast %get3A_89 : vector<16xi32> to vector<16xi32>
      %sub3A = vector.broadcast %mul3A_2 : i32 to vector<16xi32>
      %sub3A_91 = arith.subi %get3A_90, %sub3A : vector<16xi32>
      %ge3A = arith.constant 0 : i32
      %ge3A_92 = vector.broadcast %ge3A : i32 to vector<16xi32>
      %ge3A_93 = arith.cmpi sge, %sub3A_91, %ge3A_92 : vector<16xi32>
      %lt3A = arith.constant 5000 : i32
      %lt3A_94 = vector.broadcast %lt3A : i32 to vector<16xi32>
      %lt3A_95 = arith.cmpi slt, %sub3A_91, %lt3A_94 : vector<16xi32>
      %and3A = arith.andi %ge3A_93, %lt3A_95 : vector<16xi1>
      %jit3A = arith.constant 5000 : i32
      %broadcast_in_dim3A = vector.broadcast %jit3A : i32 to vector<16xi32>
      %select_n3A = arith.select %and3A, %sub3A_91, %broadcast_in_dim3A : vector<16xi1>, vector<16xi32>
      %mul3A_96 = arith.constant 16 : i32
      %mul3A_97 = arith.muli %scan3A_85, %mul3A_96 : i32
      %swap3A = arith.index_cast %mul3A_97 : i32 to index
      %swap3A_98 = tpu.vector_load %arg26[%swap3A] {strides = array<i32>} : memref<32xi32, #tpu.memory_space<vmem>>, vector<16xi32>,
      %swap3A_99 = vector.shape_cast %swap3A_98 : vector<16xi32> to vector<16xi32>
      %swap3A_100 = vector.shape_cast %select_n3A : vector<16xi32> to vector<16xi32>
      tpu.vector_store %arg26[%swap3A], %swap3A_100 {strides = array<i32>} : memref<32xi32, #tpu.memory_space<vmem>>, vector<16xi32>,
      %scan3A_101 = arith.constant 0 : i32
      scf.yield %scan3A_101 : i32
    }
    %scan3A_55 = arith.constant 2 : i32
    %dma_start3A_56 = arith.constant 0 : i32
    %dma_start3A_57 = arith.constant 0 : i32
    %dma_start3A_58 = tpu.memref_slice %arg13[%dma_start3A_56, %dma_start3A_57] : memref<128x32xf32, #tpu.memory_space<vmem>> -> memref<32x32xf32, #tpu.memory_space<vmem>>
    %dma_start3A_59 = arith.constant 0 : i32
    %dma_start3A_60 = arith.constant 0 : i32
    %dma_start3A_61 = tpu.memref_slice %arg28[%dma_start3A_59, %dma_start3A_60] : memref<5008x32xf32, #tpu.memory_space<vmem_shared>> -> memref<5008x32xf32, #tpu.memory_space<vmem_shared>>
    tpu.enqueue_indirect_dma source(%dma_start3A_58 : memref<32x32xf32, #tpu.memory_space<vmem>>) target(%dma_start3A_61 : memref<5008x32xf32, #tpu.memory_space<vmem_shared>>) offsets(%arg26 : memref<32xi32, #tpu.memory_space<vmem>>) semaphore(%arg21 : memref<!tpu.dma_semaphore, #tpu.memory_space<semaphore_mem>>) {add = true}
    %dma_wait3A_62 = arith.constant 0 : i32
    %dma_wait3A_63 = arith.constant 0 : i32
    %dma_wait3A_64 = tpu.memref_slice %arg13[%dma_wait3A_62, %dma_wait3A_63] : memref<128x32xf32, #tpu.memory_space<vmem>> -> memref<32x32xf32, #tpu.memory_space<vmem>>
    %dma_wait3A_65 = arith.constant 0 : i32
    %dma_wait3A_66 = arith.constant 0 : i32
    %dma_wait3A_67 = tpu.memref_slice %arg28[%dma_wait3A_65, %dma_wait3A_66] : memref<5008x32xf32, #tpu.memory_space<vmem_shared>> -> memref<5008x32xf32, #tpu.memory_space<vmem_shared>>
    tpu.wait_indirect_dma semaphore(%arg21 : memref<!tpu.dma_semaphore, #tpu.memory_space<semaphore_mem>>) src(%dma_wait3A_64 : memref<32x32xf32, #tpu.memory_space<vmem>>) dst(%dma_wait3A_67 : memref<5008x32xf32, #tpu.memory_space<vmem_shared>>)
    %dma_wait3A_68 = arith.constant 0 : i32
    %dma_wait3A_69 = arith.constant 0 : i32
    %dma_wait3A_70 = tpu.memref_slice %arg28[%dma_wait3A_68, %dma_wait3A_69] : memref<5008x32xf32, #tpu.memory_space<vmem_shared>> -> memref<5008x32xf32, #tpu.memory_space<vmem_shared>>
    tpu.wait_indirect_dma semaphore(%arg22 : memref<!tpu.dma_semaphore, #tpu.memory_space<semaphore_mem>>) src(%arg14 : memref<128x32xf32, #tpu.memory_space<vmem>>) dst(%dma_wait3A_70 : memref<5008x32xf32, #tpu.memory_space<vmem_shared>>)
    %dma_wait3A_71 = arith.constant 0 : i32
    %dma_wait3A_72 = arith.constant 0 : i32
    %dma_wait3A_73 = tpu.memref_slice %arg28[%dma_wait3A_71, %dma_wait3A_72] : memref<5008x32xf32, #tpu.memory_space<vmem_shared>> -> memref<5008x32xf32, #tpu.memory_space<vmem_shared>>
    tpu.wait_indirect_dma semaphore(%arg23 : memref<!tpu.dma_semaphore, #tpu.memory_space<semaphore_mem>>) src(%arg15 : memref<128x32xf32, #tpu.memory_space<vmem>>) dst(%dma_wait3A_73 : memref<5008x32xf32, #tpu.memory_space<vmem_shared>>)
    %dma_wait3A_74 = arith.constant 0 : i32
    %dma_wait3A_75 = arith.constant 0 : i32
    %dma_wait3A_76 = tpu.memref_slice %arg28[%dma_wait3A_74, %dma_wait3A_75] : memref<5008x32xf32, #tpu.memory_space<vmem_shared>> -> memref<5008x32xf32, #tpu.memory_space<vmem_shared>>
    tpu.wait_indirect_dma semaphore(%arg24 : memref<!tpu.dma_semaphore, #tpu.memory_space<semaphore_mem>>) src(%arg16 : memref<128x32xf32, #tpu.memory_space<vmem>>) dst(%dma_wait3A_76 : memref<5008x32xf32, #tpu.memory_space<vmem_shared>>)
    %barrier3A_77 = arith.constant 0 : index
    tpu.barrier barrier_id(%barrier3A_77)
    %scan3A_78 = arith.constant 0 : i32
    %scan3A_79 = arith.constant 0 : i32
    %scan3A_80 = arith.constant 8 : i32
    %scan3A_81 = arith.addi %scan3A_79, %scan3A_80 : i32
    %scan3A_82 = arith.constant 1 : i32
    %scan3A_83 = scf.for %scan3A_85 = %scan3A_79 to %scan3A_81 step %scan3A_82 iter_args(%scan3A_86 = %scan3A_78) -> (i32)  : i32 {
      %mul3A_87 = arith.constant 16 : i32
      %mul3A_88 = arith.muli %scan3A_85, %mul3A_87 : i32
      %add3A_89 = arith.addi %arg1, %mul3A_88 : i32
      %lt3A = arith.constant 125 : i32
      %lt3A_90 = arith.cmpi slt, %add3A_89, %lt3A : i32
      %convert_element_type3A = arith.extui %lt3A_90 : i1 to i32
      %cond3A = arith.constant 0 : i32
      %cond3A_91 = arith.cmpi ne, %convert_element_type3A, %cond3A : i32
      scf.if %cond3A_91 {
        %mul3A_93 = arith.constant 40 : i32
        %mul3A_94 = arith.muli %add3A_89, %mul3A_93 : i32
        "tpu.region"() ({
          %run_scoped3A = tpu.sem_alloc : memref<!tpu.dma_semaphore, #tpu.memory_space<semaphore_mem>>
          %dma_start3A_98 = arith.constant 0 : i32
          %dma_start3A_99 = tpu.memref_slice %arg28[%mul3A_94, %dma_start3A_98] : memref<5008x32xf32, #tpu.memory_space<vmem_shared>> -> memref<40x32xf32, #tpu.memory_space<vmem_shared>>
          %dma_start3A_100 = arith.constant 0 : i32
          %dma_start3A_101 = tpu.memref_slice %arg28[%mul3A_94, %dma_start3A_100] : memref<5008x32xf32, #tpu.memory_space<vmem_shared>> -> memref<40x32xf32, #tpu.memory_space<vmem_shared>>
          tpu.enqueue_dma source(%dma_start3A_101 : memref<40x32xf32, #tpu.memory_space<vmem_shared>>) target(%arg27 : memref<40x32xf32, #tpu.memory_space<vmem>>) target_semaphore(%run_scoped3A : memref<!tpu.dma_semaphore, #tpu.memory_space<semaphore_mem>>)
          %dma_wait3A_102 = arith.constant 0 : i32
          %dma_wait3A_103 = tpu.memref_slice %arg28[%mul3A_94, %dma_wait3A_102] : memref<5008x32xf32, #tpu.memory_space<vmem_shared>> -> memref<40x32xf32, #tpu.memory_space<vmem_shared>>
          %dma_wait3A_104 = arith.constant 0 : i32
          %dma_wait3A_105 = tpu.memref_slice %arg28[%mul3A_94, %dma_wait3A_104] : memref<5008x32xf32, #tpu.memory_space<vmem_shared>> -> memref<40x32xf32, #tpu.memory_space<vmem_shared>>
          tpu.wait_dma2 semaphore(%run_scoped3A : memref<!tpu.dma_semaphore, #tpu.memory_space<semaphore_mem>>) src(%dma_wait3A_105 : memref<40x32xf32, #tpu.memory_space<vmem_shared>>) dst(%arg27 : memref<40x32xf32, #tpu.memory_space<vmem>>)
          tpu.yield
        }) : () -> ()
        %mul3A_95 = arith.constant 40 : i32
        %mul3A_96 = arith.muli %add3A_89, %mul3A_95 : i32
        %add3A_97 = arith.addi %mul3A_2, %mul3A_96 : i32
        "tpu.region"() ({
          %run_scoped3A = tpu.sem_alloc : memref<!tpu.dma_semaphore, #tpu.memory_space<semaphore_mem>>
          %dma_start3A_98 = arith.constant 0 : i32
          %dma_start3A_99 = tpu.memref_slice %arg4[%add3A_97, %dma_start3A_98] : memref<10000x32xf32, #tpu.memory_space<hbm>> -> memref<40x32xf32, #tpu.memory_space<hbm>>
          %dma_start3A_100 = arith.constant 0 : i32
          %dma_start3A_101 = tpu.memref_slice %arg4[%add3A_97, %dma_start3A_100] : memref<10000x32xf32, #tpu.memory_space<hbm>> -> memref<40x32xf32, #tpu.memory_space<hbm>>
          tpu.enqueue_dma source(%arg27 : memref<40x32xf32, #tpu.memory_space<vmem>>) target(%dma_start3A_101 : memref<40x32xf32, #tpu.memory_space<hbm>>) target_semaphore(%run_scoped3A : memref<!tpu.dma_semaphore, #tpu.memory_space<semaphore_mem>>)
          %dma_wait3A_102 = arith.constant 0 : i32
          %dma_wait3A_103 = tpu.memref_slice %arg4[%add3A_97, %dma_wait3A_102] : memref<10000x32xf32, #tpu.memory_space<hbm>> -> memref<40x32xf32, #tpu.memory_space<hbm>>
          %dma_wait3A_104 = arith.constant 0 : i32
          %dma_wait3A_105 = tpu.memref_slice %arg4[%add3A_97, %dma_wait3A_104] : memref<10000x32xf32, #tpu.memory_space<hbm>> -> memref<40x32xf32, #tpu.memory_space<hbm>>
          tpu.wait_dma2 semaphore(%run_scoped3A : memref<!tpu.dma_semaphore, #tpu.memory_space<semaphore_mem>>) src(%arg27 : memref<40x32xf32, #tpu.memory_space<vmem>>) dst(%dma_wait3A_105 : memref<40x32xf32, #tpu.memory_space<hbm>>)
          tpu.yield
        }) : () -> ()
      } else {
      }
      %scan3A_92 = arith.constant 0 : i32
      scf.yield %scan3A_92 : i32
    }
    %scan3A_84 = arith.constant 8 : i32
    return
  }
}

#map = affine_map<(d0, d1) -> (0, 0)>
#map1 = affine_map<(d0, d1) -> (0)>
module attributes {stable_mosaic.version = 14 : i64} {
  func.func @sc_gather(%arg0: i32, %arg1: i32, %arg2: memref<10000x128xf32, #tpu.memory_space<hbm>>, %arg3: memref<10000x128xf32, #tpu.memory_space<hbm>>, %arg4: memref<320000xi32, #tpu.memory_space<hbm>>, %arg5: memref<320000xi32, #tpu.memory_space<hbm>>, %arg6: memref<320000x128xf32, #tpu.memory_space<hbm>>, %arg7: memref<10000xi32, #tpu.memory_space<vmem>>, %arg8: memref<10000xi32, #tpu.memory_space<vmem>>, %arg9: memref<128x128xf32, #tpu.memory_space<vmem>>, %arg10: memref<128x128xf32, #tpu.memory_space<vmem>>, %arg11: memref<128x128xf32, #tpu.memory_space<vmem>>, %arg12: memref<128x128xf32, #tpu.memory_space<vmem>>, %arg13: memref<128x128xf32, #tpu.memory_space<vmem>>, %arg14: memref<128x128xf32, #tpu.memory_space<vmem>>, %arg15: memref<!tpu.dma_semaphore, #tpu.memory_space<semaphore_mem>>, %arg16: memref<!tpu.dma_semaphore, #tpu.memory_space<semaphore_mem>>, %arg17: memref<!tpu.dma_semaphore, #tpu.memory_space<semaphore_mem>>, %arg18: memref<!tpu.dma_semaphore, #tpu.memory_space<semaphore_mem>>, %arg19: memref<!tpu.dma_semaphore, #tpu.memory_space<semaphore_mem>>, %arg20: memref<!tpu.dma_semaphore, #tpu.memory_space<semaphore_mem>>) attributes {dimension_semantics = [#tpu.dimension_semantics<core_parallel>, #tpu.dimension_semantics<subcore_parallel>], iteration_bounds = array<i64: 2, 16>, scalar_prefetch = 0 : i64, scratch_operands = 14 : i64, tpu.core_type = #tpu.core_type<sc_vector_subcore>, window_params = [{transform_indices = #map}, {transform_indices = #map}, {transform_indices = #map1}, {transform_indices = #map1}, {transform_indices = #map}]} {
    %mul3A = arith.constant 2 : i32
    %mul3A_0 = arith.muli %arg1, %mul3A : i32
    %add3A = arith.addi %mul3A_0, %arg0 : i32
    %mul3A_1 = arith.constant 10000 : i32
    %mul3A_2 = arith.muli %add3A, %mul3A_1 : i32
    "tpu.region"() ({
      %run_scoped3A = tpu.sem_alloc : memref<!tpu.dma_semaphore, #tpu.memory_space<semaphore_mem>>
      %dma_start3A_60 = tpu.memref_slice %arg4[%mul3A_2] : memref<320000xi32, #tpu.memory_space<hbm>> -> memref<10000xi32, #tpu.memory_space<hbm>>
      %dma_start3A_61 = tpu.memref_slice %arg4[%mul3A_2] : memref<320000xi32, #tpu.memory_space<hbm>> -> memref<10000xi32, #tpu.memory_space<hbm>>
      tpu.enqueue_dma source(%dma_start3A_61 : memref<10000xi32, #tpu.memory_space<hbm>>) target(%arg7 : memref<10000xi32, #tpu.memory_space<vmem>>) target_semaphore(%run_scoped3A : memref<!tpu.dma_semaphore, #tpu.memory_space<semaphore_mem>>)
      %dma_wait3A_62 = tpu.memref_slice %arg4[%mul3A_2] : memref<320000xi32, #tpu.memory_space<hbm>> -> memref<10000xi32, #tpu.memory_space<hbm>>
      %dma_wait3A_63 = tpu.memref_slice %arg4[%mul3A_2] : memref<320000xi32, #tpu.memory_space<hbm>> -> memref<10000xi32, #tpu.memory_space<hbm>>
      tpu.wait_dma2 semaphore(%run_scoped3A : memref<!tpu.dma_semaphore, #tpu.memory_space<semaphore_mem>>) src(%dma_wait3A_63 : memref<10000xi32, #tpu.memory_space<hbm>>) dst(%arg7 : memref<10000xi32, #tpu.memory_space<vmem>>)
      tpu.yield
    }) : () -> ()
    "tpu.region"() ({
      %run_scoped3A = tpu.sem_alloc : memref<!tpu.dma_semaphore, #tpu.memory_space<semaphore_mem>>
      %dma_start3A_60 = tpu.memref_slice %arg5[%mul3A_2] : memref<320000xi32, #tpu.memory_space<hbm>> -> memref<10000xi32, #tpu.memory_space<hbm>>
      %dma_start3A_61 = tpu.memref_slice %arg5[%mul3A_2] : memref<320000xi32, #tpu.memory_space<hbm>> -> memref<10000xi32, #tpu.memory_space<hbm>>
      tpu.enqueue_dma source(%dma_start3A_61 : memref<10000xi32, #tpu.memory_space<hbm>>) target(%arg8 : memref<10000xi32, #tpu.memory_space<vmem>>) target_semaphore(%run_scoped3A : memref<!tpu.dma_semaphore, #tpu.memory_space<semaphore_mem>>)
      %dma_wait3A_62 = tpu.memref_slice %arg5[%mul3A_2] : memref<320000xi32, #tpu.memory_space<hbm>> -> memref<10000xi32, #tpu.memory_space<hbm>>
      %dma_wait3A_63 = tpu.memref_slice %arg5[%mul3A_2] : memref<320000xi32, #tpu.memory_space<hbm>> -> memref<10000xi32, #tpu.memory_space<hbm>>
      tpu.wait_dma2 semaphore(%run_scoped3A : memref<!tpu.dma_semaphore, #tpu.memory_space<semaphore_mem>>) src(%dma_wait3A_63 : memref<10000xi32, #tpu.memory_space<hbm>>) dst(%arg8 : memref<10000xi32, #tpu.memory_space<vmem>>)
      tpu.yield
    }) : () -> ()
    %scan3A = arith.constant 0 : i32
    %scan3A_3 = arith.constant 0 : i32
    %scan3A_4 = arith.constant 26 : i32
    %scan3A_5 = arith.addi %scan3A_3, %scan3A_4 : i32
    %scan3A_6 = arith.constant 1 : i32
    %scan3A_7 = scf.for %scan3A_60 = %scan3A_3 to %scan3A_5 step %scan3A_6 iter_args(%scan3A_61 = %scan3A) -> (i32)  : i32 {
      %mul3A_62 = arith.constant 3 : i32
      %mul3A_63 = arith.muli %scan3A_60, %mul3A_62 : i32
      %add3A_64 = arith.constant 0 : i32
      %add3A_65 = arith.addi %mul3A_63, %add3A_64 : i32
      %mul3A_66 = arith.constant 128 : i32
      %mul3A_67 = arith.muli %add3A_65, %mul3A_66 : i32
      %gt3A = arith.constant 0 : i32
      %gt3A_68 = arith.cmpi sgt, %scan3A_60, %gt3A : i32
      %convert_element_type3A = arith.extui %gt3A_68 : i1 to i32
      %cond3A = arith.constant 0 : i32
      %cond3A_69 = arith.cmpi ne, %convert_element_type3A, %cond3A : i32
      scf.if %cond3A_69 {
        %dma_wait3A_177 = arith.constant 0 : i32
        %dma_wait3A_178 = tpu.memref_slice %arg6[%mul3A_2, %dma_wait3A_177] : memref<320000x128xf32, #tpu.memory_space<hbm>> -> memref<128x128xf32, #tpu.memory_space<hbm>>
        %dma_wait3A_179 = arith.constant 0 : i32
        %dma_wait3A_180 = tpu.memref_slice %arg6[%mul3A_2, %dma_wait3A_179] : memref<320000x128xf32, #tpu.memory_space<hbm>> -> memref<128x128xf32, #tpu.memory_space<hbm>>
        tpu.wait_dma2 semaphore(%arg18 : memref<!tpu.dma_semaphore, #tpu.memory_space<semaphore_mem>>) src(%arg9 : memref<128x128xf32, #tpu.memory_space<vmem>>) dst(%dma_wait3A_180 : memref<128x128xf32, #tpu.memory_space<hbm>>)
      } else {
      }
      %dma_start3A_70 = tpu.memref_slice %arg7[%mul3A_67] : memref<10000xi32, #tpu.memory_space<vmem>> -> memref<128xi32, #tpu.memory_space<vmem>>
      %dma_start3A_71 = arith.constant 0 : i32
      %dma_start3A_72 = arith.constant 0 : i32
      %dma_start3A_73 = tpu.memref_slice %arg2[%dma_start3A_71, %dma_start3A_72] : memref<10000x128xf32, #tpu.memory_space<hbm>> -> memref<10000x128xf32, #tpu.memory_space<hbm>>
      tpu.enqueue_indirect_dma source(%dma_start3A_73 : memref<10000x128xf32, #tpu.memory_space<hbm>>) target(%arg9 : memref<128x128xf32, #tpu.memory_space<vmem>>) offsets(%dma_start3A_70 : memref<128xi32, #tpu.memory_space<vmem>>) semaphore(%arg15 : memref<!tpu.dma_semaphore, #tpu.memory_space<semaphore_mem>>)
      %dma_start3A_74 = tpu.memref_slice %arg8[%mul3A_67] : memref<10000xi32, #tpu.memory_space<vmem>> -> memref<128xi32, #tpu.memory_space<vmem>>
      %dma_start3A_75 = arith.constant 0 : i32
      %dma_start3A_76 = arith.constant 0 : i32
      %dma_start3A_77 = tpu.memref_slice %arg3[%dma_start3A_75, %dma_start3A_76] : memref<10000x128xf32, #tpu.memory_space<hbm>> -> memref<10000x128xf32, #tpu.memory_space<hbm>>
      tpu.enqueue_indirect_dma source(%dma_start3A_77 : memref<10000x128xf32, #tpu.memory_space<hbm>>) target(%arg12 : memref<128x128xf32, #tpu.memory_space<vmem>>) offsets(%dma_start3A_74 : memref<128xi32, #tpu.memory_space<vmem>>) semaphore(%arg15 : memref<!tpu.dma_semaphore, #tpu.memory_space<semaphore_mem>>)
      %mul3A_78 = arith.constant 3 : i32
      %mul3A_79 = arith.muli %scan3A_60, %mul3A_78 : i32
      %add3A_80 = arith.constant 1 : i32
      %add3A_81 = arith.addi %mul3A_79, %add3A_80 : i32
      %mul3A_82 = arith.constant 128 : i32
      %mul3A_83 = arith.muli %add3A_81, %mul3A_82 : i32
      %gt3A_84 = arith.constant 0 : i32
      %gt3A_85 = arith.cmpi sgt, %scan3A_60, %gt3A_84 : i32
      %convert_element_type3A_86 = arith.extui %gt3A_85 : i1 to i32
      %cond3A_87 = arith.constant 0 : i32
      %cond3A_88 = arith.cmpi ne, %convert_element_type3A_86, %cond3A_87 : i32
      scf.if %cond3A_88 {
        %dma_wait3A_177 = arith.constant 0 : i32
        %dma_wait3A_178 = tpu.memref_slice %arg6[%mul3A_2, %dma_wait3A_177] : memref<320000x128xf32, #tpu.memory_space<hbm>> -> memref<128x128xf32, #tpu.memory_space<hbm>>
        %dma_wait3A_179 = arith.constant 0 : i32
        %dma_wait3A_180 = tpu.memref_slice %arg6[%mul3A_2, %dma_wait3A_179] : memref<320000x128xf32, #tpu.memory_space<hbm>> -> memref<128x128xf32, #tpu.memory_space<hbm>>
        tpu.wait_dma2 semaphore(%arg19 : memref<!tpu.dma_semaphore, #tpu.memory_space<semaphore_mem>>) src(%arg10 : memref<128x128xf32, #tpu.memory_space<vmem>>) dst(%dma_wait3A_180 : memref<128x128xf32, #tpu.memory_space<hbm>>)
      } else {
      }
      %dma_start3A_89 = tpu.memref_slice %arg7[%mul3A_83] : memref<10000xi32, #tpu.memory_space<vmem>> -> memref<128xi32, #tpu.memory_space<vmem>>
      %dma_start3A_90 = arith.constant 0 : i32
      %dma_start3A_91 = arith.constant 0 : i32
      %dma_start3A_92 = tpu.memref_slice %arg2[%dma_start3A_90, %dma_start3A_91] : memref<10000x128xf32, #tpu.memory_space<hbm>> -> memref<10000x128xf32, #tpu.memory_space<hbm>>
      tpu.enqueue_indirect_dma source(%dma_start3A_92 : memref<10000x128xf32, #tpu.memory_space<hbm>>) target(%arg10 : memref<128x128xf32, #tpu.memory_space<vmem>>) offsets(%dma_start3A_89 : memref<128xi32, #tpu.memory_space<vmem>>) semaphore(%arg16 : memref<!tpu.dma_semaphore, #tpu.memory_space<semaphore_mem>>)
      %dma_start3A_93 = tpu.memref_slice %arg8[%mul3A_83] : memref<10000xi32, #tpu.memory_space<vmem>> -> memref<128xi32, #tpu.memory_space<vmem>>
      %dma_start3A_94 = arith.constant 0 : i32
      %dma_start3A_95 = arith.constant 0 : i32
      %dma_start3A_96 = tpu.memref_slice %arg3[%dma_start3A_94, %dma_start3A_95] : memref<10000x128xf32, #tpu.memory_space<hbm>> -> memref<10000x128xf32, #tpu.memory_space<hbm>>
      tpu.enqueue_indirect_dma source(%dma_start3A_96 : memref<10000x128xf32, #tpu.memory_space<hbm>>) target(%arg13 : memref<128x128xf32, #tpu.memory_space<vmem>>) offsets(%dma_start3A_93 : memref<128xi32, #tpu.memory_space<vmem>>) semaphore(%arg16 : memref<!tpu.dma_semaphore, #tpu.memory_space<semaphore_mem>>)
      %mul3A_97 = arith.constant 3 : i32
      %mul3A_98 = arith.muli %scan3A_60, %mul3A_97 : i32
      %add3A_99 = arith.constant 2 : i32
      %add3A_100 = arith.addi %mul3A_98, %add3A_99 : i32
      %mul3A_101 = arith.constant 128 : i32
      %mul3A_102 = arith.muli %add3A_100, %mul3A_101 : i32
      %gt3A_103 = arith.constant 0 : i32
      %gt3A_104 = arith.cmpi sgt, %scan3A_60, %gt3A_103 : i32
      %convert_element_type3A_105 = arith.extui %gt3A_104 : i1 to i32
      %cond3A_106 = arith.constant 0 : i32
      %cond3A_107 = arith.cmpi ne, %convert_element_type3A_105, %cond3A_106 : i32
      scf.if %cond3A_107 {
        %dma_wait3A_177 = arith.constant 0 : i32
        %dma_wait3A_178 = tpu.memref_slice %arg6[%mul3A_2, %dma_wait3A_177] : memref<320000x128xf32, #tpu.memory_space<hbm>> -> memref<128x128xf32, #tpu.memory_space<hbm>>
        %dma_wait3A_179 = arith.constant 0 : i32
        %dma_wait3A_180 = tpu.memref_slice %arg6[%mul3A_2, %dma_wait3A_179] : memref<320000x128xf32, #tpu.memory_space<hbm>> -> memref<128x128xf32, #tpu.memory_space<hbm>>
        tpu.wait_dma2 semaphore(%arg20 : memref<!tpu.dma_semaphore, #tpu.memory_space<semaphore_mem>>) src(%arg11 : memref<128x128xf32, #tpu.memory_space<vmem>>) dst(%dma_wait3A_180 : memref<128x128xf32, #tpu.memory_space<hbm>>)
      } else {
      }
      %dma_start3A_108 = tpu.memref_slice %arg7[%mul3A_102] : memref<10000xi32, #tpu.memory_space<vmem>> -> memref<128xi32, #tpu.memory_space<vmem>>
      %dma_start3A_109 = arith.constant 0 : i32
      %dma_start3A_110 = arith.constant 0 : i32
      %dma_start3A_111 = tpu.memref_slice %arg2[%dma_start3A_109, %dma_start3A_110] : memref<10000x128xf32, #tpu.memory_space<hbm>> -> memref<10000x128xf32, #tpu.memory_space<hbm>>
      tpu.enqueue_indirect_dma source(%dma_start3A_111 : memref<10000x128xf32, #tpu.memory_space<hbm>>) target(%arg11 : memref<128x128xf32, #tpu.memory_space<vmem>>) offsets(%dma_start3A_108 : memref<128xi32, #tpu.memory_space<vmem>>) semaphore(%arg17 : memref<!tpu.dma_semaphore, #tpu.memory_space<semaphore_mem>>)
      %dma_start3A_112 = tpu.memref_slice %arg8[%mul3A_102] : memref<10000xi32, #tpu.memory_space<vmem>> -> memref<128xi32, #tpu.memory_space<vmem>>
      %dma_start3A_113 = arith.constant 0 : i32
      %dma_start3A_114 = arith.constant 0 : i32
      %dma_start3A_115 = tpu.memref_slice %arg3[%dma_start3A_113, %dma_start3A_114] : memref<10000x128xf32, #tpu.memory_space<hbm>> -> memref<10000x128xf32, #tpu.memory_space<hbm>>
      tpu.enqueue_indirect_dma source(%dma_start3A_115 : memref<10000x128xf32, #tpu.memory_space<hbm>>) target(%arg14 : memref<128x128xf32, #tpu.memory_space<vmem>>) offsets(%dma_start3A_112 : memref<128xi32, #tpu.memory_space<vmem>>) semaphore(%arg17 : memref<!tpu.dma_semaphore, #tpu.memory_space<semaphore_mem>>)
      %dma_wait3A_116 = tpu.memref_slice %arg7[%mul3A_67] : memref<10000xi32, #tpu.memory_space<vmem>> -> memref<128xi32, #tpu.memory_space<vmem>>
      %dma_wait3A_117 = arith.constant 0 : i32
      %dma_wait3A_118 = arith.constant 0 : i32
      %dma_wait3A_119 = tpu.memref_slice %arg2[%dma_wait3A_117, %dma_wait3A_118] : memref<10000x128xf32, #tpu.memory_space<hbm>> -> memref<10000x128xf32, #tpu.memory_space<hbm>>
      tpu.wait_indirect_dma semaphore(%arg15 : memref<!tpu.dma_semaphore, #tpu.memory_space<semaphore_mem>>) src(%dma_wait3A_119 : memref<10000x128xf32, #tpu.memory_space<hbm>>) dst(%arg9 : memref<128x128xf32, #tpu.memory_space<vmem>>)
      %dma_wait3A_120 = tpu.memref_slice %arg8[%mul3A_67] : memref<10000xi32, #tpu.memory_space<vmem>> -> memref<128xi32, #tpu.memory_space<vmem>>
      %dma_wait3A_121 = arith.constant 0 : i32
      %dma_wait3A_122 = arith.constant 0 : i32
      %dma_wait3A_123 = tpu.memref_slice %arg3[%dma_wait3A_121, %dma_wait3A_122] : memref<10000x128xf32, #tpu.memory_space<hbm>> -> memref<10000x128xf32, #tpu.memory_space<hbm>>
      tpu.wait_indirect_dma semaphore(%arg15 : memref<!tpu.dma_semaphore, #tpu.memory_space<semaphore_mem>>) src(%dma_wait3A_123 : memref<10000x128xf32, #tpu.memory_space<hbm>>) dst(%arg12 : memref<128x128xf32, #tpu.memory_space<vmem>>)
      %scan3A_124 = arith.constant 0 : i32
      %scan3A_125 = arith.constant 0 : i32
      %scan3A_126 = arith.constant 128 : i32
      %scan3A_127 = arith.addi %scan3A_125, %scan3A_126 : i32
      %scan3A_128 = arith.constant 1 : i32
      %scan3A_129 = scf.for %scan3A_177 = %scan3A_125 to %scan3A_127 step %scan3A_128 iter_args(%scan3A_178 = %scan3A_124) -> (i32)  : i32 {
        %get3A = arith.index_cast %scan3A_177 : i32 to index
        %get3A_179 = arith.constant 0 : index
        %get3A_180 = tpu.vector_load %arg9[%get3A, %get3A_179] {strides = array<i32>} : memref<128x128xf32, #tpu.memory_space<vmem>>, vector<1x16xf32>,
        %get3A_181 = vector.shape_cast %get3A_180 : vector<1x16xf32> to vector<16xf32>
        %get3A_182 = arith.index_cast %scan3A_177 : i32 to index
        %get3A_183 = arith.constant 0 : index
        %get3A_184 = tpu.vector_load %arg12[%get3A_182, %get3A_183] {strides = array<i32>} : memref<128x128xf32, #tpu.memory_space<vmem>>, vector<1x16xf32>,
        %get3A_185 = vector.shape_cast %get3A_184 : vector<1x16xf32> to vector<16xf32>
        %add3A_186 = arith.addf %get3A_181, %get3A_185 : vector<16xf32>
        %swap3A = arith.index_cast %scan3A_177 : i32 to index
        %swap3A_187 = arith.constant 0 : index
        %swap3A_188 = tpu.vector_load %arg9[%swap3A, %swap3A_187] {strides = array<i32>} : memref<128x128xf32, #tpu.memory_space<vmem>>, vector<1x16xf32>,
        %swap3A_189 = vector.shape_cast %swap3A_188 : vector<1x16xf32> to vector<16xf32>
        %swap3A_190 = vector.shape_cast %add3A_186 : vector<16xf32> to vector<1x16xf32>
        tpu.vector_store %arg9[%swap3A, %swap3A_187], %swap3A_190 {strides = array<i32>} : memref<128x128xf32, #tpu.memory_space<vmem>>, vector<1x16xf32>,
        %get3A_191 = arith.index_cast %scan3A_177 : i32 to index
        %get3A_192 = arith.constant 16 : index
        %get3A_193 = tpu.vector_load %arg9[%get3A_191, %get3A_192] {strides = array<i32>} : memref<128x128xf32, #tpu.memory_space<vmem>>, vector<1x16xf32>,
        %get3A_194 = vector.shape_cast %get3A_193 : vector<1x16xf32> to vector<16xf32>
        %get3A_195 = arith.index_cast %scan3A_177 : i32 to index
        %get3A_196 = arith.constant 16 : index
        %get3A_197 = tpu.vector_load %arg12[%get3A_195, %get3A_196] {strides = array<i32>} : memref<128x128xf32, #tpu.memory_space<vmem>>, vector<1x16xf32>,
        %get3A_198 = vector.shape_cast %get3A_197 : vector<1x16xf32> to vector<16xf32>
        %add3A_199 = arith.addf %get3A_194, %get3A_198 : vector<16xf32>
        %swap3A_200 = arith.index_cast %scan3A_177 : i32 to index
        %swap3A_201 = arith.constant 16 : index
        %swap3A_202 = tpu.vector_load %arg9[%swap3A_200, %swap3A_201] {strides = array<i32>} : memref<128x128xf32, #tpu.memory_space<vmem>>, vector<1x16xf32>,
        %swap3A_203 = vector.shape_cast %swap3A_202 : vector<1x16xf32> to vector<16xf32>
        %swap3A_204 = vector.shape_cast %add3A_199 : vector<16xf32> to vector<1x16xf32>
        tpu.vector_store %arg9[%swap3A_200, %swap3A_201], %swap3A_204 {strides = array<i32>} : memref<128x128xf32, #tpu.memory_space<vmem>>, vector<1x16xf32>,
        %get3A_205 = arith.index_cast %scan3A_177 : i32 to index
        %get3A_206 = arith.constant 32 : index
        %get3A_207 = tpu.vector_load %arg9[%get3A_205, %get3A_206] {strides = array<i32>} : memref<128x128xf32, #tpu.memory_space<vmem>>, vector<1x16xf32>,
        %get3A_208 = vector.shape_cast %get3A_207 : vector<1x16xf32> to vector<16xf32>
        %get3A_209 = arith.index_cast %scan3A_177 : i32 to index
        %get3A_210 = arith.constant 32 : index
        %get3A_211 = tpu.vector_load %arg12[%get3A_209, %get3A_210] {strides = array<i32>} : memref<128x128xf32, #tpu.memory_space<vmem>>, vector<1x16xf32>,
        %get3A_212 = vector.shape_cast %get3A_211 : vector<1x16xf32> to vector<16xf32>
        %add3A_213 = arith.addf %get3A_208, %get3A_212 : vector<16xf32>
        %swap3A_214 = arith.index_cast %scan3A_177 : i32 to index
        %swap3A_215 = arith.constant 32 : index
        %swap3A_216 = tpu.vector_load %arg9[%swap3A_214, %swap3A_215] {strides = array<i32>} : memref<128x128xf32, #tpu.memory_space<vmem>>, vector<1x16xf32>,
        %swap3A_217 = vector.shape_cast %swap3A_216 : vector<1x16xf32> to vector<16xf32>
        %swap3A_218 = vector.shape_cast %add3A_213 : vector<16xf32> to vector<1x16xf32>
        tpu.vector_store %arg9[%swap3A_214, %swap3A_215], %swap3A_218 {strides = array<i32>} : memref<128x128xf32, #tpu.memory_space<vmem>>, vector<1x16xf32>,
        %get3A_219 = arith.index_cast %scan3A_177 : i32 to index
        %get3A_220 = arith.constant 48 : index
        %get3A_221 = tpu.vector_load %arg9[%get3A_219, %get3A_220] {strides = array<i32>} : memref<128x128xf32, #tpu.memory_space<vmem>>, vector<1x16xf32>,
        %get3A_222 = vector.shape_cast %get3A_221 : vector<1x16xf32> to vector<16xf32>
        %get3A_223 = arith.index_cast %scan3A_177 : i32 to index
        %get3A_224 = arith.constant 48 : index
        %get3A_225 = tpu.vector_load %arg12[%get3A_223, %get3A_224] {strides = array<i32>} : memref<128x128xf32, #tpu.memory_space<vmem>>, vector<1x16xf32>,
        %get3A_226 = vector.shape_cast %get3A_225 : vector<1x16xf32> to vector<16xf32>
        %add3A_227 = arith.addf %get3A_222, %get3A_226 : vector<16xf32>
        %swap3A_228 = arith.index_cast %scan3A_177 : i32 to index
        %swap3A_229 = arith.constant 48 : index
        %swap3A_230 = tpu.vector_load %arg9[%swap3A_228, %swap3A_229] {strides = array<i32>} : memref<128x128xf32, #tpu.memory_space<vmem>>, vector<1x16xf32>,
        %swap3A_231 = vector.shape_cast %swap3A_230 : vector<1x16xf32> to vector<16xf32>
        %swap3A_232 = vector.shape_cast %add3A_227 : vector<16xf32> to vector<1x16xf32>
        tpu.vector_store %arg9[%swap3A_228, %swap3A_229], %swap3A_232 {strides = array<i32>} : memref<128x128xf32, #tpu.memory_space<vmem>>, vector<1x16xf32>,
        %get3A_233 = arith.index_cast %scan3A_177 : i32 to index
        %get3A_234 = arith.constant 64 : index
        %get3A_235 = tpu.vector_load %arg9[%get3A_233, %get3A_234] {strides = array<i32>} : memref<128x128xf32, #tpu.memory_space<vmem>>, vector<1x16xf32>,
        %get3A_236 = vector.shape_cast %get3A_235 : vector<1x16xf32> to vector<16xf32>
        %get3A_237 = arith.index_cast %scan3A_177 : i32 to index
        %get3A_238 = arith.constant 64 : index
        %get3A_239 = tpu.vector_load %arg12[%get3A_237, %get3A_238] {strides = array<i32>} : memref<128x128xf32, #tpu.memory_space<vmem>>, vector<1x16xf32>,
        %get3A_240 = vector.shape_cast %get3A_239 : vector<1x16xf32> to vector<16xf32>
        %add3A_241 = arith.addf %get3A_236, %get3A_240 : vector<16xf32>
        %swap3A_242 = arith.index_cast %scan3A_177 : i32 to index
        %swap3A_243 = arith.constant 64 : index
        %swap3A_244 = tpu.vector_load %arg9[%swap3A_242, %swap3A_243] {strides = array<i32>} : memref<128x128xf32, #tpu.memory_space<vmem>>, vector<1x16xf32>,
        %swap3A_245 = vector.shape_cast %swap3A_244 : vector<1x16xf32> to vector<16xf32>
        %swap3A_246 = vector.shape_cast %add3A_241 : vector<16xf32> to vector<1x16xf32>
        tpu.vector_store %arg9[%swap3A_242, %swap3A_243], %swap3A_246 {strides = array<i32>} : memref<128x128xf32, #tpu.memory_space<vmem>>, vector<1x16xf32>,
        %get3A_247 = arith.index_cast %scan3A_177 : i32 to index
        %get3A_248 = arith.constant 80 : index
        %get3A_249 = tpu.vector_load %arg9[%get3A_247, %get3A_248] {strides = array<i32>} : memref<128x128xf32, #tpu.memory_space<vmem>>, vector<1x16xf32>,
        %get3A_250 = vector.shape_cast %get3A_249 : vector<1x16xf32> to vector<16xf32>
        %get3A_251 = arith.index_cast %scan3A_177 : i32 to index
        %get3A_252 = arith.constant 80 : index
        %get3A_253 = tpu.vector_load %arg12[%get3A_251, %get3A_252] {strides = array<i32>} : memref<128x128xf32, #tpu.memory_space<vmem>>, vector<1x16xf32>,
        %get3A_254 = vector.shape_cast %get3A_253 : vector<1x16xf32> to vector<16xf32>
        %add3A_255 = arith.addf %get3A_250, %get3A_254 : vector<16xf32>
        %swap3A_256 = arith.index_cast %scan3A_177 : i32 to index
        %swap3A_257 = arith.constant 80 : index
        %swap3A_258 = tpu.vector_load %arg9[%swap3A_256, %swap3A_257] {strides = array<i32>} : memref<128x128xf32, #tpu.memory_space<vmem>>, vector<1x16xf32>,
        %swap3A_259 = vector.shape_cast %swap3A_258 : vector<1x16xf32> to vector<16xf32>
        %swap3A_260 = vector.shape_cast %add3A_255 : vector<16xf32> to vector<1x16xf32>
        tpu.vector_store %arg9[%swap3A_256, %swap3A_257], %swap3A_260 {strides = array<i32>} : memref<128x128xf32, #tpu.memory_space<vmem>>, vector<1x16xf32>,
        %get3A_261 = arith.index_cast %scan3A_177 : i32 to index
        %get3A_262 = arith.constant 96 : index
        %get3A_263 = tpu.vector_load %arg9[%get3A_261, %get3A_262] {strides = array<i32>} : memref<128x128xf32, #tpu.memory_space<vmem>>, vector<1x16xf32>,
        %get3A_264 = vector.shape_cast %get3A_263 : vector<1x16xf32> to vector<16xf32>
        %get3A_265 = arith.index_cast %scan3A_177 : i32 to index
        %get3A_266 = arith.constant 96 : index
        %get3A_267 = tpu.vector_load %arg12[%get3A_265, %get3A_266] {strides = array<i32>} : memref<128x128xf32, #tpu.memory_space<vmem>>, vector<1x16xf32>,
        %get3A_268 = vector.shape_cast %get3A_267 : vector<1x16xf32> to vector<16xf32>
        %add3A_269 = arith.addf %get3A_264, %get3A_268 : vector<16xf32>
        %swap3A_270 = arith.index_cast %scan3A_177 : i32 to index
        %swap3A_271 = arith.constant 96 : index
        %swap3A_272 = tpu.vector_load %arg9[%swap3A_270, %swap3A_271] {strides = array<i32>} : memref<128x128xf32, #tpu.memory_space<vmem>>, vector<1x16xf32>,
        %swap3A_273 = vector.shape_cast %swap3A_272 : vector<1x16xf32> to vector<16xf32>
        %swap3A_274 = vector.shape_cast %add3A_269 : vector<16xf32> to vector<1x16xf32>
        tpu.vector_store %arg9[%swap3A_270, %swap3A_271], %swap3A_274 {strides = array<i32>} : memref<128x128xf32, #tpu.memory_space<vmem>>, vector<1x16xf32>,
        %get3A_275 = arith.index_cast %scan3A_177 : i32 to index
        %get3A_276 = arith.constant 112 : index
        %get3A_277 = tpu.vector_load %arg9[%get3A_275, %get3A_276] {strides = array<i32>} : memref<128x128xf32, #tpu.memory_space<vmem>>, vector<1x16xf32>,
        %get3A_278 = vector.shape_cast %get3A_277 : vector<1x16xf32> to vector<16xf32>
        %get3A_279 = arith.index_cast %scan3A_177 : i32 to index
        %get3A_280 = arith.constant 112 : index
        %get3A_281 = tpu.vector_load %arg12[%get3A_279, %get3A_280] {strides = array<i32>} : memref<128x128xf32, #tpu.memory_space<vmem>>, vector<1x16xf32>,
        %get3A_282 = vector.shape_cast %get3A_281 : vector<1x16xf32> to vector<16xf32>
        %add3A_283 = arith.addf %get3A_278, %get3A_282 : vector<16xf32>
        %swap3A_284 = arith.index_cast %scan3A_177 : i32 to index
        %swap3A_285 = arith.constant 112 : index
        %swap3A_286 = tpu.vector_load %arg9[%swap3A_284, %swap3A_285] {strides = array<i32>} : memref<128x128xf32, #tpu.memory_space<vmem>>, vector<1x16xf32>,
        %swap3A_287 = vector.shape_cast %swap3A_286 : vector<1x16xf32> to vector<16xf32>
        %swap3A_288 = vector.shape_cast %add3A_283 : vector<16xf32> to vector<1x16xf32>
        tpu.vector_store %arg9[%swap3A_284, %swap3A_285], %swap3A_288 {strides = array<i32>} : memref<128x128xf32, #tpu.memory_space<vmem>>, vector<1x16xf32>,
        %scan3A_289 = arith.constant 0 : i32
        scf.yield %scan3A_289 : i32
      }
      %scan3A_130 = arith.constant 128 : i32
      %add3A_131 = arith.addi %mul3A_2, %mul3A_67 : i32
      %dma_start3A_132 = arith.constant 0 : i32
      %dma_start3A_133 = tpu.memref_slice %arg6[%add3A_131, %dma_start3A_132] : memref<320000x128xf32, #tpu.memory_space<hbm>> -> memref<128x128xf32, #tpu.memory_space<hbm>>
      %dma_start3A_134 = arith.constant 0 : i32
      %dma_start3A_135 = tpu.memref_slice %arg6[%add3A_131, %dma_start3A_134] : memref<320000x128xf32, #tpu.memory_space<hbm>> -> memref<128x128xf32, #tpu.memory_space<hbm>>
      tpu.enqueue_dma source(%arg9 : memref<128x128xf32, #tpu.memory_space<vmem>>) target(%dma_start3A_135 : memref<128x128xf32, #tpu.memory_space<hbm>>) target_semaphore(%arg18 : memref<!tpu.dma_semaphore, #tpu.memory_space<semaphore_mem>>)
      %dma_wait3A_136 = tpu.memref_slice %arg7[%mul3A_83] : memref<10000xi32, #tpu.memory_space<vmem>> -> memref<128xi32, #tpu.memory_space<vmem>>
      %dma_wait3A_137 = arith.constant 0 : i32
      %dma_wait3A_138 = arith.constant 0 : i32
      %dma_wait3A_139 = tpu.memref_slice %arg2[%dma_wait3A_137, %dma_wait3A_138] : memref<10000x128xf32, #tpu.memory_space<hbm>> -> memref<10000x128xf32, #tpu.memory_space<hbm>>
      tpu.wait_indirect_dma semaphore(%arg16 : memref<!tpu.dma_semaphore, #tpu.memory_space<semaphore_mem>>) src(%dma_wait3A_139 : memref<10000x128xf32, #tpu.memory_space<hbm>>) dst(%arg10 : memref<128x128xf32, #tpu.memory_space<vmem>>)
      %dma_wait3A_140 = tpu.memref_slice %arg8[%mul3A_83] : memref<10000xi32, #tpu.memory_space<vmem>> -> memref<128xi32, #tpu.memory_space<vmem>>
      %dma_wait3A_141 = arith.constant 0 : i32
      %dma_wait3A_142 = arith.constant 0 : i32
      %dma_wait3A_143 = tpu.memref_slice %arg3[%dma_wait3A_141, %dma_wait3A_142] : memref<10000x128xf32, #tpu.memory_space<hbm>> -> memref<10000x128xf32, #tpu.memory_space<hbm>>
      tpu.wait_indirect_dma semaphore(%arg16 : memref<!tpu.dma_semaphore, #tpu.memory_space<semaphore_mem>>) src(%dma_wait3A_143 : memref<10000x128xf32, #tpu.memory_space<hbm>>) dst(%arg13 : memref<128x128xf32, #tpu.memory_space<vmem>>)
      %scan3A_144 = arith.constant 0 : i32
      %scan3A_145 = arith.constant 0 : i32
      %scan3A_146 = arith.constant 128 : i32
      %scan3A_147 = arith.addi %scan3A_145, %scan3A_146 : i32
      %scan3A_148 = arith.constant 1 : i32
      %scan3A_149 = scf.for %scan3A_177 = %scan3A_145 to %scan3A_147 step %scan3A_148 iter_args(%scan3A_178 = %scan3A_144) -> (i32)  : i32 {
        %get3A = arith.index_cast %scan3A_177 : i32 to index
        %get3A_179 = arith.constant 0 : index
        %get3A_180 = tpu.vector_load %arg10[%get3A, %get3A_179] {strides = array<i32>} : memref<128x128xf32, #tpu.memory_space<vmem>>, vector<1x16xf32>,
        %get3A_181 = vector.shape_cast %get3A_180 : vector<1x16xf32> to vector<16xf32>
        %get3A_182 = arith.index_cast %scan3A_177 : i32 to index
        %get3A_183 = arith.constant 0 : index
        %get3A_184 = tpu.vector_load %arg13[%get3A_182, %get3A_183] {strides = array<i32>} : memref<128x128xf32, #tpu.memory_space<vmem>>, vector<1x16xf32>,
        %get3A_185 = vector.shape_cast %get3A_184 : vector<1x16xf32> to vector<16xf32>
        %add3A_186 = arith.addf %get3A_181, %get3A_185 : vector<16xf32>
        %swap3A = arith.index_cast %scan3A_177 : i32 to index
        %swap3A_187 = arith.constant 0 : index
        %swap3A_188 = tpu.vector_load %arg10[%swap3A, %swap3A_187] {strides = array<i32>} : memref<128x128xf32, #tpu.memory_space<vmem>>, vector<1x16xf32>,
        %swap3A_189 = vector.shape_cast %swap3A_188 : vector<1x16xf32> to vector<16xf32>
        %swap3A_190 = vector.shape_cast %add3A_186 : vector<16xf32> to vector<1x16xf32>
        tpu.vector_store %arg10[%swap3A, %swap3A_187], %swap3A_190 {strides = array<i32>} : memref<128x128xf32, #tpu.memory_space<vmem>>, vector<1x16xf32>,
        %get3A_191 = arith.index_cast %scan3A_177 : i32 to index
        %get3A_192 = arith.constant 16 : index
        %get3A_193 = tpu.vector_load %arg10[%get3A_191, %get3A_192] {strides = array<i32>} : memref<128x128xf32, #tpu.memory_space<vmem>>, vector<1x16xf32>,
        %get3A_194 = vector.shape_cast %get3A_193 : vector<1x16xf32> to vector<16xf32>
        %get3A_195 = arith.index_cast %scan3A_177 : i32 to index
        %get3A_196 = arith.constant 16 : index
        %get3A_197 = tpu.vector_load %arg13[%get3A_195, %get3A_196] {strides = array<i32>} : memref<128x128xf32, #tpu.memory_space<vmem>>, vector<1x16xf32>,
        %get3A_198 = vector.shape_cast %get3A_197 : vector<1x16xf32> to vector<16xf32>
        %add3A_199 = arith.addf %get3A_194, %get3A_198 : vector<16xf32>
        %swap3A_200 = arith.index_cast %scan3A_177 : i32 to index
        %swap3A_201 = arith.constant 16 : index
        %swap3A_202 = tpu.vector_load %arg10[%swap3A_200, %swap3A_201] {strides = array<i32>} : memref<128x128xf32, #tpu.memory_space<vmem>>, vector<1x16xf32>,
        %swap3A_203 = vector.shape_cast %swap3A_202 : vector<1x16xf32> to vector<16xf32>
        %swap3A_204 = vector.shape_cast %add3A_199 : vector<16xf32> to vector<1x16xf32>
        tpu.vector_store %arg10[%swap3A_200, %swap3A_201], %swap3A_204 {strides = array<i32>} : memref<128x128xf32, #tpu.memory_space<vmem>>, vector<1x16xf32>,
        %get3A_205 = arith.index_cast %scan3A_177 : i32 to index
        %get3A_206 = arith.constant 32 : index
        %get3A_207 = tpu.vector_load %arg10[%get3A_205, %get3A_206] {strides = array<i32>} : memref<128x128xf32, #tpu.memory_space<vmem>>, vector<1x16xf32>,
        %get3A_208 = vector.shape_cast %get3A_207 : vector<1x16xf32> to vector<16xf32>
        %get3A_209 = arith.index_cast %scan3A_177 : i32 to index
        %get3A_210 = arith.constant 32 : index
        %get3A_211 = tpu.vector_load %arg13[%get3A_209, %get3A_210] {strides = array<i32>} : memref<128x128xf32, #tpu.memory_space<vmem>>, vector<1x16xf32>,
        %get3A_212 = vector.shape_cast %get3A_211 : vector<1x16xf32> to vector<16xf32>
        %add3A_213 = arith.addf %get3A_208, %get3A_212 : vector<16xf32>
        %swap3A_214 = arith.index_cast %scan3A_177 : i32 to index
        %swap3A_215 = arith.constant 32 : index
        %swap3A_216 = tpu.vector_load %arg10[%swap3A_214, %swap3A_215] {strides = array<i32>} : memref<128x128xf32, #tpu.memory_space<vmem>>, vector<1x16xf32>,
        %swap3A_217 = vector.shape_cast %swap3A_216 : vector<1x16xf32> to vector<16xf32>
        %swap3A_218 = vector.shape_cast %add3A_213 : vector<16xf32> to vector<1x16xf32>
        tpu.vector_store %arg10[%swap3A_214, %swap3A_215], %swap3A_218 {strides = array<i32>} : memref<128x128xf32, #tpu.memory_space<vmem>>, vector<1x16xf32>,
        %get3A_219 = arith.index_cast %scan3A_177 : i32 to index
        %get3A_220 = arith.constant 48 : index
        %get3A_221 = tpu.vector_load %arg10[%get3A_219, %get3A_220] {strides = array<i32>} : memref<128x128xf32, #tpu.memory_space<vmem>>, vector<1x16xf32>,
        %get3A_222 = vector.shape_cast %get3A_221 : vector<1x16xf32> to vector<16xf32>
        %get3A_223 = arith.index_cast %scan3A_177 : i32 to index
        %get3A_224 = arith.constant 48 : index
        %get3A_225 = tpu.vector_load %arg13[%get3A_223, %get3A_224] {strides = array<i32>} : memref<128x128xf32, #tpu.memory_space<vmem>>, vector<1x16xf32>,
        %get3A_226 = vector.shape_cast %get3A_225 : vector<1x16xf32> to vector<16xf32>
        %add3A_227 = arith.addf %get3A_222, %get3A_226 : vector<16xf32>
        %swap3A_228 = arith.index_cast %scan3A_177 : i32 to index
        %swap3A_229 = arith.constant 48 : index
        %swap3A_230 = tpu.vector_load %arg10[%swap3A_228, %swap3A_229] {strides = array<i32>} : memref<128x128xf32, #tpu.memory_space<vmem>>, vector<1x16xf32>,
        %swap3A_231 = vector.shape_cast %swap3A_230 : vector<1x16xf32> to vector<16xf32>
        %swap3A_232 = vector.shape_cast %add3A_227 : vector<16xf32> to vector<1x16xf32>
        tpu.vector_store %arg10[%swap3A_228, %swap3A_229], %swap3A_232 {strides = array<i32>} : memref<128x128xf32, #tpu.memory_space<vmem>>, vector<1x16xf32>,
        %get3A_233 = arith.index_cast %scan3A_177 : i32 to index
        %get3A_234 = arith.constant 64 : index
        %get3A_235 = tpu.vector_load %arg10[%get3A_233, %get3A_234] {strides = array<i32>} : memref<128x128xf32, #tpu.memory_space<vmem>>, vector<1x16xf32>,
        %get3A_236 = vector.shape_cast %get3A_235 : vector<1x16xf32> to vector<16xf32>
        %get3A_237 = arith.index_cast %scan3A_177 : i32 to index
        %get3A_238 = arith.constant 64 : index
        %get3A_239 = tpu.vector_load %arg13[%get3A_237, %get3A_238] {strides = array<i32>} : memref<128x128xf32, #tpu.memory_space<vmem>>, vector<1x16xf32>,
        %get3A_240 = vector.shape_cast %get3A_239 : vector<1x16xf32> to vector<16xf32>
        %add3A_241 = arith.addf %get3A_236, %get3A_240 : vector<16xf32>
        %swap3A_242 = arith.index_cast %scan3A_177 : i32 to index
        %swap3A_243 = arith.constant 64 : index
        %swap3A_244 = tpu.vector_load %arg10[%swap3A_242, %swap3A_243] {strides = array<i32>} : memref<128x128xf32, #tpu.memory_space<vmem>>, vector<1x16xf32>,
        %swap3A_245 = vector.shape_cast %swap3A_244 : vector<1x16xf32> to vector<16xf32>
        %swap3A_246 = vector.shape_cast %add3A_241 : vector<16xf32> to vector<1x16xf32>
        tpu.vector_store %arg10[%swap3A_242, %swap3A_243], %swap3A_246 {strides = array<i32>} : memref<128x128xf32, #tpu.memory_space<vmem>>, vector<1x16xf32>,
        %get3A_247 = arith.index_cast %scan3A_177 : i32 to index
        %get3A_248 = arith.constant 80 : index
        %get3A_249 = tpu.vector_load %arg10[%get3A_247, %get3A_248] {strides = array<i32>} : memref<128x128xf32, #tpu.memory_space<vmem>>, vector<1x16xf32>,
        %get3A_250 = vector.shape_cast %get3A_249 : vector<1x16xf32> to vector<16xf32>
        %get3A_251 = arith.index_cast %scan3A_177 : i32 to index
        %get3A_252 = arith.constant 80 : index
        %get3A_253 = tpu.vector_load %arg13[%get3A_251, %get3A_252] {strides = array<i32>} : memref<128x128xf32, #tpu.memory_space<vmem>>, vector<1x16xf32>,
        %get3A_254 = vector.shape_cast %get3A_253 : vector<1x16xf32> to vector<16xf32>
        %add3A_255 = arith.addf %get3A_250, %get3A_254 : vector<16xf32>
        %swap3A_256 = arith.index_cast %scan3A_177 : i32 to index
        %swap3A_257 = arith.constant 80 : index
        %swap3A_258 = tpu.vector_load %arg10[%swap3A_256, %swap3A_257] {strides = array<i32>} : memref<128x128xf32, #tpu.memory_space<vmem>>, vector<1x16xf32>,
        %swap3A_259 = vector.shape_cast %swap3A_258 : vector<1x16xf32> to vector<16xf32>
        %swap3A_260 = vector.shape_cast %add3A_255 : vector<16xf32> to vector<1x16xf32>
        tpu.vector_store %arg10[%swap3A_256, %swap3A_257], %swap3A_260 {strides = array<i32>} : memref<128x128xf32, #tpu.memory_space<vmem>>, vector<1x16xf32>,
        %get3A_261 = arith.index_cast %scan3A_177 : i32 to index
        %get3A_262 = arith.constant 96 : index
        %get3A_263 = tpu.vector_load %arg10[%get3A_261, %get3A_262] {strides = array<i32>} : memref<128x128xf32, #tpu.memory_space<vmem>>, vector<1x16xf32>,
        %get3A_264 = vector.shape_cast %get3A_263 : vector<1x16xf32> to vector<16xf32>
        %get3A_265 = arith.index_cast %scan3A_177 : i32 to index
        %get3A_266 = arith.constant 96 : index
        %get3A_267 = tpu.vector_load %arg13[%get3A_265, %get3A_266] {strides = array<i32>} : memref<128x128xf32, #tpu.memory_space<vmem>>, vector<1x16xf32>,
        %get3A_268 = vector.shape_cast %get3A_267 : vector<1x16xf32> to vector<16xf32>
        %add3A_269 = arith.addf %get3A_264, %get3A_268 : vector<16xf32>
        %swap3A_270 = arith.index_cast %scan3A_177 : i32 to index
        %swap3A_271 = arith.constant 96 : index
        %swap3A_272 = tpu.vector_load %arg10[%swap3A_270, %swap3A_271] {strides = array<i32>} : memref<128x128xf32, #tpu.memory_space<vmem>>, vector<1x16xf32>,
        %swap3A_273 = vector.shape_cast %swap3A_272 : vector<1x16xf32> to vector<16xf32>
        %swap3A_274 = vector.shape_cast %add3A_269 : vector<16xf32> to vector<1x16xf32>
        tpu.vector_store %arg10[%swap3A_270, %swap3A_271], %swap3A_274 {strides = array<i32>} : memref<128x128xf32, #tpu.memory_space<vmem>>, vector<1x16xf32>,
        %get3A_275 = arith.index_cast %scan3A_177 : i32 to index
        %get3A_276 = arith.constant 112 : index
        %get3A_277 = tpu.vector_load %arg10[%get3A_275, %get3A_276] {strides = array<i32>} : memref<128x128xf32, #tpu.memory_space<vmem>>, vector<1x16xf32>,
        %get3A_278 = vector.shape_cast %get3A_277 : vector<1x16xf32> to vector<16xf32>
        %get3A_279 = arith.index_cast %scan3A_177 : i32 to index
        %get3A_280 = arith.constant 112 : index
        %get3A_281 = tpu.vector_load %arg13[%get3A_279, %get3A_280] {strides = array<i32>} : memref<128x128xf32, #tpu.memory_space<vmem>>, vector<1x16xf32>,
        %get3A_282 = vector.shape_cast %get3A_281 : vector<1x16xf32> to vector<16xf32>
        %add3A_283 = arith.addf %get3A_278, %get3A_282 : vector<16xf32>
        %swap3A_284 = arith.index_cast %scan3A_177 : i32 to index
        %swap3A_285 = arith.constant 112 : index
        %swap3A_286 = tpu.vector_load %arg10[%swap3A_284, %swap3A_285] {strides = array<i32>} : memref<128x128xf32, #tpu.memory_space<vmem>>, vector<1x16xf32>,
        %swap3A_287 = vector.shape_cast %swap3A_286 : vector<1x16xf32> to vector<16xf32>
        %swap3A_288 = vector.shape_cast %add3A_283 : vector<16xf32> to vector<1x16xf32>
        tpu.vector_store %arg10[%swap3A_284, %swap3A_285], %swap3A_288 {strides = array<i32>} : memref<128x128xf32, #tpu.memory_space<vmem>>, vector<1x16xf32>,
        %scan3A_289 = arith.constant 0 : i32
        scf.yield %scan3A_289 : i32
      }
      %scan3A_150 = arith.constant 128 : i32
      %add3A_151 = arith.addi %mul3A_2, %mul3A_83 : i32
      %dma_start3A_152 = arith.constant 0 : i32
      %dma_start3A_153 = tpu.memref_slice %arg6[%add3A_151, %dma_start3A_152] : memref<320000x128xf32, #tpu.memory_space<hbm>> -> memref<128x128xf32, #tpu.memory_space<hbm>>
      %dma_start3A_154 = arith.constant 0 : i32
      %dma_start3A_155 = tpu.memref_slice %arg6[%add3A_151, %dma_start3A_154] : memref<320000x128xf32, #tpu.memory_space<hbm>> -> memref<128x128xf32, #tpu.memory_space<hbm>>
      tpu.enqueue_dma source(%arg10 : memref<128x128xf32, #tpu.memory_space<vmem>>) target(%dma_start3A_155 : memref<128x128xf32, #tpu.memory_space<hbm>>) target_semaphore(%arg19 : memref<!tpu.dma_semaphore, #tpu.memory_space<semaphore_mem>>)
      %dma_wait3A_156 = tpu.memref_slice %arg7[%mul3A_102] : memref<10000xi32, #tpu.memory_space<vmem>> -> memref<128xi32, #tpu.memory_space<vmem>>
      %dma_wait3A_157 = arith.constant 0 : i32
      %dma_wait3A_158 = arith.constant 0 : i32
      %dma_wait3A_159 = tpu.memref_slice %arg2[%dma_wait3A_157, %dma_wait3A_158] : memref<10000x128xf32, #tpu.memory_space<hbm>> -> memref<10000x128xf32, #tpu.memory_space<hbm>>
      tpu.wait_indirect_dma semaphore(%arg17 : memref<!tpu.dma_semaphore, #tpu.memory_space<semaphore_mem>>) src(%dma_wait3A_159 : memref<10000x128xf32, #tpu.memory_space<hbm>>) dst(%arg11 : memref<128x128xf32, #tpu.memory_space<vmem>>)
      %dma_wait3A_160 = tpu.memref_slice %arg8[%mul3A_102] : memref<10000xi32, #tpu.memory_space<vmem>> -> memref<128xi32, #tpu.memory_space<vmem>>
      %dma_wait3A_161 = arith.constant 0 : i32
      %dma_wait3A_162 = arith.constant 0 : i32
      %dma_wait3A_163 = tpu.memref_slice %arg3[%dma_wait3A_161, %dma_wait3A_162] : memref<10000x128xf32, #tpu.memory_space<hbm>> -> memref<10000x128xf32, #tpu.memory_space<hbm>>
      tpu.wait_indirect_dma semaphore(%arg17 : memref<!tpu.dma_semaphore, #tpu.memory_space<semaphore_mem>>) src(%dma_wait3A_163 : memref<10000x128xf32, #tpu.memory_space<hbm>>) dst(%arg14 : memref<128x128xf32, #tpu.memory_space<vmem>>)
      %scan3A_164 = arith.constant 0 : i32
      %scan3A_165 = arith.constant 0 : i32
      %scan3A_166 = arith.constant 128 : i32
      %scan3A_167 = arith.addi %scan3A_165, %scan3A_166 : i32
      %scan3A_168 = arith.constant 1 : i32
      %scan3A_169 = scf.for %scan3A_177 = %scan3A_165 to %scan3A_167 step %scan3A_168 iter_args(%scan3A_178 = %scan3A_164) -> (i32)  : i32 {
        %get3A = arith.index_cast %scan3A_177 : i32 to index
        %get3A_179 = arith.constant 0 : index
        %get3A_180 = tpu.vector_load %arg11[%get3A, %get3A_179] {strides = array<i32>} : memref<128x128xf32, #tpu.memory_space<vmem>>, vector<1x16xf32>,
        %get3A_181 = vector.shape_cast %get3A_180 : vector<1x16xf32> to vector<16xf32>
        %get3A_182 = arith.index_cast %scan3A_177 : i32 to index
        %get3A_183 = arith.constant 0 : index
        %get3A_184 = tpu.vector_load %arg14[%get3A_182, %get3A_183] {strides = array<i32>} : memref<128x128xf32, #tpu.memory_space<vmem>>, vector<1x16xf32>,
        %get3A_185 = vector.shape_cast %get3A_184 : vector<1x16xf32> to vector<16xf32>
        %add3A_186 = arith.addf %get3A_181, %get3A_185 : vector<16xf32>
        %swap3A = arith.index_cast %scan3A_177 : i32 to index
        %swap3A_187 = arith.constant 0 : index
        %swap3A_188 = tpu.vector_load %arg11[%swap3A, %swap3A_187] {strides = array<i32>} : memref<128x128xf32, #tpu.memory_space<vmem>>, vector<1x16xf32>,
        %swap3A_189 = vector.shape_cast %swap3A_188 : vector<1x16xf32> to vector<16xf32>
        %swap3A_190 = vector.shape_cast %add3A_186 : vector<16xf32> to vector<1x16xf32>
        tpu.vector_store %arg11[%swap3A, %swap3A_187], %swap3A_190 {strides = array<i32>} : memref<128x128xf32, #tpu.memory_space<vmem>>, vector<1x16xf32>,
        %get3A_191 = arith.index_cast %scan3A_177 : i32 to index
        %get3A_192 = arith.constant 16 : index
        %get3A_193 = tpu.vector_load %arg11[%get3A_191, %get3A_192] {strides = array<i32>} : memref<128x128xf32, #tpu.memory_space<vmem>>, vector<1x16xf32>,
        %get3A_194 = vector.shape_cast %get3A_193 : vector<1x16xf32> to vector<16xf32>
        %get3A_195 = arith.index_cast %scan3A_177 : i32 to index
        %get3A_196 = arith.constant 16 : index
        %get3A_197 = tpu.vector_load %arg14[%get3A_195, %get3A_196] {strides = array<i32>} : memref<128x128xf32, #tpu.memory_space<vmem>>, vector<1x16xf32>,
        %get3A_198 = vector.shape_cast %get3A_197 : vector<1x16xf32> to vector<16xf32>
        %add3A_199 = arith.addf %get3A_194, %get3A_198 : vector<16xf32>
        %swap3A_200 = arith.index_cast %scan3A_177 : i32 to index
        %swap3A_201 = arith.constant 16 : index
        %swap3A_202 = tpu.vector_load %arg11[%swap3A_200, %swap3A_201] {strides = array<i32>} : memref<128x128xf32, #tpu.memory_space<vmem>>, vector<1x16xf32>,
        %swap3A_203 = vector.shape_cast %swap3A_202 : vector<1x16xf32> to vector<16xf32>
        %swap3A_204 = vector.shape_cast %add3A_199 : vector<16xf32> to vector<1x16xf32>
        tpu.vector_store %arg11[%swap3A_200, %swap3A_201], %swap3A_204 {strides = array<i32>} : memref<128x128xf32, #tpu.memory_space<vmem>>, vector<1x16xf32>,
        %get3A_205 = arith.index_cast %scan3A_177 : i32 to index
        %get3A_206 = arith.constant 32 : index
        %get3A_207 = tpu.vector_load %arg11[%get3A_205, %get3A_206] {strides = array<i32>} : memref<128x128xf32, #tpu.memory_space<vmem>>, vector<1x16xf32>,
        %get3A_208 = vector.shape_cast %get3A_207 : vector<1x16xf32> to vector<16xf32>
        %get3A_209 = arith.index_cast %scan3A_177 : i32 to index
        %get3A_210 = arith.constant 32 : index
        %get3A_211 = tpu.vector_load %arg14[%get3A_209, %get3A_210] {strides = array<i32>} : memref<128x128xf32, #tpu.memory_space<vmem>>, vector<1x16xf32>,
        %get3A_212 = vector.shape_cast %get3A_211 : vector<1x16xf32> to vector<16xf32>
        %add3A_213 = arith.addf %get3A_208, %get3A_212 : vector<16xf32>
        %swap3A_214 = arith.index_cast %scan3A_177 : i32 to index
        %swap3A_215 = arith.constant 32 : index
        %swap3A_216 = tpu.vector_load %arg11[%swap3A_214, %swap3A_215] {strides = array<i32>} : memref<128x128xf32, #tpu.memory_space<vmem>>, vector<1x16xf32>,
        %swap3A_217 = vector.shape_cast %swap3A_216 : vector<1x16xf32> to vector<16xf32>
        %swap3A_218 = vector.shape_cast %add3A_213 : vector<16xf32> to vector<1x16xf32>
        tpu.vector_store %arg11[%swap3A_214, %swap3A_215], %swap3A_218 {strides = array<i32>} : memref<128x128xf32, #tpu.memory_space<vmem>>, vector<1x16xf32>,
        %get3A_219 = arith.index_cast %scan3A_177 : i32 to index
        %get3A_220 = arith.constant 48 : index
        %get3A_221 = tpu.vector_load %arg11[%get3A_219, %get3A_220] {strides = array<i32>} : memref<128x128xf32, #tpu.memory_space<vmem>>, vector<1x16xf32>,
        %get3A_222 = vector.shape_cast %get3A_221 : vector<1x16xf32> to vector<16xf32>
        %get3A_223 = arith.index_cast %scan3A_177 : i32 to index
        %get3A_224 = arith.constant 48 : index
        %get3A_225 = tpu.vector_load %arg14[%get3A_223, %get3A_224] {strides = array<i32>} : memref<128x128xf32, #tpu.memory_space<vmem>>, vector<1x16xf32>,
        %get3A_226 = vector.shape_cast %get3A_225 : vector<1x16xf32> to vector<16xf32>
        %add3A_227 = arith.addf %get3A_222, %get3A_226 : vector<16xf32>
        %swap3A_228 = arith.index_cast %scan3A_177 : i32 to index
        %swap3A_229 = arith.constant 48 : index
        %swap3A_230 = tpu.vector_load %arg11[%swap3A_228, %swap3A_229] {strides = array<i32>} : memref<128x128xf32, #tpu.memory_space<vmem>>, vector<1x16xf32>,
        %swap3A_231 = vector.shape_cast %swap3A_230 : vector<1x16xf32> to vector<16xf32>
        %swap3A_232 = vector.shape_cast %add3A_227 : vector<16xf32> to vector<1x16xf32>
        tpu.vector_store %arg11[%swap3A_228, %swap3A_229], %swap3A_232 {strides = array<i32>} : memref<128x128xf32, #tpu.memory_space<vmem>>, vector<1x16xf32>,
        %get3A_233 = arith.index_cast %scan3A_177 : i32 to index
        %get3A_234 = arith.constant 64 : index
        %get3A_235 = tpu.vector_load %arg11[%get3A_233, %get3A_234] {strides = array<i32>} : memref<128x128xf32, #tpu.memory_space<vmem>>, vector<1x16xf32>,
        %get3A_236 = vector.shape_cast %get3A_235 : vector<1x16xf32> to vector<16xf32>
        %get3A_237 = arith.index_cast %scan3A_177 : i32 to index
        %get3A_238 = arith.constant 64 : index
        %get3A_239 = tpu.vector_load %arg14[%get3A_237, %get3A_238] {strides = array<i32>} : memref<128x128xf32, #tpu.memory_space<vmem>>, vector<1x16xf32>,
        %get3A_240 = vector.shape_cast %get3A_239 : vector<1x16xf32> to vector<16xf32>
        %add3A_241 = arith.addf %get3A_236, %get3A_240 : vector<16xf32>
        %swap3A_242 = arith.index_cast %scan3A_177 : i32 to index
        %swap3A_243 = arith.constant 64 : index
        %swap3A_244 = tpu.vector_load %arg11[%swap3A_242, %swap3A_243] {strides = array<i32>} : memref<128x128xf32, #tpu.memory_space<vmem>>, vector<1x16xf32>,
        %swap3A_245 = vector.shape_cast %swap3A_244 : vector<1x16xf32> to vector<16xf32>
        %swap3A_246 = vector.shape_cast %add3A_241 : vector<16xf32> to vector<1x16xf32>
        tpu.vector_store %arg11[%swap3A_242, %swap3A_243], %swap3A_246 {strides = array<i32>} : memref<128x128xf32, #tpu.memory_space<vmem>>, vector<1x16xf32>,
        %get3A_247 = arith.index_cast %scan3A_177 : i32 to index
        %get3A_248 = arith.constant 80 : index
        %get3A_249 = tpu.vector_load %arg11[%get3A_247, %get3A_248] {strides = array<i32>} : memref<128x128xf32, #tpu.memory_space<vmem>>, vector<1x16xf32>,
        %get3A_250 = vector.shape_cast %get3A_249 : vector<1x16xf32> to vector<16xf32>
        %get3A_251 = arith.index_cast %scan3A_177 : i32 to index
        %get3A_252 = arith.constant 80 : index
        %get3A_253 = tpu.vector_load %arg14[%get3A_251, %get3A_252] {strides = array<i32>} : memref<128x128xf32, #tpu.memory_space<vmem>>, vector<1x16xf32>,
        %get3A_254 = vector.shape_cast %get3A_253 : vector<1x16xf32> to vector<16xf32>
        %add3A_255 = arith.addf %get3A_250, %get3A_254 : vector<16xf32>
        %swap3A_256 = arith.index_cast %scan3A_177 : i32 to index
        %swap3A_257 = arith.constant 80 : index
        %swap3A_258 = tpu.vector_load %arg11[%swap3A_256, %swap3A_257] {strides = array<i32>} : memref<128x128xf32, #tpu.memory_space<vmem>>, vector<1x16xf32>,
        %swap3A_259 = vector.shape_cast %swap3A_258 : vector<1x16xf32> to vector<16xf32>
        %swap3A_260 = vector.shape_cast %add3A_255 : vector<16xf32> to vector<1x16xf32>
        tpu.vector_store %arg11[%swap3A_256, %swap3A_257], %swap3A_260 {strides = array<i32>} : memref<128x128xf32, #tpu.memory_space<vmem>>, vector<1x16xf32>,
        %get3A_261 = arith.index_cast %scan3A_177 : i32 to index
        %get3A_262 = arith.constant 96 : index
        %get3A_263 = tpu.vector_load %arg11[%get3A_261, %get3A_262] {strides = array<i32>} : memref<128x128xf32, #tpu.memory_space<vmem>>, vector<1x16xf32>,
        %get3A_264 = vector.shape_cast %get3A_263 : vector<1x16xf32> to vector<16xf32>
        %get3A_265 = arith.index_cast %scan3A_177 : i32 to index
        %get3A_266 = arith.constant 96 : index
        %get3A_267 = tpu.vector_load %arg14[%get3A_265, %get3A_266] {strides = array<i32>} : memref<128x128xf32, #tpu.memory_space<vmem>>, vector<1x16xf32>,
        %get3A_268 = vector.shape_cast %get3A_267 : vector<1x16xf32> to vector<16xf32>
        %add3A_269 = arith.addf %get3A_264, %get3A_268 : vector<16xf32>
        %swap3A_270 = arith.index_cast %scan3A_177 : i32 to index
        %swap3A_271 = arith.constant 96 : index
        %swap3A_272 = tpu.vector_load %arg11[%swap3A_270, %swap3A_271] {strides = array<i32>} : memref<128x128xf32, #tpu.memory_space<vmem>>, vector<1x16xf32>,
        %swap3A_273 = vector.shape_cast %swap3A_272 : vector<1x16xf32> to vector<16xf32>
        %swap3A_274 = vector.shape_cast %add3A_269 : vector<16xf32> to vector<1x16xf32>
        tpu.vector_store %arg11[%swap3A_270, %swap3A_271], %swap3A_274 {strides = array<i32>} : memref<128x128xf32, #tpu.memory_space<vmem>>, vector<1x16xf32>,
        %get3A_275 = arith.index_cast %scan3A_177 : i32 to index
        %get3A_276 = arith.constant 112 : index
        %get3A_277 = tpu.vector_load %arg11[%get3A_275, %get3A_276] {strides = array<i32>} : memref<128x128xf32, #tpu.memory_space<vmem>>, vector<1x16xf32>,
        %get3A_278 = vector.shape_cast %get3A_277 : vector<1x16xf32> to vector<16xf32>
        %get3A_279 = arith.index_cast %scan3A_177 : i32 to index
        %get3A_280 = arith.constant 112 : index
        %get3A_281 = tpu.vector_load %arg14[%get3A_279, %get3A_280] {strides = array<i32>} : memref<128x128xf32, #tpu.memory_space<vmem>>, vector<1x16xf32>,
        %get3A_282 = vector.shape_cast %get3A_281 : vector<1x16xf32> to vector<16xf32>
        %add3A_283 = arith.addf %get3A_278, %get3A_282 : vector<16xf32>
        %swap3A_284 = arith.index_cast %scan3A_177 : i32 to index
        %swap3A_285 = arith.constant 112 : index
        %swap3A_286 = tpu.vector_load %arg11[%swap3A_284, %swap3A_285] {strides = array<i32>} : memref<128x128xf32, #tpu.memory_space<vmem>>, vector<1x16xf32>,
        %swap3A_287 = vector.shape_cast %swap3A_286 : vector<1x16xf32> to vector<16xf32>
        %swap3A_288 = vector.shape_cast %add3A_283 : vector<16xf32> to vector<1x16xf32>
        tpu.vector_store %arg11[%swap3A_284, %swap3A_285], %swap3A_288 {strides = array<i32>} : memref<128x128xf32, #tpu.memory_space<vmem>>, vector<1x16xf32>,
        %scan3A_289 = arith.constant 0 : i32
        scf.yield %scan3A_289 : i32
      }
      %scan3A_170 = arith.constant 128 : i32
      %add3A_171 = arith.addi %mul3A_2, %mul3A_102 : i32
      %dma_start3A_172 = arith.constant 0 : i32
      %dma_start3A_173 = tpu.memref_slice %arg6[%add3A_171, %dma_start3A_172] : memref<320000x128xf32, #tpu.memory_space<hbm>> -> memref<128x128xf32, #tpu.memory_space<hbm>>
      %dma_start3A_174 = arith.constant 0 : i32
      %dma_start3A_175 = tpu.memref_slice %arg6[%add3A_171, %dma_start3A_174] : memref<320000x128xf32, #tpu.memory_space<hbm>> -> memref<128x128xf32, #tpu.memory_space<hbm>>
      tpu.enqueue_dma source(%arg11 : memref<128x128xf32, #tpu.memory_space<vmem>>) target(%dma_start3A_175 : memref<128x128xf32, #tpu.memory_space<hbm>>) target_semaphore(%arg20 : memref<!tpu.dma_semaphore, #tpu.memory_space<semaphore_mem>>)
      %scan3A_176 = arith.constant 0 : i32
      scf.yield %scan3A_176 : i32
    }
    %scan3A_8 = arith.constant 26 : i32
    %dma_wait3A = arith.constant 0 : i32
    %dma_wait3A_9 = tpu.memref_slice %arg6[%mul3A_2, %dma_wait3A] : memref<320000x128xf32, #tpu.memory_space<hbm>> -> memref<128x128xf32, #tpu.memory_space<hbm>>
    %dma_wait3A_10 = arith.constant 0 : i32
    %dma_wait3A_11 = tpu.memref_slice %arg6[%mul3A_2, %dma_wait3A_10] : memref<320000x128xf32, #tpu.memory_space<hbm>> -> memref<128x128xf32, #tpu.memory_space<hbm>>
    tpu.wait_dma2 semaphore(%arg18 : memref<!tpu.dma_semaphore, #tpu.memory_space<semaphore_mem>>) src(%arg9 : memref<128x128xf32, #tpu.memory_space<vmem>>) dst(%dma_wait3A_11 : memref<128x128xf32, #tpu.memory_space<hbm>>)
    %dma_start3A = arith.constant 0 : i32
    %dma_start3A_12 = arith.constant 0 : i32
    %dma_start3A_13 = tpu.memref_slice %arg9[%dma_start3A, %dma_start3A_12] : memref<128x128xf32, #tpu.memory_space<vmem>> -> memref<16x128xf32, #tpu.memory_space<vmem>>
    %dma_start3A_14 = arith.constant 9984 : i32
    %dma_start3A_15 = tpu.memref_slice %arg7[%dma_start3A_14] : memref<10000xi32, #tpu.memory_space<vmem>> -> memref<16xi32, #tpu.memory_space<vmem>>
    %dma_start3A_16 = arith.constant 0 : i32
    %dma_start3A_17 = arith.constant 0 : i32
    %dma_start3A_18 = tpu.memref_slice %arg2[%dma_start3A_16, %dma_start3A_17] : memref<10000x128xf32, #tpu.memory_space<hbm>> -> memref<10000x128xf32, #tpu.memory_space<hbm>>
    tpu.enqueue_indirect_dma source(%dma_start3A_18 : memref<10000x128xf32, #tpu.memory_space<hbm>>) target(%dma_start3A_13 : memref<16x128xf32, #tpu.memory_space<vmem>>) offsets(%dma_start3A_15 : memref<16xi32, #tpu.memory_space<vmem>>) semaphore(%arg15 : memref<!tpu.dma_semaphore, #tpu.memory_space<semaphore_mem>>)
    %dma_start3A_19 = arith.constant 0 : i32
    %dma_start3A_20 = arith.constant 0 : i32
    %dma_start3A_21 = tpu.memref_slice %arg12[%dma_start3A_19, %dma_start3A_20] : memref<128x128xf32, #tpu.memory_space<vmem>> -> memref<16x128xf32, #tpu.memory_space<vmem>>
    %dma_start3A_22 = arith.constant 9984 : i32
    %dma_start3A_23 = tpu.memref_slice %arg8[%dma_start3A_22] : memref<10000xi32, #tpu.memory_space<vmem>> -> memref<16xi32, #tpu.memory_space<vmem>>
    %dma_start3A_24 = arith.constant 0 : i32
    %dma_start3A_25 = arith.constant 0 : i32
    %dma_start3A_26 = tpu.memref_slice %arg3[%dma_start3A_24, %dma_start3A_25] : memref<10000x128xf32, #tpu.memory_space<hbm>> -> memref<10000x128xf32, #tpu.memory_space<hbm>>
    tpu.enqueue_indirect_dma source(%dma_start3A_26 : memref<10000x128xf32, #tpu.memory_space<hbm>>) target(%dma_start3A_21 : memref<16x128xf32, #tpu.memory_space<vmem>>) offsets(%dma_start3A_23 : memref<16xi32, #tpu.memory_space<vmem>>) semaphore(%arg15 : memref<!tpu.dma_semaphore, #tpu.memory_space<semaphore_mem>>)
    %dma_wait3A_27 = arith.constant 0 : i32
    %dma_wait3A_28 = arith.constant 0 : i32
    %dma_wait3A_29 = tpu.memref_slice %arg9[%dma_wait3A_27, %dma_wait3A_28] : memref<128x128xf32, #tpu.memory_space<vmem>> -> memref<16x128xf32, #tpu.memory_space<vmem>>
    %dma_wait3A_30 = arith.constant 9984 : i32
    %dma_wait3A_31 = tpu.memref_slice %arg7[%dma_wait3A_30] : memref<10000xi32, #tpu.memory_space<vmem>> -> memref<16xi32, #tpu.memory_space<vmem>>
    %dma_wait3A_32 = arith.constant 0 : i32
    %dma_wait3A_33 = arith.constant 0 : i32
    %dma_wait3A_34 = tpu.memref_slice %arg2[%dma_wait3A_32, %dma_wait3A_33] : memref<10000x128xf32, #tpu.memory_space<hbm>> -> memref<10000x128xf32, #tpu.memory_space<hbm>>
    tpu.wait_indirect_dma semaphore(%arg15 : memref<!tpu.dma_semaphore, #tpu.memory_space<semaphore_mem>>) src(%dma_wait3A_34 : memref<10000x128xf32, #tpu.memory_space<hbm>>) dst(%dma_wait3A_29 : memref<16x128xf32, #tpu.memory_space<vmem>>)
    %dma_wait3A_35 = arith.constant 0 : i32
    %dma_wait3A_36 = arith.constant 0 : i32
    %dma_wait3A_37 = tpu.memref_slice %arg12[%dma_wait3A_35, %dma_wait3A_36] : memref<128x128xf32, #tpu.memory_space<vmem>> -> memref<16x128xf32, #tpu.memory_space<vmem>>
    %dma_wait3A_38 = arith.constant 9984 : i32
    %dma_wait3A_39 = tpu.memref_slice %arg8[%dma_wait3A_38] : memref<10000xi32, #tpu.memory_space<vmem>> -> memref<16xi32, #tpu.memory_space<vmem>>
    %dma_wait3A_40 = arith.constant 0 : i32
    %dma_wait3A_41 = arith.constant 0 : i32
    %dma_wait3A_42 = tpu.memref_slice %arg3[%dma_wait3A_40, %dma_wait3A_41] : memref<10000x128xf32, #tpu.memory_space<hbm>> -> memref<10000x128xf32, #tpu.memory_space<hbm>>
    tpu.wait_indirect_dma semaphore(%arg15 : memref<!tpu.dma_semaphore, #tpu.memory_space<semaphore_mem>>) src(%dma_wait3A_42 : memref<10000x128xf32, #tpu.memory_space<hbm>>) dst(%dma_wait3A_37 : memref<16x128xf32, #tpu.memory_space<vmem>>)
    %scan3A_43 = arith.constant 0 : i32
    %scan3A_44 = arith.constant 0 : i32
    %scan3A_45 = arith.constant 16 : i32
    %scan3A_46 = arith.addi %scan3A_44, %scan3A_45 : i32
    %scan3A_47 = arith.constant 1 : i32
    %scan3A_48 = scf.for %scan3A_60 = %scan3A_44 to %scan3A_46 step %scan3A_47 iter_args(%scan3A_61 = %scan3A_43) -> (i32)  : i32 {
      %get3A = arith.index_cast %scan3A_60 : i32 to index
      %get3A_62 = arith.constant 0 : index
      %get3A_63 = tpu.vector_load %arg9[%get3A, %get3A_62] {strides = array<i32>} : memref<128x128xf32, #tpu.memory_space<vmem>>, vector<1x16xf32>,
      %get3A_64 = vector.shape_cast %get3A_63 : vector<1x16xf32> to vector<16xf32>
      %get3A_65 = arith.index_cast %scan3A_60 : i32 to index
      %get3A_66 = arith.constant 0 : index
      %get3A_67 = tpu.vector_load %arg12[%get3A_65, %get3A_66] {strides = array<i32>} : memref<128x128xf32, #tpu.memory_space<vmem>>, vector<1x16xf32>,
      %get3A_68 = vector.shape_cast %get3A_67 : vector<1x16xf32> to vector<16xf32>
      %add3A_69 = arith.addf %get3A_64, %get3A_68 : vector<16xf32>
      %swap3A = arith.index_cast %scan3A_60 : i32 to index
      %swap3A_70 = arith.constant 0 : index
      %swap3A_71 = tpu.vector_load %arg9[%swap3A, %swap3A_70] {strides = array<i32>} : memref<128x128xf32, #tpu.memory_space<vmem>>, vector<1x16xf32>,
      %swap3A_72 = vector.shape_cast %swap3A_71 : vector<1x16xf32> to vector<16xf32>
      %swap3A_73 = vector.shape_cast %add3A_69 : vector<16xf32> to vector<1x16xf32>
      tpu.vector_store %arg9[%swap3A, %swap3A_70], %swap3A_73 {strides = array<i32>} : memref<128x128xf32, #tpu.memory_space<vmem>>, vector<1x16xf32>,
      %get3A_74 = arith.index_cast %scan3A_60 : i32 to index
      %get3A_75 = arith.constant 16 : index
      %get3A_76 = tpu.vector_load %arg9[%get3A_74, %get3A_75] {strides = array<i32>} : memref<128x128xf32, #tpu.memory_space<vmem>>, vector<1x16xf32>,
      %get3A_77 = vector.shape_cast %get3A_76 : vector<1x16xf32> to vector<16xf32>
      %get3A_78 = arith.index_cast %scan3A_60 : i32 to index
      %get3A_79 = arith.constant 16 : index
      %get3A_80 = tpu.vector_load %arg12[%get3A_78, %get3A_79] {strides = array<i32>} : memref<128x128xf32, #tpu.memory_space<vmem>>, vector<1x16xf32>,
      %get3A_81 = vector.shape_cast %get3A_80 : vector<1x16xf32> to vector<16xf32>
      %add3A_82 = arith.addf %get3A_77, %get3A_81 : vector<16xf32>
      %swap3A_83 = arith.index_cast %scan3A_60 : i32 to index
      %swap3A_84 = arith.constant 16 : index
      %swap3A_85 = tpu.vector_load %arg9[%swap3A_83, %swap3A_84] {strides = array<i32>} : memref<128x128xf32, #tpu.memory_space<vmem>>, vector<1x16xf32>,
      %swap3A_86 = vector.shape_cast %swap3A_85 : vector<1x16xf32> to vector<16xf32>
      %swap3A_87 = vector.shape_cast %add3A_82 : vector<16xf32> to vector<1x16xf32>
      tpu.vector_store %arg9[%swap3A_83, %swap3A_84], %swap3A_87 {strides = array<i32>} : memref<128x128xf32, #tpu.memory_space<vmem>>, vector<1x16xf32>,
      %get3A_88 = arith.index_cast %scan3A_60 : i32 to index
      %get3A_89 = arith.constant 32 : index
      %get3A_90 = tpu.vector_load %arg9[%get3A_88, %get3A_89] {strides = array<i32>} : memref<128x128xf32, #tpu.memory_space<vmem>>, vector<1x16xf32>,
      %get3A_91 = vector.shape_cast %get3A_90 : vector<1x16xf32> to vector<16xf32>
      %get3A_92 = arith.index_cast %scan3A_60 : i32 to index
      %get3A_93 = arith.constant 32 : index
      %get3A_94 = tpu.vector_load %arg12[%get3A_92, %get3A_93] {strides = array<i32>} : memref<128x128xf32, #tpu.memory_space<vmem>>, vector<1x16xf32>,
      %get3A_95 = vector.shape_cast %get3A_94 : vector<1x16xf32> to vector<16xf32>
      %add3A_96 = arith.addf %get3A_91, %get3A_95 : vector<16xf32>
      %swap3A_97 = arith.index_cast %scan3A_60 : i32 to index
      %swap3A_98 = arith.constant 32 : index
      %swap3A_99 = tpu.vector_load %arg9[%swap3A_97, %swap3A_98] {strides = array<i32>} : memref<128x128xf32, #tpu.memory_space<vmem>>, vector<1x16xf32>,
      %swap3A_100 = vector.shape_cast %swap3A_99 : vector<1x16xf32> to vector<16xf32>
      %swap3A_101 = vector.shape_cast %add3A_96 : vector<16xf32> to vector<1x16xf32>
      tpu.vector_store %arg9[%swap3A_97, %swap3A_98], %swap3A_101 {strides = array<i32>} : memref<128x128xf32, #tpu.memory_space<vmem>>, vector<1x16xf32>,
      %get3A_102 = arith.index_cast %scan3A_60 : i32 to index
      %get3A_103 = arith.constant 48 : index
      %get3A_104 = tpu.vector_load %arg9[%get3A_102, %get3A_103] {strides = array<i32>} : memref<128x128xf32, #tpu.memory_space<vmem>>, vector<1x16xf32>,
      %get3A_105 = vector.shape_cast %get3A_104 : vector<1x16xf32> to vector<16xf32>
      %get3A_106 = arith.index_cast %scan3A_60 : i32 to index
      %get3A_107 = arith.constant 48 : index
      %get3A_108 = tpu.vector_load %arg12[%get3A_106, %get3A_107] {strides = array<i32>} : memref<128x128xf32, #tpu.memory_space<vmem>>, vector<1x16xf32>,
      %get3A_109 = vector.shape_cast %get3A_108 : vector<1x16xf32> to vector<16xf32>
      %add3A_110 = arith.addf %get3A_105, %get3A_109 : vector<16xf32>
      %swap3A_111 = arith.index_cast %scan3A_60 : i32 to index
      %swap3A_112 = arith.constant 48 : index
      %swap3A_113 = tpu.vector_load %arg9[%swap3A_111, %swap3A_112] {strides = array<i32>} : memref<128x128xf32, #tpu.memory_space<vmem>>, vector<1x16xf32>,
      %swap3A_114 = vector.shape_cast %swap3A_113 : vector<1x16xf32> to vector<16xf32>
      %swap3A_115 = vector.shape_cast %add3A_110 : vector<16xf32> to vector<1x16xf32>
      tpu.vector_store %arg9[%swap3A_111, %swap3A_112], %swap3A_115 {strides = array<i32>} : memref<128x128xf32, #tpu.memory_space<vmem>>, vector<1x16xf32>,
      %get3A_116 = arith.index_cast %scan3A_60 : i32 to index
      %get3A_117 = arith.constant 64 : index
      %get3A_118 = tpu.vector_load %arg9[%get3A_116, %get3A_117] {strides = array<i32>} : memref<128x128xf32, #tpu.memory_space<vmem>>, vector<1x16xf32>,
      %get3A_119 = vector.shape_cast %get3A_118 : vector<1x16xf32> to vector<16xf32>
      %get3A_120 = arith.index_cast %scan3A_60 : i32 to index
      %get3A_121 = arith.constant 64 : index
      %get3A_122 = tpu.vector_load %arg12[%get3A_120, %get3A_121] {strides = array<i32>} : memref<128x128xf32, #tpu.memory_space<vmem>>, vector<1x16xf32>,
      %get3A_123 = vector.shape_cast %get3A_122 : vector<1x16xf32> to vector<16xf32>
      %add3A_124 = arith.addf %get3A_119, %get3A_123 : vector<16xf32>
      %swap3A_125 = arith.index_cast %scan3A_60 : i32 to index
      %swap3A_126 = arith.constant 64 : index
      %swap3A_127 = tpu.vector_load %arg9[%swap3A_125, %swap3A_126] {strides = array<i32>} : memref<128x128xf32, #tpu.memory_space<vmem>>, vector<1x16xf32>,
      %swap3A_128 = vector.shape_cast %swap3A_127 : vector<1x16xf32> to vector<16xf32>
      %swap3A_129 = vector.shape_cast %add3A_124 : vector<16xf32> to vector<1x16xf32>
      tpu.vector_store %arg9[%swap3A_125, %swap3A_126], %swap3A_129 {strides = array<i32>} : memref<128x128xf32, #tpu.memory_space<vmem>>, vector<1x16xf32>,
      %get3A_130 = arith.index_cast %scan3A_60 : i32 to index
      %get3A_131 = arith.constant 80 : index
      %get3A_132 = tpu.vector_load %arg9[%get3A_130, %get3A_131] {strides = array<i32>} : memref<128x128xf32, #tpu.memory_space<vmem>>, vector<1x16xf32>,
      %get3A_133 = vector.shape_cast %get3A_132 : vector<1x16xf32> to vector<16xf32>
      %get3A_134 = arith.index_cast %scan3A_60 : i32 to index
      %get3A_135 = arith.constant 80 : index
      %get3A_136 = tpu.vector_load %arg12[%get3A_134, %get3A_135] {strides = array<i32>} : memref<128x128xf32, #tpu.memory_space<vmem>>, vector<1x16xf32>,
      %get3A_137 = vector.shape_cast %get3A_136 : vector<1x16xf32> to vector<16xf32>
      %add3A_138 = arith.addf %get3A_133, %get3A_137 : vector<16xf32>
      %swap3A_139 = arith.index_cast %scan3A_60 : i32 to index
      %swap3A_140 = arith.constant 80 : index
      %swap3A_141 = tpu.vector_load %arg9[%swap3A_139, %swap3A_140] {strides = array<i32>} : memref<128x128xf32, #tpu.memory_space<vmem>>, vector<1x16xf32>,
      %swap3A_142 = vector.shape_cast %swap3A_141 : vector<1x16xf32> to vector<16xf32>
      %swap3A_143 = vector.shape_cast %add3A_138 : vector<16xf32> to vector<1x16xf32>
      tpu.vector_store %arg9[%swap3A_139, %swap3A_140], %swap3A_143 {strides = array<i32>} : memref<128x128xf32, #tpu.memory_space<vmem>>, vector<1x16xf32>,
      %get3A_144 = arith.index_cast %scan3A_60 : i32 to index
      %get3A_145 = arith.constant 96 : index
      %get3A_146 = tpu.vector_load %arg9[%get3A_144, %get3A_145] {strides = array<i32>} : memref<128x128xf32, #tpu.memory_space<vmem>>, vector<1x16xf32>,
      %get3A_147 = vector.shape_cast %get3A_146 : vector<1x16xf32> to vector<16xf32>
      %get3A_148 = arith.index_cast %scan3A_60 : i32 to index
      %get3A_149 = arith.constant 96 : index
      %get3A_150 = tpu.vector_load %arg12[%get3A_148, %get3A_149] {strides = array<i32>} : memref<128x128xf32, #tpu.memory_space<vmem>>, vector<1x16xf32>,
      %get3A_151 = vector.shape_cast %get3A_150 : vector<1x16xf32> to vector<16xf32>
      %add3A_152 = arith.addf %get3A_147, %get3A_151 : vector<16xf32>
      %swap3A_153 = arith.index_cast %scan3A_60 : i32 to index
      %swap3A_154 = arith.constant 96 : index
      %swap3A_155 = tpu.vector_load %arg9[%swap3A_153, %swap3A_154] {strides = array<i32>} : memref<128x128xf32, #tpu.memory_space<vmem>>, vector<1x16xf32>,
      %swap3A_156 = vector.shape_cast %swap3A_155 : vector<1x16xf32> to vector<16xf32>
      %swap3A_157 = vector.shape_cast %add3A_152 : vector<16xf32> to vector<1x16xf32>
      tpu.vector_store %arg9[%swap3A_153, %swap3A_154], %swap3A_157 {strides = array<i32>} : memref<128x128xf32, #tpu.memory_space<vmem>>, vector<1x16xf32>,
      %get3A_158 = arith.index_cast %scan3A_60 : i32 to index
      %get3A_159 = arith.constant 112 : index
      %get3A_160 = tpu.vector_load %arg9[%get3A_158, %get3A_159] {strides = array<i32>} : memref<128x128xf32, #tpu.memory_space<vmem>>, vector<1x16xf32>,
      %get3A_161 = vector.shape_cast %get3A_160 : vector<1x16xf32> to vector<16xf32>
      %get3A_162 = arith.index_cast %scan3A_60 : i32 to index
      %get3A_163 = arith.constant 112 : index
      %get3A_164 = tpu.vector_load %arg12[%get3A_162, %get3A_163] {strides = array<i32>} : memref<128x128xf32, #tpu.memory_space<vmem>>, vector<1x16xf32>,
      %get3A_165 = vector.shape_cast %get3A_164 : vector<1x16xf32> to vector<16xf32>
      %add3A_166 = arith.addf %get3A_161, %get3A_165 : vector<16xf32>
      %swap3A_167 = arith.index_cast %scan3A_60 : i32 to index
      %swap3A_168 = arith.constant 112 : index
      %swap3A_169 = tpu.vector_load %arg9[%swap3A_167, %swap3A_168] {strides = array<i32>} : memref<128x128xf32, #tpu.memory_space<vmem>>, vector<1x16xf32>,
      %swap3A_170 = vector.shape_cast %swap3A_169 : vector<1x16xf32> to vector<16xf32>
      %swap3A_171 = vector.shape_cast %add3A_166 : vector<16xf32> to vector<1x16xf32>
      tpu.vector_store %arg9[%swap3A_167, %swap3A_168], %swap3A_171 {strides = array<i32>} : memref<128x128xf32, #tpu.memory_space<vmem>>, vector<1x16xf32>,
      %scan3A_172 = arith.constant 0 : i32
      scf.yield %scan3A_172 : i32
    }
    %scan3A_49 = arith.constant 16 : i32
    %add3A_50 = arith.constant 9984 : i32
    %add3A_51 = arith.addi %mul3A_2, %add3A_50 : i32
    "tpu.region"() ({
      %run_scoped3A = tpu.sem_alloc : memref<!tpu.dma_semaphore, #tpu.memory_space<semaphore_mem>>
      %dma_start3A_60 = arith.constant 0 : i32
      %dma_start3A_61 = arith.constant 0 : i32
      %dma_start3A_62 = tpu.memref_slice %arg9[%dma_start3A_60, %dma_start3A_61] : memref<128x128xf32, #tpu.memory_space<vmem>> -> memref<16x128xf32, #tpu.memory_space<vmem>>
      %dma_start3A_63 = arith.constant 0 : i32
      %dma_start3A_64 = tpu.memref_slice %arg6[%add3A_51, %dma_start3A_63] : memref<320000x128xf32, #tpu.memory_space<hbm>> -> memref<16x128xf32, #tpu.memory_space<hbm>>
      %dma_start3A_65 = arith.constant 0 : i32
      %dma_start3A_66 = tpu.memref_slice %arg6[%add3A_51, %dma_start3A_65] : memref<320000x128xf32, #tpu.memory_space<hbm>> -> memref<16x128xf32, #tpu.memory_space<hbm>>
      %dma_start3A_67 = arith.constant 0 : i32
      %dma_start3A_68 = arith.constant 0 : i32
      %dma_start3A_69 = tpu.memref_slice %arg9[%dma_start3A_67, %dma_start3A_68] : memref<128x128xf32, #tpu.memory_space<vmem>> -> memref<16x128xf32, #tpu.memory_space<vmem>>
      tpu.enqueue_dma source(%dma_start3A_69 : memref<16x128xf32, #tpu.memory_space<vmem>>) target(%dma_start3A_66 : memref<16x128xf32, #tpu.memory_space<hbm>>) target_semaphore(%run_scoped3A : memref<!tpu.dma_semaphore, #tpu.memory_space<semaphore_mem>>)
      %dma_wait3A_70 = arith.constant 0 : i32
      %dma_wait3A_71 = arith.constant 0 : i32
      %dma_wait3A_72 = tpu.memref_slice %arg9[%dma_wait3A_70, %dma_wait3A_71] : memref<128x128xf32, #tpu.memory_space<vmem>> -> memref<16x128xf32, #tpu.memory_space<vmem>>
      %dma_wait3A_73 = arith.constant 0 : i32
      %dma_wait3A_74 = tpu.memref_slice %arg6[%add3A_51, %dma_wait3A_73] : memref<320000x128xf32, #tpu.memory_space<hbm>> -> memref<16x128xf32, #tpu.memory_space<hbm>>
      %dma_wait3A_75 = arith.constant 0 : i32
      %dma_wait3A_76 = tpu.memref_slice %arg6[%add3A_51, %dma_wait3A_75] : memref<320000x128xf32, #tpu.memory_space<hbm>> -> memref<16x128xf32, #tpu.memory_space<hbm>>
      %dma_wait3A_77 = arith.constant 0 : i32
      %dma_wait3A_78 = arith.constant 0 : i32
      %dma_wait3A_79 = tpu.memref_slice %arg9[%dma_wait3A_77, %dma_wait3A_78] : memref<128x128xf32, #tpu.memory_space<vmem>> -> memref<16x128xf32, #tpu.memory_space<vmem>>
      tpu.wait_dma2 semaphore(%run_scoped3A : memref<!tpu.dma_semaphore, #tpu.memory_space<semaphore_mem>>) src(%dma_wait3A_79 : memref<16x128xf32, #tpu.memory_space<vmem>>) dst(%dma_wait3A_76 : memref<16x128xf32, #tpu.memory_space<hbm>>)
      tpu.yield
    }) : () -> ()
    %dma_wait3A_52 = arith.constant 0 : i32
    %dma_wait3A_53 = tpu.memref_slice %arg6[%mul3A_2, %dma_wait3A_52] : memref<320000x128xf32, #tpu.memory_space<hbm>> -> memref<128x128xf32, #tpu.memory_space<hbm>>
    %dma_wait3A_54 = arith.constant 0 : i32
    %dma_wait3A_55 = tpu.memref_slice %arg6[%mul3A_2, %dma_wait3A_54] : memref<320000x128xf32, #tpu.memory_space<hbm>> -> memref<128x128xf32, #tpu.memory_space<hbm>>
    tpu.wait_dma2 semaphore(%arg19 : memref<!tpu.dma_semaphore, #tpu.memory_space<semaphore_mem>>) src(%arg10 : memref<128x128xf32, #tpu.memory_space<vmem>>) dst(%dma_wait3A_55 : memref<128x128xf32, #tpu.memory_space<hbm>>)
    %dma_wait3A_56 = arith.constant 0 : i32
    %dma_wait3A_57 = tpu.memref_slice %arg6[%mul3A_2, %dma_wait3A_56] : memref<320000x128xf32, #tpu.memory_space<hbm>> -> memref<128x128xf32, #tpu.memory_space<hbm>>
    %dma_wait3A_58 = arith.constant 0 : i32
    %dma_wait3A_59 = tpu.memref_slice %arg6[%mul3A_2, %dma_wait3A_58] : memref<320000x128xf32, #tpu.memory_space<hbm>> -> memref<128x128xf32, #tpu.memory_space<hbm>>
    tpu.wait_dma2 semaphore(%arg20 : memref<!tpu.dma_semaphore, #tpu.memory_space<semaphore_mem>>) src(%arg11 : memref<128x128xf32, #tpu.memory_space<vmem>>) dst(%dma_wait3A_59 : memref<128x128xf32, #tpu.memory_space<hbm>>)
    return
  }
}

module attributes {stable_mosaic.version = 14 : i64} {
  func.func @_pre_body(%arg0: memref<10000x128xf32, #tpu.memory_space<vmem>>, %arg1: memref<272x128xf32, #tpu.memory_space<vmem>>, %arg2: memref<10000x128xf32, #tpu.memory_space<vmem>>, %arg3: memref<10000x128xf32, #tpu.memory_space<vmem>>) attributes {dimension_semantics = [], scalar_prefetch = 0 : i64, scratch_operands = 0 : i64, tpu.core_type = #tpu.core_type<tc>} {
    %get3A = arith.constant 0 : index
    %get3A_0 = arith.constant 0 : index
    %get3A_1 = vector.load %arg0[%get3A, %get3A_0] : memref<10000x128xf32, #tpu.memory_space<vmem>>, vector<10000x128xf32>
    %get3A_2 = arith.constant 0 : index
    %get3A_3 = arith.constant 0 : index
    %get3A_4 = vector.load %arg1[%get3A_2, %get3A_3] : memref<272x128xf32, #tpu.memory_space<vmem>>, vector<128x128xf32>
    %get3A_5 = arith.constant 128 : index
    %get3A_6 = arith.constant 0 : index
    %get3A_7 = vector.load %arg1[%get3A_5, %get3A_6] : memref<272x128xf32, #tpu.memory_space<vmem>>, vector<128x128xf32>
    %dot_general3A = arith.constant dense<0.000000e+00> : vector<10000x128xf32>
    %dot_general3A_8 = tpu.matmul %get3A_1, %get3A_4, %dot_general3A {dimension_numbers = #tpu.dot_dimension_numbers<[1], [0], [0], [1], [0, 0, 1, 1], [], []>, transpose_lhs_hint = false} : vector<10000x128xf32>, vector<128x128xf32>, vector<10000x128xf32> -> vector<10000x128xf32>
    %swap3A = arith.constant 0 : index
    %swap3A_9 = arith.constant 0 : index
    %swap3A_10 = vector.load %arg2[%swap3A, %swap3A_9] : memref<10000x128xf32, #tpu.memory_space<vmem>>, vector<10000x128xf32>
    tpu.vector_store %arg2[%swap3A, %swap3A_9], %dot_general3A_8 {strides = array<i32>} : memref<10000x128xf32, #tpu.memory_space<vmem>>, vector<10000x128xf32>,
    %dot_general3A_11 = arith.constant dense<0.000000e+00> : vector<10000x128xf32>
    %dot_general3A_12 = tpu.matmul %get3A_1, %get3A_7, %dot_general3A_11 {dimension_numbers = #tpu.dot_dimension_numbers<[1], [0], [0], [1], [0, 0, 1, 1], [], []>, transpose_lhs_hint = false} : vector<10000x128xf32>, vector<128x128xf32>, vector<10000x128xf32> -> vector<10000x128xf32>
    %swap3A_13 = arith.constant 0 : index
    %swap3A_14 = arith.constant 0 : index
    %swap3A_15 = vector.load %arg3[%swap3A_13, %swap3A_14] : memref<10000x128xf32, #tpu.memory_space<vmem>>, vector<10000x128xf32>
    tpu.vector_store %arg3[%swap3A_13, %swap3A_14], %dot_general3A_12 {strides = array<i32>} : memref<10000x128xf32, #tpu.memory_space<vmem>>, vector<10000x128xf32>,
    return
  }
}

module attributes {stable_mosaic.version = 14 : i64} {
  func.func @_edge_body(%arg0: i32, %arg1: memref<6400x128xf32, #tpu.memory_space<vmem>>, %arg2: memref<6400x16xf32, #tpu.memory_space<vmem>>, %arg3: memref<272x128xf32, #tpu.memory_space<vmem>>, %arg4: memref<1x128xf32, #tpu.memory_space<vmem>>, %arg5: memref<128x16xf32, #tpu.memory_space<vmem>>, %arg6: memref<1x16xf32, #tpu.memory_space<vmem>>, %arg7: memref<1x16xf32, #tpu.memory_space<vmem>>, %arg8: memref<1x16xf32, #tpu.memory_space<vmem>>, %arg9: memref<6400x16xf32, #tpu.memory_space<vmem>>, %arg10: memref<6400x32xf32, #tpu.memory_space<vmem>>) attributes {dimension_semantics = [#tpu.dimension_semantics<arbitrary>], iteration_bounds = array<i64: 50>, scalar_prefetch = 0 : i64, scratch_operands = 0 : i64, tpu.core_type = #tpu.core_type<tc>, window_params = [{transform_indices = @transform_0, window_bounds = array<i64: 6400, 128>}, {transform_indices = @transform_1, window_bounds = array<i64: 6400, 16>}, {pipeline_mode = #tpu.pipeline_mode<synchronous>, transform_indices = @transform_2, window_bounds = array<i64: 272, 128>}, {pipeline_mode = #tpu.pipeline_mode<synchronous>, transform_indices = @transform_3, window_bounds = array<i64: 1, 128>}, {pipeline_mode = #tpu.pipeline_mode<synchronous>, transform_indices = @transform_4, window_bounds = array<i64: 128, 16>}, {pipeline_mode = #tpu.pipeline_mode<synchronous>, transform_indices = @transform_5, window_bounds = array<i64: 1, 16>}, {pipeline_mode = #tpu.pipeline_mode<synchronous>, transform_indices = @transform_6, window_bounds = array<i64: 1, 16>}, {pipeline_mode = #tpu.pipeline_mode<synchronous>, transform_indices = @transform_7, window_bounds = array<i64: 1, 16>}, {transform_indices = @transform_8, window_bounds = array<i64: 6400, 16>}, {transform_indices = @transform_9, window_bounds = array<i64: 6400, 32>}]} {
    %get3A = arith.constant 0 : index
    %get3A_0 = arith.constant 0 : index
    %get3A_1 = vector.load %arg2[%get3A, %get3A_0] : memref<6400x16xf32, #tpu.memory_space<vmem>>, vector<6400x16xf32>
    %get3A_2 = arith.constant 256 : index
    %get3A_3 = arith.constant 0 : index
    %get3A_4 = vector.load %arg3[%get3A_2, %get3A_3] : memref<272x128xf32, #tpu.memory_space<vmem>>, vector<16x128xf32>
    %get3A_5 = arith.constant 0 : index
    %get3A_6 = arith.constant 0 : index
    %get3A_7 = vector.load %arg1[%get3A_5, %get3A_6] : memref<6400x128xf32, #tpu.memory_space<vmem>>, vector<6400x128xf32>
    %dot_general3A = arith.constant dense<0.000000e+00> : vector<6400x128xf32>
    %dot_general3A_8 = tpu.matmul %get3A_1, %get3A_4, %dot_general3A {dimension_numbers = #tpu.dot_dimension_numbers<[1], [0], [0], [1], [0, 0, 1, 1], [], []>, transpose_lhs_hint = false} : vector<6400x16xf32>, vector<16x128xf32>, vector<6400x128xf32> -> vector<6400x128xf32>
    %add3A = arith.addf %get3A_7, %dot_general3A_8 : vector<6400x128xf32>
    %get3A_9 = arith.constant 0 : index
    %get3A_10 = arith.constant 0 : index
    %get3A_11 = vector.load %arg4[%get3A_9, %get3A_10] : memref<1x128xf32, #tpu.memory_space<vmem>>, vector<1x128xf32>
    %add3A_12 = vector.broadcast %get3A_11 : vector<1x128xf32> to vector<6400x128xf32>
    %add3A_13 = arith.addf %add3A, %add3A_12 : vector<6400x128xf32>
    %mul3A = arith.constant 5.000000e-01 : f32
    %mul3A_14 = vector.broadcast %mul3A : f32 to vector<6400x128xf32>
    %mul3A_15 = arith.mulf %mul3A_14, %add3A_13 : vector<6400x128xf32>
    %mul3A_16 = arith.constant 0.707106769 : f32
    %mul3A_17 = vector.broadcast %mul3A_16 : f32 to vector<6400x128xf32>
    %mul3A_18 = arith.mulf %add3A_13, %mul3A_17 : vector<6400x128xf32>
    %erf3A = math.erf %mul3A_18 : vector<6400x128xf32>
    %add3A_19 = arith.constant 1.000000e+00 : f32
    %add3A_20 = vector.broadcast %add3A_19 : f32 to vector<6400x128xf32>
    %add3A_21 = arith.addf %add3A_20, %erf3A : vector<6400x128xf32>
    %mul3A_22 = arith.mulf %mul3A_15, %add3A_21 : vector<6400x128xf32>
    %get3A_23 = arith.constant 0 : index
    %get3A_24 = arith.constant 0 : index
    %get3A_25 = vector.load %arg5[%get3A_23, %get3A_24] : memref<128x16xf32, #tpu.memory_space<vmem>>, vector<128x16xf32>
    %dot_general3A_26 = arith.constant dense<0.000000e+00> : vector<6400x16xf32>
    %dot_general3A_27 = tpu.matmul %mul3A_22, %get3A_25, %dot_general3A_26 {dimension_numbers = #tpu.dot_dimension_numbers<[1], [0], [0], [1], [0, 0, 1, 1], [], []>, transpose_lhs_hint = false} : vector<6400x128xf32>, vector<128x16xf32>, vector<6400x16xf32> -> vector<6400x16xf32>
    %add3A_28 = arith.addf %get3A_1, %dot_general3A_27 : vector<6400x16xf32>
    %get3A_29 = arith.constant 0 : index
    %get3A_30 = arith.constant 0 : index
    %get3A_31 = vector.load %arg6[%get3A_29, %get3A_30] : memref<1x16xf32, #tpu.memory_space<vmem>>, vector<1x16xf32>
    %add3A_32 = vector.broadcast %get3A_31 : vector<1x16xf32> to vector<6400x16xf32>
    %add3A_33 = arith.addf %add3A_28, %add3A_32 : vector<6400x16xf32>
    %reduce_sum3A = arith.constant dense<0.000000e+00> : vector<6400xf32>
    %reduce_sum3A_34 = vector.multi_reduction <add>, %add3A_33, %reduce_sum3A [1] : vector<6400x16xf32> to vector<6400xf32>
    %broadcast_in_dim3A = vector.shape_cast %reduce_sum3A_34 : vector<6400xf32> to vector<6400x1xf32>
    %div3A = arith.constant 1.600000e+01 : f32
    %div3A_35 = vector.broadcast %div3A : f32 to vector<6400x1xf32>
    %div3A_36 = arith.divf %broadcast_in_dim3A, %div3A_35 : vector<6400x1xf32>
    %sub3A = vector.broadcast %div3A_36 : vector<6400x1xf32> to vector<6400x16xf32>
    %sub3A_37 = arith.subf %add3A_33, %sub3A : vector<6400x16xf32>
    %integer_pow3A = arith.mulf %sub3A_37, %sub3A_37 : vector<6400x16xf32>
    %reduce_sum3A_38 = arith.constant dense<0.000000e+00> : vector<6400xf32>
    %reduce_sum3A_39 = vector.multi_reduction <add>, %integer_pow3A, %reduce_sum3A_38 [1] : vector<6400x16xf32> to vector<6400xf32>
    %broadcast_in_dim3A_40 = vector.shape_cast %reduce_sum3A_39 : vector<6400xf32> to vector<6400x1xf32>
    %div3A_41 = arith.constant 1.600000e+01 : f32
    %div3A_42 = vector.broadcast %div3A_41 : f32 to vector<6400x1xf32>
    %div3A_43 = arith.divf %broadcast_in_dim3A_40, %div3A_42 : vector<6400x1xf32>
    %sub3A_44 = vector.broadcast %div3A_36 : vector<6400x1xf32> to vector<6400x16xf32>
    %sub3A_45 = arith.subf %add3A_33, %sub3A_44 : vector<6400x16xf32>
    %add3A_46 = arith.constant 9.99999974E-6 : f32
    %add3A_47 = vector.broadcast %add3A_46 : f32 to vector<6400x1xf32>
    %add3A_48 = arith.addf %div3A_43, %add3A_47 : vector<6400x1xf32>
    %rsqrt3A = math.rsqrt %add3A_48 : vector<6400x1xf32>
    %mul3A_49 = vector.broadcast %rsqrt3A : vector<6400x1xf32> to vector<6400x16xf32>
    %mul3A_50 = arith.mulf %sub3A_45, %mul3A_49 : vector<6400x16xf32>
    %get3A_51 = arith.constant 0 : index
    %get3A_52 = arith.constant 0 : index
    %get3A_53 = vector.load %arg7[%get3A_51, %get3A_52] : memref<1x16xf32, #tpu.memory_space<vmem>>, vector<1x16xf32>
    %mul3A_54 = vector.broadcast %get3A_53 : vector<1x16xf32> to vector<6400x16xf32>
    %mul3A_55 = arith.mulf %mul3A_50, %mul3A_54 : vector<6400x16xf32>
    %get3A_56 = arith.constant 0 : index
    %get3A_57 = arith.constant 0 : index
    %get3A_58 = vector.load %arg8[%get3A_56, %get3A_57] : memref<1x16xf32, #tpu.memory_space<vmem>>, vector<1x16xf32>
    %add3A_59 = vector.broadcast %get3A_58 : vector<1x16xf32> to vector<6400x16xf32>
    %add3A_60 = arith.addf %mul3A_55, %add3A_59 : vector<6400x16xf32>
    %swap3A = arith.constant 0 : index
    %swap3A_61 = arith.constant 0 : index
    %swap3A_62 = vector.load %arg9[%swap3A, %swap3A_61] : memref<6400x16xf32, #tpu.memory_space<vmem>>, vector<6400x16xf32>
    tpu.vector_store %arg9[%swap3A, %swap3A_61], %add3A_60 {strides = array<i32>} : memref<6400x16xf32, #tpu.memory_space<vmem>>, vector<6400x16xf32>,
    %broadcast_in_dim3A_63 = arith.constant 1.000000e+00 : f32
    %broadcast_in_dim3A_64 = vector.broadcast %broadcast_in_dim3A_63 : f32 to vector<6400x16xf32>
    %concatenate3A = tpu.concatenate %add3A_60, %broadcast_in_dim3A_64 in 1 : vector<6400x16xf32>, vector<6400x16xf32> -> vector<6400x32xf32>
    %swap3A_65 = arith.constant 0 : index
    %swap3A_66 = arith.constant 0 : index
    %swap3A_67 = vector.load %arg10[%swap3A_65, %swap3A_66] : memref<6400x32xf32, #tpu.memory_space<vmem>>, vector<6400x32xf32>
    tpu.vector_store %arg10[%swap3A_65, %swap3A_66], %concatenate3A {strides = array<i32>} : memref<6400x32xf32, #tpu.memory_space<vmem>>, vector<6400x32xf32>,
    return
  }
  func.func @transform_0(%arg0: i32) -> (i32, i32) {
    %c0_i32 = arith.constant 0 : i32
    %c0_i32_0 = arith.constant 0 : i32
    return %arg0, %c0_i32 : i32, i32
  }
  func.func @transform_1(%arg0: i32) -> (i32, i32) {
    %c0_i32 = arith.constant 0 : i32
    %c0_i32_0 = arith.constant 0 : i32
    return %arg0, %c0_i32 : i32, i32
  }
  func.func @transform_2(%arg0: i32) -> (i32, i32) {
    %c0_i32 = arith.constant 0 : i32
    %c0_i32_0 = arith.constant 0 : i32
    %c0_i32_1 = arith.constant 0 : i32
    return %c0_i32, %c0_i32_0 : i32, i32
  }
  func.func @transform_3(%arg0: i32) -> (i32, i32) {
    %c0_i32 = arith.constant 0 : i32
    %c0_i32_0 = arith.constant 0 : i32
    %c0_i32_1 = arith.constant 0 : i32
    return %c0_i32, %c0_i32_0 : i32, i32
  }
  func.func @transform_4(%arg0: i32) -> (i32, i32) {
    %c0_i32 = arith.constant 0 : i32
    %c0_i32_0 = arith.constant 0 : i32
    %c0_i32_1 = arith.constant 0 : i32
    return %c0_i32, %c0_i32_0 : i32, i32
  }
  func.func @transform_5(%arg0: i32) -> (i32, i32) {
    %c0_i32 = arith.constant 0 : i32
    %c0_i32_0 = arith.constant 0 : i32
    %c0_i32_1 = arith.constant 0 : i32
    return %c0_i32, %c0_i32_0 : i32, i32
  }
  func.func @transform_6(%arg0: i32) -> (i32, i32) {
    %c0_i32 = arith.constant 0 : i32
    %c0_i32_0 = arith.constant 0 : i32
    %c0_i32_1 = arith.constant 0 : i32
    return %c0_i32, %c0_i32_0 : i32, i32
  }
  func.func @transform_7(%arg0: i32) -> (i32, i32) {
    %c0_i32 = arith.constant 0 : i32
    %c0_i32_0 = arith.constant 0 : i32
    %c0_i32_1 = arith.constant 0 : i32
    return %c0_i32, %c0_i32_0 : i32, i32
  }
  func.func @transform_8(%arg0: i32) -> (i32, i32) {
    %c0_i32 = arith.constant 0 : i32
    %c0_i32_0 = arith.constant 0 : i32
    return %arg0, %c0_i32 : i32, i32
  }
  func.func @transform_9(%arg0: i32) -> (i32, i32) {
    %c0_i32 = arith.constant 0 : i32
    %c0_i32_0 = arith.constant 0 : i32
    return %arg0, %c0_i32 : i32, i32
  }
}

module attributes {stable_mosaic.version = 14 : i64} {
  func.func @_node_body(%arg0: memref<10000x128xf32, #tpu.memory_space<vmem>>, %arg1: memref<10000x32xf32, #tpu.memory_space<vmem>>, %arg2: memref<144x128xf32, #tpu.memory_space<vmem>>, %arg3: memref<1x128xf32, #tpu.memory_space<vmem>>, %arg4: memref<128x128xf32, #tpu.memory_space<vmem>>, %arg5: memref<1x128xf32, #tpu.memory_space<vmem>>, %arg6: memref<1x128xf32, #tpu.memory_space<vmem>>, %arg7: memref<1x128xf32, #tpu.memory_space<vmem>>, %arg8: memref<10000x128xf32, #tpu.memory_space<vmem>>) attributes {dimension_semantics = [], scalar_prefetch = 0 : i64, scratch_operands = 0 : i64, tpu.core_type = #tpu.core_type<tc>} {
    %get3A = arith.constant 0 : index
    %get3A_0 = arith.constant 0 : index
    %get3A_1 = vector.load %arg0[%get3A, %get3A_0] : memref<10000x128xf32, #tpu.memory_space<vmem>>, vector<10000x128xf32>
    %get3A_2 = arith.constant 0 : index
    %get3A_3 = arith.constant 16 : index
    %get3A_4 = vector.load %arg1[%get3A_2, %get3A_3] : memref<10000x32xf32, #tpu.memory_space<vmem>>, vector<10000x1xf32>
    %max3A = arith.constant 1.000000e+00 : f32
    %max3A_5 = vector.broadcast %max3A : f32 to vector<10000x1xf32>
    %max3A_6 = arith.maximumf %get3A_4, %max3A_5 : vector<10000x1xf32>
    %get3A_7 = arith.constant 0 : index
    %get3A_8 = arith.constant 0 : index
    %get3A_9 = vector.load %arg1[%get3A_7, %get3A_8] : memref<10000x32xf32, #tpu.memory_space<vmem>>, vector<10000x16xf32>
    %div3A = vector.broadcast %max3A_6 : vector<10000x1xf32> to vector<10000x16xf32>
    %div3A_10 = arith.divf %get3A_9, %div3A : vector<10000x16xf32>
    %get3A_11 = arith.constant 0 : index
    %get3A_12 = arith.constant 0 : index
    %get3A_13 = vector.load %arg2[%get3A_11, %get3A_12] : memref<144x128xf32, #tpu.memory_space<vmem>>, vector<128x128xf32>
    %get3A_14 = arith.constant 128 : index
    %get3A_15 = arith.constant 0 : index
    %get3A_16 = vector.load %arg2[%get3A_14, %get3A_15] : memref<144x128xf32, #tpu.memory_space<vmem>>, vector<16x128xf32>
    %dot_general3A = arith.constant dense<0.000000e+00> : vector<10000x128xf32>
    %dot_general3A_17 = tpu.matmul %get3A_1, %get3A_13, %dot_general3A {dimension_numbers = #tpu.dot_dimension_numbers<[1], [0], [0], [1], [0, 0, 1, 1], [], []>, transpose_lhs_hint = false} : vector<10000x128xf32>, vector<128x128xf32>, vector<10000x128xf32> -> vector<10000x128xf32>
    %dot_general3A_18 = arith.constant dense<0.000000e+00> : vector<10000x128xf32>
    %dot_general3A_19 = tpu.matmul %div3A_10, %get3A_16, %dot_general3A_18 {dimension_numbers = #tpu.dot_dimension_numbers<[1], [0], [0], [1], [0, 0, 1, 1], [], []>, transpose_lhs_hint = false} : vector<10000x16xf32>, vector<16x128xf32>, vector<10000x128xf32> -> vector<10000x128xf32>
    %add3A = arith.addf %dot_general3A_17, %dot_general3A_19 : vector<10000x128xf32>
    %get3A_20 = arith.constant 0 : index
    %get3A_21 = arith.constant 0 : index
    %get3A_22 = vector.load %arg3[%get3A_20, %get3A_21] : memref<1x128xf32, #tpu.memory_space<vmem>>, vector<1x128xf32>
    %add3A_23 = vector.broadcast %get3A_22 : vector<1x128xf32> to vector<10000x128xf32>
    %add3A_24 = arith.addf %add3A, %add3A_23 : vector<10000x128xf32>
    %mul3A = arith.constant 5.000000e-01 : f32
    %mul3A_25 = vector.broadcast %mul3A : f32 to vector<10000x128xf32>
    %mul3A_26 = arith.mulf %mul3A_25, %add3A_24 : vector<10000x128xf32>
    %mul3A_27 = arith.constant 0.707106769 : f32
    %mul3A_28 = vector.broadcast %mul3A_27 : f32 to vector<10000x128xf32>
    %mul3A_29 = arith.mulf %add3A_24, %mul3A_28 : vector<10000x128xf32>
    %erf3A = math.erf %mul3A_29 : vector<10000x128xf32>
    %add3A_30 = arith.constant 1.000000e+00 : f32
    %add3A_31 = vector.broadcast %add3A_30 : f32 to vector<10000x128xf32>
    %add3A_32 = arith.addf %add3A_31, %erf3A : vector<10000x128xf32>
    %mul3A_33 = arith.mulf %mul3A_26, %add3A_32 : vector<10000x128xf32>
    %get3A_34 = arith.constant 0 : index
    %get3A_35 = arith.constant 0 : index
    %get3A_36 = vector.load %arg4[%get3A_34, %get3A_35] : memref<128x128xf32, #tpu.memory_space<vmem>>, vector<128x128xf32>
    %dot_general3A_37 = arith.constant dense<0.000000e+00> : vector<10000x128xf32>
    %dot_general3A_38 = tpu.matmul %mul3A_33, %get3A_36, %dot_general3A_37 {dimension_numbers = #tpu.dot_dimension_numbers<[1], [0], [0], [1], [0, 0, 1, 1], [], []>, transpose_lhs_hint = false} : vector<10000x128xf32>, vector<128x128xf32>, vector<10000x128xf32> -> vector<10000x128xf32>
    %add3A_39 = arith.addf %get3A_1, %dot_general3A_38 : vector<10000x128xf32>
    %get3A_40 = arith.constant 0 : index
    %get3A_41 = arith.constant 0 : index
    %get3A_42 = vector.load %arg5[%get3A_40, %get3A_41] : memref<1x128xf32, #tpu.memory_space<vmem>>, vector<1x128xf32>
    %add3A_43 = vector.broadcast %get3A_42 : vector<1x128xf32> to vector<10000x128xf32>
    %add3A_44 = arith.addf %add3A_39, %add3A_43 : vector<10000x128xf32>
    %reduce_sum3A = arith.constant dense<0.000000e+00> : vector<10000xf32>
    %reduce_sum3A_45 = vector.multi_reduction <add>, %add3A_44, %reduce_sum3A [1] : vector<10000x128xf32> to vector<10000xf32>
    %broadcast_in_dim3A = vector.shape_cast %reduce_sum3A_45 : vector<10000xf32> to vector<10000x1xf32>
    %div3A_46 = arith.constant 1.280000e+02 : f32
    %div3A_47 = vector.broadcast %div3A_46 : f32 to vector<10000x1xf32>
    %div3A_48 = arith.divf %broadcast_in_dim3A, %div3A_47 : vector<10000x1xf32>
    %sub3A = vector.broadcast %div3A_48 : vector<10000x1xf32> to vector<10000x128xf32>
    %sub3A_49 = arith.subf %add3A_44, %sub3A : vector<10000x128xf32>
    %integer_pow3A = arith.mulf %sub3A_49, %sub3A_49 : vector<10000x128xf32>
    %reduce_sum3A_50 = arith.constant dense<0.000000e+00> : vector<10000xf32>
    %reduce_sum3A_51 = vector.multi_reduction <add>, %integer_pow3A, %reduce_sum3A_50 [1] : vector<10000x128xf32> to vector<10000xf32>
    %broadcast_in_dim3A_52 = vector.shape_cast %reduce_sum3A_51 : vector<10000xf32> to vector<10000x1xf32>
    %div3A_53 = arith.constant 1.280000e+02 : f32
    %div3A_54 = vector.broadcast %div3A_53 : f32 to vector<10000x1xf32>
    %div3A_55 = arith.divf %broadcast_in_dim3A_52, %div3A_54 : vector<10000x1xf32>
    %sub3A_56 = vector.broadcast %div3A_48 : vector<10000x1xf32> to vector<10000x128xf32>
    %sub3A_57 = arith.subf %add3A_44, %sub3A_56 : vector<10000x128xf32>
    %add3A_58 = arith.constant 9.99999974E-6 : f32
    %add3A_59 = vector.broadcast %add3A_58 : f32 to vector<10000x1xf32>
    %add3A_60 = arith.addf %div3A_55, %add3A_59 : vector<10000x1xf32>
    %rsqrt3A = math.rsqrt %add3A_60 : vector<10000x1xf32>
    %mul3A_61 = vector.broadcast %rsqrt3A : vector<10000x1xf32> to vector<10000x128xf32>
    %mul3A_62 = arith.mulf %sub3A_57, %mul3A_61 : vector<10000x128xf32>
    %get3A_63 = arith.constant 0 : index
    %get3A_64 = arith.constant 0 : index
    %get3A_65 = vector.load %arg6[%get3A_63, %get3A_64] : memref<1x128xf32, #tpu.memory_space<vmem>>, vector<1x128xf32>
    %mul3A_66 = vector.broadcast %get3A_65 : vector<1x128xf32> to vector<10000x128xf32>
    %mul3A_67 = arith.mulf %mul3A_62, %mul3A_66 : vector<10000x128xf32>
    %get3A_68 = arith.constant 0 : index
    %get3A_69 = arith.constant 0 : index
    %get3A_70 = vector.load %arg7[%get3A_68, %get3A_69] : memref<1x128xf32, #tpu.memory_space<vmem>>, vector<1x128xf32>
    %add3A_71 = vector.broadcast %get3A_70 : vector<1x128xf32> to vector<10000x128xf32>
    %add3A_72 = arith.addf %mul3A_67, %add3A_71 : vector<10000x128xf32>
    %swap3A = arith.constant 0 : index
    %swap3A_73 = arith.constant 0 : index
    %swap3A_74 = vector.load %arg8[%swap3A, %swap3A_73] : memref<10000x128xf32, #tpu.memory_space<vmem>>, vector<10000x128xf32>
    tpu.vector_store %arg8[%swap3A, %swap3A_73], %add3A_72 {strides = array<i32>} : memref<10000x128xf32, #tpu.memory_space<vmem>>, vector<10000x128xf32>,
    return
  }
}

</mosaic_0001>

<sc_bundles>
// kernel: kernel.10.cloned.1.call-start
scs
__scs_entry_jumppad:
0x0: {  	(pc) =	sbr.rel $0x88, $3  }
0x1: {  	(tag) =	ssettag $0x0;
	lr =	simm.s32 $0x1  }
0x2: {  	[smem:$0x3F92] =	sst lr;
	_ =	strace $0xD0000000  }
0x3: {  	_ = 	snop  }
0x4: {  	_ = 	snop  }
0x5: {  	_ = 	snop  }
0x6: {  	_ = 	snop  }
0x7: {  	_ = 	snop  }
__scs_overlays_trampoline_lowered:
0x8: {  	[smem:$0x3FA1] =	sst s0  }
0x9: {  	[smem:$0x3FA2] =	sst s1  }
0xa: {  	[smem:$0x3FA3] =	sst s2  }
0xb: {  	[smem:$0x3FA4] =	sst s3  }
0xc: {  	[smem:$0x3FA5] =	sst s4  }
0xd: {  	[smem:$0x3FA6] =	sst s5  }
0xe: {  	[smem:$0x3FA7] =	sst s6  }
0xf: {  	[smem:$0x3FA8] =	sst s7  }
0x10: {  	[smem:$0x3FA9] =	sst s8  }
0x11: {  	[smem:$0x3FAA] =	sst s9;
	s0 =	simm.s32 @!p0 $0x0  }
0x12: {  	s1 =	sld [smem:$0x3F90];
	s0 =	simm.s32 @p0 $0x1  }
0x13: {  	[smem:$0x3FAB] =	sst s0;
	s0 =	simm.s32 @!p1 $0x0  }
0x14: {  	s2 =	sld [smem:$0x3F8F];
	s0 =	simm.s32 @p1 $0x1  }
0x15: {  	[smem:$0x3FAC] =	sst s0;
	s0 =	simm.s32 @!p2 $0x0  }
0x16: {  	s3 =	sld [smem:$0x3FDB];
	s0 =	simm.s32 @p2 $0x1  }
0x17: {  	s4 =	simm.s32 $0x1BF5;
	[smem:$0x3FAE] =	sst s0  }
0x18: {  	s0 =	sld [smem:$0x3F91];
	_ =	swait.ge [sflag:s4], $0x0  }
0x19: {  	s7 =	sld [smem:$0x3F92]  }
0x1a: {  	s8 =	sadd.s32 $0xFFFFE003, lr  }
0x1b: {  	s9 =	sadd.s32 $0xFFFFFEF7, lr;
	s5 =	simm.s32 $0xFFFFFFFF;
	p2 =	slt.u32 s8, $0xFFFFF086  }
0x1c: {  	p1 =	slt.u32 s9, $0xF7A;
	s5 =	simm.s32 @!p2 $0x0  }
0x1d: {  	s5 =	simm.s32 @p1 $0x1;
	p0 =	seq.s32 s7, s2  }
0x1e: {  	s7 =	smul.u32 @!p0 $0xF7A, s2;
	p2 =	seq.s32 @!p0 s5, $0x0  }
0x1f: {  	s9 =	smul.u32 $0xF7A, s1;
	s8 =	simm.s32 @!p0 $0x1BF5;
	p2 =	por !p2, p0  }
0x20: {  	[sflag:s8] =	ssyncset.s32 @!p0 $0xFFFFF086;
	s6 =	sadd.s32 @!p0 s3, s7;
	s7 =	simm.s32 @!p0 $0x108  }
0x21: {  	s3 =	sadd.s32 s3, s9;
	s6 =	sadd.s32 @!p0 $0x88, s6;
	s7 =	simm.s32 @p2 $0x1082  }
0x22: {  	[simem:s7], [sflag:s8] =	dma.local @!p0 [hbm:s6], $0xF7A  }
0x23: {  	s9 =	sor.u32 $0xD0000000, s2;
	s6 =	simm.s32 $0x108;
	_ =	swait.ge @!p0 [sflag:s8], $0x0  }
0x24: {  	s3 =	sadd.s32 $0x88, s3;
	s6 =	simm.s32 @!p1 $0x1082;
	[sflag:s4] =	ssyncset.s32 $0xFFFFF086  }
0x25: {  	[simem:s6], [sflag:s4] =	dma.local [hbm:s3], $0xF7A  }
0x26: {  	[smem:$0x3F92] =	sst s1;
	(tag) =	ssettag s2;
	_ =	strace s9  }
0x27: {  	s1 =	sld [smem:$0x3FA2]  }
0x28: {  	s2 =	sld [smem:$0x3FA3]  }
0x29: {  	s4 =	sld [smem:$0x3FA5]  }
0x2a: {  	p0 =	seq.s32 s5, $0x0;
	s5 =	sld [smem:$0x3FA6]  }
0x2b: {  	s6 =	sld [smem:$0x3FA7]  }
0x2c: {  	s7 =	sld [smem:$0x3FA8]  }
0x2d: {  	s3 =	simm.s32 $0x108;
	s8 =	sld [smem:$0x3FA9]  }
0x2e: {  	s3 =	simm.s32 @!p0 $0x1082;
	s9 =	sld [smem:$0x3FAA]  }
0x2f: {  	lr =	sadd.s32 s0, s3;
	s0 =	sld [smem:$0x3FA1]  }
0x30: {  	s3 =	sld [smem:$0x3FA4]  }
0x31: {  	[smem:$0x3FAD] =	sst s10  }
0x32: {  	s10 =	sld [smem:$0x3FAB];
	_ =	sdelay $0x3  }
0x33: {  	p0 =	seq.s32 s10, $0x1;
	s10 =	sld [smem:$0x3FAD];
	_ =	sdelay $0x3  }
0x34: {  	[smem:$0x3FAD] =	sst s10  }
0x35: {  	s10 =	sld [smem:$0x3FAC];
	_ =	sdelay $0x3  }
0x36: {  	p1 =	seq.s32 s10, $0x1;
	s10 =	sld [smem:$0x3FAD];
	_ =	sdelay $0x3  }
0x37: {  	[smem:$0x3FAD] =	sst s10  }
0x38: {  	s10 =	sld [smem:$0x3FAE]  }
0x39: {  	_ = 	snop;
	(pc) =	sbr.ind lr, $3  }
0x3a: {  	_ = 	snop  }
0x3b: {  	_ = 	snop  }
0x3c: {  	p2 =	seq.s32 s10, $0x1;
	s10 =	sld [smem:$0x3FAD]  }
0x3d: {  	_ =	shalt  }
0x3e: {  	_ =	shalt  }
0x3f: {  	_ =	shalt  }
0x40: {  	_ =	shalt  }
0x41: {  	_ =	shalt  }
0x42: {  	_ =	shalt  }
0x43: {  	_ =	shalt  }
0x44: {  	_ =	shalt  }
0x45: {  	_ =	shalt  }
0x46: {  	_ =	shalt  }
0x47: {  	_ =	shalt  }
0x48: {  	_ =	shalt  }
0x49: {  	_ =	shalt  }
0x4a: {  	_ =	shalt  }
0x4b: {  	_ =	shalt  }
0x4c: {  	_ =	shalt  }
0x4d: {  	_ =	shalt  }
0x4e: {  	_ =	shalt  }
0x4f: {  	_ =	shalt  }
0x50: {  	_ =	shalt  }
0x51: {  	_ =	shalt  }
0x52: {  	_ =	shalt  }
0x53: {  	_ =	shalt  }
0x54: {  	_ =	shalt  }
0x55: {  	_ =	shalt  }
0x56: {  	_ =	shalt  }
0x57: {  	_ =	shalt  }
0x58: {  	_ =	shalt  }
0x59: {  	_ =	shalt  }
0x5a: {  	_ =	shalt  }
0x5b: {  	_ =	shalt  }
0x5c: {  	_ =	shalt  }
0x5d: {  	_ =	shalt  }
0x5e: {  	_ =	shalt  }
0x5f: {  	_ =	shalt  }
0x60: {  	_ =	shalt  }
0x61: {  	_ =	shalt  }
0x62: {  	_ =	shalt  }
0x63: {  	_ =	shalt  }
0x64: {  	_ =	shalt  }
0x65: {  	_ =	shalt  }
0x66: {  	_ =	shalt  }
0x67: {  	_ =	shalt  }
0x68: {  	_ =	shalt  }
0x69: {  	_ =	shalt  }
0x6a: {  	_ =	shalt  }
0x6b: {  	_ =	shalt  }
0x6c: {  	_ =	shalt  }
0x6d: {  	_ =	shalt  }
0x6e: {  	_ =	shalt  }
0x6f: {  	_ =	shalt  }
0x70: {  	_ =	shalt  }
0x71: {  	_ =	shalt  }
0x72: {  	_ =	shalt  }
0x73: {  	_ =	shalt  }
0x74: {  	_ =	shalt  }
0x75: {  	_ =	shalt  }
0x76: {  	_ =	shalt  }
0x77: {  	_ =	shalt  }
0x78: {  	_ =	shalt  }
0x79: {  	_ =	shalt  }
0x7a: {  	_ =	shalt  }
0x7b: {  	_ =	shalt  }
0x7c: {  	_ =	shalt  }
0x7d: {  	_ =	shalt  }
0x7e: {  	_ =	shalt  }
0x7f: {  	_ =	shalt  }
0x80: {  	_ =	shalt  }
0x81: {  	_ =	shalt  }
0x82: {  	_ =	shalt  }
0x83: {  	_ =	shalt  }
0x84: {  	_ =	shalt  }
0x85: {  	_ =	shalt  }
0x86: {  	_ =	shalt  }
0x87: {  	_ =	shalt  }
.Lfunc_end0:
.L_simem_size_0:
called_computation.1_lowered:
.L_overlay_start_0:
0x88: {  	s2 =	sld [smem:$0x3FD9]  }
0x89: {  	s3 =	sld [smem:$0x3FFE];
	_ =	sdelay $0x1  }
0x8a: {  	s1 =	srdreg.scid  }
0x8b: {  	s0 =	sand.u32 $0x1, s1  }
0x8c: {  	s14 =	sshll.u32 s0, $0xA;
	s2 =	sadd.s32 s3, s2  }
0x8d: {  	s2 =	sadd.s32 s2, s14  }
0x8e: {  	[smem:$0x3FB9] =	sst s2  }
0x8f: {  	_ = 	snop  }
0x90: {  	s2 =	sld [smem:$0x3FD0];
	_ =	sdelay $0x2  }
0x91: {  	s15 =	simm.s32 $0xA;
	s4 =	simm.s32 $0x10  }
0x92: {  	[smem:s4], [sflag:s15] =	dma.local [hbm:s2], $0x1  }
0x93: {  	_ =	swait.eq [sflag:s15], $0x1  }
0x94: {  	[sflag:s15] =	ssyncset.done $0x0  }
0x95: {  	[sflag:s15] =	ssyncadd.s32 $0xFFFFFFFF  }
0x96: {  	s16 =	sld [smem:$0x10];
	(tm) =	ssettm $0x1  }
0x97: {  	s17 =	sld [smem:$0x3FFB];
	_ =	sdelay $0x3  }
0x98: {  	_ =	strace s17  }
0x99: {  	s3 =	sld [smem:$0x3FFC];
	_ =	sdelay $0x3  }
0x9a: {  	_ =	strace s3  }
0x9b: {  	s3 =	sld [smem:$0x3FFD];
	_ =	sdelay $0x3  }
0x9c: {  	_ =	strace s3  }
0x9d: {  	_ =	strace $0x8FFFFFFF  }
0x9e: {  	s18 =	sld [smem:$0x3FDB];
	_ =	sdelay $0x1  }
0x9f: {  	s19 =	simm.s32 $_scs_section_size  }
0xa0: {  	s5 =	simm.s32 $_size__tile_overlayer_lowered;
	s6 =	simm.s32 $_tile_overlayer_lowered  }
0xa1: {  	s22 =	simm.s32 $0x1BFF;
	s21 =	sshll.u32 s6, $0x1;
	s3 =	sadd.s32 s19, s18  }
0xa2: {  	s7 =	simm.s32 $0x0;
	s20 =	sshll.u32 s5, $0x1;
	s5 =	sadd.s32 s21, s3  }
0xa3: {  	[timem:s7], [sflag:s22] =	dma.local [hbm:s5], s20  }
0xa4: {  	_ =	swait.ge [sflag:s22], s20  }
0xa5: {  	s4 =	ssub.s32 $0x0, s20;
	[sflag:s22] =	ssyncset.done $0x0  }
0xa6: {  	[sflag:s22] =	ssyncadd.s32 s4;
	_ =	sdelay $0x1  }
0xa7: {  	s23 =	simm.s32 $0x1B8B  }
0xa8: {  	_ =	swait.ge [sflag:s23], $0x1  }
0xa9: {  	[sflag:s23] =	ssyncset.done $0x0  }
0xaa: {  	s25 =	simm.s32 $0x1B8E;
	s24 =	sld [smem:$0x3FFE];
	[sflag:s23] =	ssyncadd.s32 $0xFFFFFFFF  }
0xab: {  	s26 =	simm.s32 $execute0_lowered;
	[smem:$0x3FD2] =	sst s25  }
0xac: {  	s5 =	sshll.u32 s26, $0x1;
	_ =	strace $0x80000049;
	[dreg:$0x1] =	wrdreg $0xFFFFFFFF  }
0xad: {  	s28 =	simm.s32 $_size_execute0_lowered;
	s3 =	sadd.s32 s3, s5;
	[dreg:$0x0] =	wrdreg $0x0  }
0xae: {  	s5 =	sshll.u32 s28, $0x1;
	[dreg:$0x2] =	wrdreg s3  }
0xaf: {  	[dreg:$0x3] =	wrdreg s5  }
0xb0: {  	[dreg:$0x4] =	wrdreg $0xC0  }
0xb1: {  	_ =	task [dreg:s7], $0x5FFFF  }
0xb2: {  	[dreg:$0x1] =	wrdreg $0xFFFFFFFF  }
0xb3: {  	[dreg:$0x0] =	wrdreg $0x60  }
0xb4: {  	[dreg:$0x2] =	wrdreg s24  }
0xb5: {  	[dreg:$0x3] =	wrdreg s16  }
0xb6: {  	[dreg:$0x4] =	wrdreg $0x119000  }
0xb7: {  	[dreg:$0x5] =	wrdreg $0x9  }
0xb8: {  	_ =	task.clear_ibuf [dreg:s7], $0x6FFFF;
	_ =	strace $0x90000049  }
0xb9: {  	s29 =	simm.s32 $0x9;
	_ =	strace $0x8000004B  }
0xba: {  	_ =	swait.ge [sflag:s29], $0x1  }
0xbb: {  	[sflag:s29] =	ssyncadd.s32 $0xFFFFFFFF  }
0xbc: {  	_ =	strace $0x9000004B  }
0xbd: {  	_ =	sfence  }
0xbe: {  	s30 =	sld [smem:$0x0];
	_ =	sdelay $0x2  }
0xbf: {  	s31 =	sshll.u32 s1, $0xD;
	s1 =	sshrl.u32 s1, $0x2  }
0xc0: {  	s3 =	sand.u32 $0x4000, s31;
	s1 =	sadd.s32 s1, s30  }
0xc1: {  	s0 =	sor.u32 s3, s0;
	s1 =	sshll.u32 s1, $0x11  }
0xc2: {  	s0 =	sor.u32 s1, s0  }
0xc3: {  	s0 =	sadd.s32 $0x8F2B, s0  }
0xc4: {  	[sflag:s0] =	ssyncadd.remote.s32 $0x1  }
0xc5: {  	_ =	sfence.sel $0xFFFF  }
0xc6: {  	[dreg:$0x0] =	wrdreg $0xFFFFFFFF;
	(pc) =	sbr.abs _section_cstart, $3  }
0xc7: {  	[dreg:$0x1] =	wrdreg $0xFFFFFFFF  }
0xc8: {  	_ =	task.clear_ibuf [dreg:s7], $0x2FFFF;
	_ =	strace $0x9FFFFFFF  }
0xc9: {  	(tm) =	ssettm $0x7FFFFFFF  }
tec
execute0_lowered:
.L_overlay_start_1:
0x0: {  	(tag) =	ssettag $0x1  }
0x1: {  	s1 =	rddreg [dreg:$0x0]  }
0x2: {  	s4 =	rddreg [dreg:$0x1]  }
0x3: {  	s2 =	rddreg [dreg:$0x2]  }
0x4: {  	s0 =	srdreg.scid;
	s21 =	stileid.u32  }
0x5: {  	s3 =	simm.s32 $0x0;
	s28 =	simm.s32 $0x80;
	s5 =	smul.u32 $0x4E20, s21  }
0x6: {  	s29 =	simm.s32 $0x4400;
	s0 =	sand.u32 $0x1, s0;
	s24 =	smul.u32 $0x28, s21  }
0x7: {  	s30 =	simm.s32 $0x100;
	s9 =	sor.u32 $0x10, s21;
	s13 =	smul.u32 $0x1388, s0  }
0x8: {  	s31 =	simm.s32 $0x8400;
	s10 =	sor.u32 $0x20, s21;
	s14 =	smul.u32 $0x28, s9  }
0x9: {  	s6 =	sadd.s32 $0xEBC400, s1;
	s11 =	sor.u32 $0x30, s21;
	s17 =	smul.u32 $0x28, s10  }
0xa: {  	s12 =	sor.u32 $0x40, s21;
	s15 =	sor.u32 $0x50, s21;
	s26 =	smul.u32 $0x28, s11  }
0xb: {  	s18 =	sor.u32 $0x60, s21;
	[smem:$0x7FF] =	sst s3;
	s19 =	smul.u32 $0x28, s12  }
0xc: {  	s1 =	sadd.s32 $0xC600, s1;
	s7 =	ssub.s32 $0x2, s0;
	s22 =	smul.u32 $0x28, s15  }
0xd: {  	s11 =	smul.u32 $0x5000, s11;
	s8 =	sshrl.u32 s7, $0x1;
	s5 =	sadd.s32 $0x4E00, s5  }
0xe: {  	s7 =	ssub.s32 s7, s8;
	s8 =	sshll.u32 s5, $0x4;
	s0 =	sadd.s32 s13, s24  }
0xf: {  	s14 =	sadd.s32 s13, s14;
	s25 =	sadd.s32 s13, s17;
	s23 =	sadd.s32 s13, s26  }
0x10: {  	s24 =	sadd.s32 s13, s19;
	s5 =	sshrl.u32 s5, $0x3;
	s16 =	sshll.u32 s0, $0x4  }
0x11: {  	s0 =	sor.u32 $0x70, s21;
	s14 =	sshll.u32 s14, $0x4;
	s17 =	sshll.u32 s24, $0x4  }
0x12: {  	s8 =	sadd.s32 s6, s8;
	s24 =	smul.u32 $0x5000, s21;
	s5 =	sadd.s32 s1, s5  }
0x13: {  	s16 =	sadd.s32 s4, s16;
	s14 =	sadd.s32 s4, s14;
	[dreg:$0xd] =	wrdreg s8  }
0x14: {  	s26 =	sadd.s32 s4, s17;
	p0 =	sgt.u32 s0, $0x7C;
	[dreg:$0x5] =	wrdreg s16  }
0x15: {  	s16 =	sshll.u32 s25, $0x4;
	[dreg:$0x6] =	wrdreg s14;
	s25 =	smul.u32 $0x28, s18  }
0x16: {  	[dreg:$0x9] =	wrdreg s26;
	s14 =	sadd.s32 s13, s22;
	s26 =	smul.u32 $0x5000, s10  }
0x17: {  	s20 =	sadd.s32 s4, s16;
	s16 =	sshll.u32 s23, $0x4;
	s23 =	smul.u32 $0x4E200, s21  }
0x18: {  	s10 =	smax.u32 s7, $0x1;
	s14 =	sshll.u32 s14, $0x4;
	s21 =	smul.u32 $0x9C4, s21  }
0x19: {  	[dreg:$0x7] =	wrdreg s20;
	s20 =	smul.u32 $0x28, s0;
	s16 =	sadd.s32 s4, s16  }
0x1a: {  	s17 =	sadd.s32 s13, s25;
	s14 =	sadd.s32 s4, s14;
	[dreg:$0x8] =	wrdreg s16  }
0x1b: {  	s25 =	smul.u32 $0x5000, s9;
	s9 =	simm.s32 $0x300;
	[dreg:$0xa] =	wrdreg s14  }
0x1c: {  	s16 =	smul.u32 $0x5000, s12;
	s1 =	sadd.s32 s21, s1;
	s12 =	simm.s32 $0x5  }
0x1d: {  	s19 =	sadd.s32 s13, s20;
	s20 =	sshll.u32 s17, $0x4;
	s17 =	smul.u32 $0x5000, s15  }
0x1e: {  	v0 =	vmov s13;
	s13 =	simm.s32 $0x0;
	s22 =	sshll.u32 s19, $0x4;
	s14 =	sadd.s32 s4, s20  }
0x1f: {  	s20 =	sshrl.u32 s26, $0x2;
	s8 =	sshrl.u32 s16, $0x2;
	s16 =	sadd.s32 $0x20, s1  }
0x20: {  	s1 =	simm.s32 $0xC400;
	[dreg:$0xb] =	wrdreg s14;
	s4 =	sadd.s32 s4, s22  }
0x21: {  	s14 =	sshrl.u32 s24, $0x2;
	s7 =	sadd.s32 s20, s2;
	s22 =	smul.u32 $0x5000, s18  }
0x22: {  	s24 =	sadd.s32 s8, s2;
	s8 =	simm.s32 $0x3;
	[dreg:$0xc] =	wrdreg s4  }
0x23: {  	s4 =	sadd.s32 s23, s6;
	_ =	strace $0x8000004A;
	[dreg:$0xe] =	wrdreg s5  }
0x24: {  	s6 =	sshrl.u32 s25, $0x2;
	s19 =	sadd.s32 s14, s2;
	[dreg:$0xf] =	wrdreg s10  }
0x25: {  	s23 =	smul.u32 $0x5000, s0;
	s25 =	sshrl.u32 s17, $0x2;
	[dreg:$0x4] =	wrdreg s4  }
0x26: {  	s0 =	simm.s32 $0x180;
	s14 =	simm.s32 $0xA;
	[dreg:$0x11] =	wrdreg s7  }
0x27: {  	s6 =	sadd.s32 s6, s2;
	s5 =	sshrl.u32 s11, $0x2;
	[dreg:$0x13] =	wrdreg s24  }
0x28: {  	s26 =	sshrl.u32 s22, $0x2;
	s24 =	simm.s32 $0x10500;
	s7 =	simm.s32 $0x280  }
0x29: {  	s10 =	simm.s32 $0x4;
	s11 =	simm.s32 $0x380;
	[dreg:$0x10] =	wrdreg s6  }
0x2a: {  	s5 =	sadd.s32 s5, s2;
	s4 =	sshrl.u32 s23, $0x2;
	s21 =	sadd.s32 s26, s2  }
0x2b: {  	s26 =	simm.s32 $0x400;
	s6 =	simm.s32 $0x2;
	[dreg:$0x12] =	wrdreg s5  }
0x2c: {  	s5 =	sadd.s32 s25, s2;
	s22 =	sadd.s32 s4, s2;
	s25 =	simm.s32 $0x9  }
0x2d: {  	v1 =	vimm.f32 $0.0e+00;
	s4 =	simm.s32 $0x1;
	[dreg:$0x14] =	wrdreg s5;
	s5 =	simm.s32 $0x200  }
.LBB2_1:
0x2e: {  	s15 =	simm.s32 $0x200;
	s17 =	simm.s32 $0x0  }
.LBB2_2:
0x2f: {  	p1 =	sne.s32 s15, $0x4E00;
	[tilespmem:s17+$0x10500] =	vst v1;
	s23 =	smov.u32 s15;
	s15 =	sadd.s32 $0x200, s15  }
.Ltmp0:
0x30: {  	[tilespmem:s17+$0x10510] =	vst v1;
	(pc) =	sbr.rel @p1 .LBB2_2-.Ltmp0, $2  }
0x31: {  	_ =	sdelay $0x2  }
0x32: {  	s17 =	sshra.s32 s23, $0x2  }
0x33: {  	[tilespmem:s17+$0x10500] =	vst v1  }
0x34: {  	[tilespmem:s17+$0x10510] =	vst v1  }
0x35: {  	[spmem:s19] =	stream.linear.scatter [tilespmem:s24], [sflag:$0x9], $0x1400, $0x38;
	[tilespmem:$0x14020] =	vst v63  }
0x36: {  	_ =	swait.ge [sflag:s25], $0x1400  }
0x37: {  	[sflag:s25] =	ssyncset.done $0x0  }
0x38: {  	s15 =	rddreg [dreg:$0x10];
	[sflag:s25] =	ssyncadd.s32 $0xFFFFEC00  }
0x39: {  	[spmem:s15] =	stream.linear.scatter [tilespmem:s24], [sflag:$0x9], $0x1400, $0x38;
	[tilespmem:$0x14020] =	vst v63  }
0x3a: {  	_ =	swait.ge [sflag:s25], $0x1400  }
0x3b: {  	[sflag:s25] =	ssyncset.done $0x0  }
0x3c: {  	s18 =	rddreg [dreg:$0x11];
	[sflag:s25] =	ssyncadd.s32 $0xFFFFEC00  }
0x3d: {  	[spmem:s18] =	stream.linear.scatter [tilespmem:s24], [sflag:$0x9], $0x1400, $0x38;
	[tilespmem:$0x14020] =	vst v63  }
0x3e: {  	_ =	swait.ge [sflag:s25], $0x1400  }
0x3f: {  	[sflag:s25] =	ssyncset.done $0x0  }
0x40: {  	s20 =	smov.u32 s19;
	s19 =	rddreg [dreg:$0x12];
	[sflag:s25] =	ssyncadd.s32 $0xFFFFEC00  }
0x41: {  	[spmem:s19] =	stream.linear.scatter [tilespmem:s24], [sflag:$0x9], $0x1400, $0x38;
	[tilespmem:$0x14020] =	vst v63  }
0x42: {  	_ =	swait.ge [sflag:s25], $0x1400  }
0x43: {  	[sflag:s25] =	ssyncset.done $0x0  }
0x44: {  	s23 =	rddreg [dreg:$0x13];
	[sflag:s25] =	ssyncadd.s32 $0xFFFFEC00  }
0x45: {  	[spmem:s23] =	stream.linear.scatter [tilespmem:s24], [sflag:$0x9], $0x1400, $0x38;
	[tilespmem:$0x14020] =	vst v63  }
0x46: {  	_ =	swait.ge [sflag:s25], $0x1400  }
0x47: {  	[sflag:s25] =	ssyncset.done $0x0  }
0x48: {  	s17 =	rddreg [dreg:$0x14];
	[sflag:s25] =	ssyncadd.s32 $0xFFFFEC00  }
0x49: {  	[spmem:s17] =	stream.linear.scatter [tilespmem:s24], [sflag:$0x9], $0x1400, $0x38;
	[tilespmem:$0x14020] =	vst v63  }
0x4a: {  	_ =	swait.ge [sflag:s25], $0x1400  }
0x4b: {  	[sflag:s25] =	ssyncset.done $0x0  }
0x4c: {  	[sflag:s25] =	ssyncadd.s32 $0xFFFFEC00  }
0x4d: {  	[spmem:s21] =	stream.linear.scatter [tilespmem:s24], [sflag:$0x9], $0x1400, $0x38;
	[tilespmem:$0x14020] =	vst v63  }
0x4e: {  	_ =	swait.ge [sflag:s25], $0x1400  }
0x4f: {  	[sflag:s25] =	ssyncset.done $0x0  }
0x50: {  	s15 =	simm.s32 @!p0 $0x10500;
	[sflag:s25] =	ssyncadd.s32 $0xFFFFEC00  }
0x51: {  	[spmem:s22] =	stream.linear.scatter @!p0 [tilespmem:s15], [sflag:$0x9], $0x1400, $0x38;
	[tilespmem:$0x14020] =	vst v63  }
0x52: {  	s15 =	simm.s32 @!p0 $0x9  }
0x53: {  	_ =	swait.ge @!p0 [sflag:s15], $0x1400  }
0x54: {  	[sflag:s15] =	ssyncset.done @!p0 $0x0  }
0x55: {  	p1 =	por $0x1, $0x1;
	[sflag:s15] =	ssyncadd.s32 @!p0 $0xFFFFEC00  }
0x56: {  	s15 =	simm.s32 @!p1 $0x5;
	[bflag:$0x0] =	sbarrier.arrive $0xFFFF  }
0x57: {  	_ =	swait.ge @!p1 [sflag:s15], $0x1000  }
0x58: {  	[sflag:s15] =	ssyncset.done @!p1 $0x0  }
0x59: {  	s19 =	sadd.s32 $0xFFFFFFE0, s16;
	s18 =	rddreg [dreg:$0x4];
	[sflag:s15] =	ssyncadd.s32 @!p1 $0xFFFFF000  }
0x5a: {  	[tilespmem:s3], [sflag:$0x1] =	stream.linear.gather [hbm4b:s19+s3], $0x80, $0x38;
	[tilespmem:$0x14020] =	vst v63  }
0x5b: {  	s17 =	simm.s32 @!p1 $0x6;
	s15 =	sadd.s32 $0x0, s18  }
0x5c: {  	[tilespmem:s26], [sflag:$0x1] =	stream.linear.gather [hbm4b:s15+s3], $0x4000, $0x38;
	[tilespmem:$0x14020] =	vst v63  }
0x5d: {  	_ =	swait.ge @!p1 [sflag:s17], $0x1000  }
0x5e: {  	[sflag:s17] =	ssyncset.done @!p1 $0x0  }
0x5f: {  	s23 =	sadd.s32 $0xFFFFFFF0, s16;
	[sflag:s17] =	ssyncadd.s32 @!p1 $0xFFFFF000  }
0x60: {  	[tilespmem:s28], [sflag:$0x2] =	stream.linear.gather [hbm4b:s23+s3], $0x80, $0x38;
	[tilespmem:$0x14020] =	vst v63  }
0x61: {  	s18 =	sadd.s32 $0x800, s15;
	s17 =	simm.s32 @!p1 $0x7  }
0x62: {  	[tilespmem:s29], [sflag:$0x2] =	stream.linear.gather [hbm4b:s18+s3], $0x4000, $0x38;
	[tilespmem:$0x14020] =	vst v63  }
0x63: {  	_ =	swait.ge @!p1 [sflag:s17], $0x1000  }
0x64: {  	[sflag:s17] =	ssyncset.done @!p1 $0x0  }
0x65: {  	[sflag:s17] =	ssyncadd.s32 @!p1 $0xFFFFF000  }
0x66: {  	[tilespmem:s30], [sflag:$0x3] =	stream.linear.gather [hbm4b:s16+s3], $0x80, $0x38;
	[tilespmem:$0x14020] =	vst v63  }
0x67: {  	s19 =	sadd.s32 $0x1000, s15;
	s17 =	simm.s32 @!p1 $0x8  }
0x68: {  	[tilespmem:s31], [sflag:$0x3] =	stream.linear.gather [hbm4b:s19+s3], $0x4000, $0x38;
	[tilespmem:$0x14020] =	vst v63  }
0x69: {  	_ =	swait.ge @!p1 [sflag:s17], $0x1000  }
0x6a: {  	[sflag:s17] =	ssyncset.done @!p1 $0x0  }
0x6b: {  	s23 =	sadd.s32 $0x10, s16;
	[sflag:s17] =	ssyncadd.s32 @!p1 $0xFFFFF000  }
0x6c: {  	[tilespmem:s0], [sflag:$0x4] =	stream.linear.gather [hbm4b:s23+s3], $0x80, $0x38;
	[tilespmem:$0x14020] =	vst v63  }
0x6d: {  	s15 =	sadd.s32 $0x1800, s15  }
0x6e: {  	[tilespmem:s1], [sflag:$0x4] =	stream.linear.gather [hbm4b:s15+s3], $0x4000, $0x38;
	[tilespmem:$0x14020] =	vst v63  }
0x6f: {  	_ =	swait.ge [sflag:s4], $0x80  }
0x70: {  	[sflag:s4] =	ssyncset.done $0x0  }
0x71: {  	[sflag:s4] =	ssyncadd.s32 $0xFFFFFF80  }
0x72: {  	_ =	swait.ge [sflag:s4], $0x4000  }
0x73: {  	[sflag:s4] =	ssyncset.done $0x0  }
0x74: {  	[sflag:s4] =	ssyncadd.s32 $0xFFFFC000  }
0x75: {  	v2 =	vld [tilespmem:$0x60]  }
0x76: {  	v3 =	vld [tilespmem:$0x30]  }
0x77: {  	v5 =	vld [tilespmem:$0x10]  }
0x78: {  	v8 =	vld [tilespmem:$0x20]  }
0x79: {  	v4 =	vld [tilespmem:$0x70]  }
0x7a: {  	v6 =	vld [tilespmem:$0x40];
	v2 =	vsub.s32 v2, v0  }
0x7b: {  	v7 =	vld [tilespmem:$0x50];
	v3 =	vsub.s32 v3, v0;
	v2 =	vmin.u32 v2, $0x1388  }
0x7c: {  	v9 =	vld [tilespmem:$0x0];
	v53 =	vsub.s32 v5, v0;
	v3 =	vmin.u32 v3, $0x1388;
	[tilespmem:$0x260] =	vst v2  }
0x7d: {  	v55 =	vsub.s32 v8, v0;
	[tilespmem:$0x230] =	vst v3;
	v3 =	vmin.u32 v53, $0x1388  }
0x7e: {  	v2 =	vsub.s32 v4, v0;
	v4 =	vmin.u32 v55, $0x1388;
	[tilespmem:$0x210] =	vst v3  }
0x7f: {  	v54 =	vsub.s32 v6, v0;
	v2 =	vmin.u32 v2, $0x1388;
	[tilespmem:$0x220] =	vst v4  }
0x80: {  	v3 =	vsub.s32 v7, v0;
	[tilespmem:$0x270] =	vst v2;
	v2 =	vmin.u32 v54, $0x1388  }
0x81: {  	[tilespmem:$0x240] =	vst v2;
	v2 =	vmin.u32 v3, $0x1388;
	v3 =	vsub.s32 v9, v0  }
0x82: {  	[tilespmem:$0x250] =	vst v2;
	v2 =	vmin.u32 v3, $0x1388  }
0x83: {  	[tilespmem:$0x200] =	vst v2  }
0x84: {  	[spmem:s2] =	stream.indirect.scatter.add.f32 [tilespmem:s26], [sflag:$0x5], $0x20, s5, s28, $0xb8;
	[tilespmem:$0x14020] =	vst v63  }
0x85: {  	_ =	swait.ge [sflag:s6], $0x80  }
0x86: {  	[sflag:s6] =	ssyncset.done $0x0  }
0x87: {  	[sflag:s6] =	ssyncadd.s32 $0xFFFFFF80  }
0x88: {  	_ =	swait.ge [sflag:s6], $0x4000  }
0x89: {  	[sflag:s6] =	ssyncset.done $0x0  }
0x8a: {  	[sflag:s6] =	ssyncadd.s32 $0xFFFFC000  }
0x8b: {  	v2 =	vld [tilespmem:$0x80]  }
0x8c: {  	v3 =	vld [tilespmem:$0x90]  }
0x8d: {  	v56 =	vld [tilespmem:$0xE0]  }
0x8e: {  	v57 =	vld [tilespmem:$0xA0]  }
0x8f: {  	v58 =	vld [tilespmem:$0xB0]  }
0x90: {  	v59 =	vld [tilespmem:$0xD0];
	v2 =	vsub.s32 v2, v0  }
0x91: {  	v60 =	vld [tilespmem:$0xF0];
	v3 =	vsub.s32 v3, v0;
	v2 =	vmin.u32 v2, $0x1388  }
0x92: {  	v4 =	vsub.s32 v56, v0;
	[tilespmem:$0x280] =	vst v2;
	v2 =	vmin.u32 v3, $0x1388;
	v3 =	vld [tilespmem:$0xC0]  }
0x93: {  	v4 =	vmin.u32 v4, $0x1388;
	[tilespmem:$0x290] =	vst v2;
	v2 =	vsub.s32 v57, v0  }
0x94: {  	v61 =	vsub.s32 v58, v0;
	[tilespmem:$0x2E0] =	vst v4;
	v2 =	vmin.u32 v2, $0x1388  }
0x95: {  	v62 =	vsub.s32 v59, v0;
	[tilespmem:$0x2A0] =	vst v2;
	v2 =	vmin.u32 v61, $0x1388  }
0x96: {  	v63 =	vsub.s32 v60, v0;
	[tilespmem:$0x2B0] =	vst v2;
	v2 =	vmin.u32 v62, $0x1388  }
0x97: {  	v3 =	vsub.s32 v3, v0;
	[tilespmem:$0x2D0] =	vst v2;
	v2 =	vmin.u32 v63, $0x1388  }
0x98: {  	v3 =	vmin.u32 v3, $0x1388;
	[tilespmem:$0x2F0] =	vst v2  }
0x99: {  	[tilespmem:$0x2C0] =	vst v3  }
0x9a: {  	[spmem:s2] =	stream.indirect.scatter.add.f32 [tilespmem:s29], [sflag:$0x6], $0x20, s7, s28, $0xb8;
	[tilespmem:$0x14020] =	vst v63  }
0x9b: {  	_ =	swait.ge [sflag:s8], $0x80  }
0x9c: {  	[sflag:s8] =	ssyncset.done $0x0  }
0x9d: {  	[sflag:s8] =	ssyncadd.s32 $0xFFFFFF80  }
0x9e: {  	_ =	swait.ge [sflag:s8], $0x4000  }
0x9f: {  	[sflag:s8] =	ssyncset.done $0x0  }
0xa0: {  	[sflag:s8] =	ssyncadd.s32 $0xFFFFC000  }
0xa1: {  	s23 =	smov.u32 s16;
	s15 =	simm.s32 $0x2000;
	v2 =	vld [tilespmem:$0x170]  }
.LBB2_4:
0xa2: {  	v3 =	vld [tilespmem:$0x150]  }
0xa3: {  	v4 =	vld [tilespmem:$0x130]  }
0xa4: {  	v5 =	vld [tilespmem:$0x110]  }
0xa5: {  	v6 =	vld [tilespmem:$0x120]  }
0xa6: {  	v7 =	vld [tilespmem:$0x140];
	v2 =	vsub.s32 v2, v0  }
0xa7: {  	v8 =	vld [tilespmem:$0x160];
	v3 =	vsub.s32 v3, v0;
	v2 =	vmin.u32 v2, $0x1388  }
0xa8: {  	v9 =	vld [tilespmem:$0x100];
	v4 =	vsub.s32 v4, v0;
	v3 =	vmin.u32 v3, $0x1388;
	[tilespmem:$0x370] =	vst v2  }
0xa9: {  	v2 =	vsub.s32 v5, v0;
	v4 =	vmin.u32 v4, $0x1388;
	[tilespmem:$0x350] =	vst v3  }
0xaa: {  	v2 =	vmin.u32 v2, $0x1388;
	v3 =	vsub.s32 v6, v0;
	[tilespmem:$0x330] =	vst v4  }
0xab: {  	[tilespmem:$0x310] =	vst v2;
	v2 =	vmin.u32 v3, $0x1388;
	v3 =	vsub.s32 v7, v0  }
0xac: {  	[tilespmem:$0x320] =	vst v2;
	v2 =	vmin.u32 v3, $0x1388;
	v3 =	vsub.s32 v8, v0  }
0xad: {  	v37 =	vsub.s32 v9, v0;
	[tilespmem:$0x340] =	vst v2;
	v2 =	vmin.u32 v3, $0x1388  }
0xae: {  	v3 =	vmin.u32 v37, $0x1388;
	[tilespmem:$0x360] =	vst v2  }
0xaf: {  	[tilespmem:$0x300] =	vst v3  }
0xb0: {  	[spmem:s2] =	stream.indirect.scatter.add.f32 [tilespmem:s31], [sflag:$0x7], $0x20, s9, s28, $0xb8;
	[tilespmem:$0x14020] =	vst v63  }
0xb1: {  	_ =	swait.ge [sflag:s10], $0x80  }
0xb2: {  	[sflag:s10] =	ssyncset.done $0x0  }
0xb3: {  	[sflag:s10] =	ssyncadd.s32 $0xFFFFFF80  }
0xb4: {  	_ =	swait.ge [sflag:s10], $0x4000  }
0xb5: {  	[sflag:s10] =	ssyncset.done $0x0  }
0xb6: {  	[sflag:s10] =	ssyncadd.s32 $0xFFFFC000  }
0xb7: {  	v2 =	vld [tilespmem:$0x180]  }
0xb8: {  	v3 =	vld [tilespmem:$0x190]  }
0xb9: {  	v38 =	vld [tilespmem:$0x1D0]  }
0xba: {  	v39 =	vld [tilespmem:$0x1C0]  }
0xbb: {  	v40 =	vld [tilespmem:$0x1B0]  }
0xbc: {  	v41 =	vld [tilespmem:$0x1E0];
	v2 =	vsub.s32 v2, v0  }
0xbd: {  	v42 =	vld [tilespmem:$0x1A0];
	v3 =	vsub.s32 v3, v0;
	v2 =	vmin.u32 v2, $0x1388  }
0xbe: {  	v43 =	vld [tilespmem:$0x1F0];
	[tilespmem:$0x380] =	vst v2;
	v2 =	vmin.u32 v3, $0x1388;
	v3 =	vsub.s32 v38, v0  }
0xbf: {  	[tilespmem:$0x390] =	vst v2;
	v2 =	vsub.s32 v39, v0;
	v3 =	vmin.u32 v3, $0x1388  }
0xc0: {  	v44 =	vsub.s32 v40, v0;
	v2 =	vmin.u32 v2, $0x1388;
	[tilespmem:$0x3D0] =	vst v3  }
0xc1: {  	v3 =	vmin.u32 v44, $0x1388;
	[tilespmem:$0x3C0] =	vst v2;
	v2 =	vsub.s32 v41, v0  }
0xc2: {  	v45 =	vsub.s32 v42, v0;
	[tilespmem:$0x3B0] =	vst v3;
	v2 =	vmin.u32 v2, $0x1388  }
0xc3: {  	s17 =	smov.u32 s15;
	v3 =	vmin.u32 v45, $0x1388;
	[tilespmem:$0x3E0] =	vst v2;
	v2 =	vsub.s32 v43, v0  }
0xc4: {  	p2 =	seq.s32 s17, $0x0;
	[tilespmem:$0x3A0] =	vst v3;
	v2 =	vmin.u32 v2, $0x1388  }
0xc5: {  	s18 =	simm.s32 @!p2 $0x5;
	[tilespmem:$0x3F0] =	vst v2  }
0xc6: {  	[spmem:s2] =	stream.indirect.scatter.add.f32 [tilespmem:s1], [sflag:$0x8], $0x20, s11, s28, $0xb8;
	[tilespmem:$0x14020] =	vst v63  }
0xc7: {  	_ =	swait.ge @!p2 [sflag:s18], $0x1000  }
0xc8: {  	s23 =	sadd.s32 $0x40, s23;
	[sflag:s18] =	ssyncset.done @!p2 $0x0  }
0xc9: {  	s19 =	rddreg [dreg:$0x4];
	[sflag:s18] =	ssyncadd.s32 @!p2 $0xFFFFF000;
	s18 =	sadd.s32 $0xFFFFFFE0, s23  }
0xca: {  	[tilespmem:s3], [sflag:$0x1] =	stream.linear.gather [hbm4b:s18+s3], $0x80, $0x38;
	[tilespmem:$0x14020] =	vst v63  }
0xcb: {  	s17 =	sadd.s32 s17, s19;
	s18 =	simm.s32 @!p2 $0x6  }
0xcc: {  	[tilespmem:s26], [sflag:$0x1] =	stream.linear.gather [hbm4b:s17+s3], $0x4000, $0x38;
	[tilespmem:$0x14020] =	vst v63  }
0xcd: {  	_ =	swait.ge @!p2 [sflag:s18], $0x1000  }
0xce: {  	[sflag:s18] =	ssyncset.done @!p2 $0x0  }
0xcf: {  	s19 =	sadd.s32 $0xFFFFFFF0, s23;
	[sflag:s18] =	ssyncadd.s32 @!p2 $0xFFFFF000  }
0xd0: {  	[tilespmem:s28], [sflag:$0x2] =	stream.linear.gather [hbm4b:s19+s3], $0x80, $0x38;
	[tilespmem:$0x14020] =	vst v63  }
0xd1: {  	s18 =	sadd.s32 $0x800, s17;
	s19 =	simm.s32 @!p2 $0x7  }
0xd2: {  	[tilespmem:s29], [sflag:$0x2] =	stream.linear.gather [hbm4b:s18+s3], $0x4000, $0x38;
	[tilespmem:$0x14020] =	vst v63  }
0xd3: {  	_ =	swait.ge @!p2 [sflag:s19], $0x1000  }
0xd4: {  	[sflag:s19] =	ssyncset.done @!p2 $0x0  }
0xd5: {  	[sflag:s19] =	ssyncadd.s32 @!p2 $0xFFFFF000  }
0xd6: {  	[tilespmem:s30], [sflag:$0x3] =	stream.linear.gather [hbm4b:s23+s3], $0x80, $0x38;
	[tilespmem:$0x14020] =	vst v63  }
0xd7: {  	s18 =	sadd.s32 $0x1000, s17;
	s19 =	simm.s32 @!p2 $0x8  }
0xd8: {  	[tilespmem:s31], [sflag:$0x3] =	stream.linear.gather [hbm4b:s18+s3], $0x4000, $0x38;
	[tilespmem:$0x14020] =	vst v63  }
0xd9: {  	_ =	swait.ge @!p2 [sflag:s19], $0x1000  }
0xda: {  	[sflag:s19] =	ssyncset.done @!p2 $0x0  }
0xdb: {  	[sflag:s19] =	ssyncadd.s32 @!p2 $0xFFFFF000;
	s19 =	sadd.s32 $0x10, s23  }
0xdc: {  	[tilespmem:s0], [sflag:$0x4] =	stream.linear.gather [hbm4b:s19+s3], $0x80, $0x38;
	[tilespmem:$0x14020] =	vst v63  }
0xdd: {  	s17 =	sadd.s32 $0x1800, s17  }
0xde: {  	[tilespmem:s1], [sflag:$0x4] =	stream.linear.gather [hbm4b:s17+s3], $0x4000, $0x38;
	[tilespmem:$0x14020] =	vst v63  }
0xdf: {  	_ =	swait.ge [sflag:s4], $0x80  }
0xe0: {  	[sflag:s4] =	ssyncset.done $0x0  }
0xe1: {  	[sflag:s4] =	ssyncadd.s32 $0xFFFFFF80  }
0xe2: {  	_ =	swait.ge [sflag:s4], $0x4000  }
0xe3: {  	[sflag:s4] =	ssyncset.done $0x0  }
0xe4: {  	[sflag:s4] =	ssyncadd.s32 $0xFFFFC000  }
0xe5: {  	v3 =	vld [tilespmem:$0x60]  }
0xe6: {  	v47 =	vld [tilespmem:$0x30]  }
0xe7: {  	v2 =	vld [tilespmem:$0x70]  }
0xe8: {  	v46 =	vld [tilespmem:$0x10]  }
0xe9: {  	v50 =	vld [tilespmem:$0x40]  }
0xea: {  	v48 =	vld [tilespmem:$0x50];
	v3 =	vsub.s32 v3, v0  }
0xeb: {  	v51 =	vld [tilespmem:$0x20];
	v5 =	vsub.s32 v47, v0;
	v3 =	vmin.u32 v3, $0x1388  }
0xec: {  	v49 =	vld [tilespmem:$0x0];
	v2 =	vsub.s32 v2, v0;
	v5 =	vmin.u32 v5, $0x1388;
	[tilespmem:$0x260] =	vst v3  }
0xed: {  	v4 =	vsub.s32 v46, v0;
	v2 =	vmin.u32 v2, $0x1388;
	[tilespmem:$0x230] =	vst v5  }
0xee: {  	v52 =	vsub.s32 v50, v0;
	v4 =	vmin.u32 v4, $0x1388;
	[tilespmem:$0x270] =	vst v2  }
0xef: {  	v54 =	vsub.s32 v48, v0;
	v53 =	vmin.u32 v52, $0x1388;
	[tilespmem:$0x210] =	vst v4  }
0xf0: {  	v55 =	vmin.u32 v54, $0x1388;
	v2 =	vsub.s32 v51, v0;
	[tilespmem:$0x240] =	vst v53  }
0xf1: {  	v3 =	vsub.s32 v49, v0;
	[tilespmem:$0x250] =	vst v55;
	v2 =	vmin.u32 v2, $0x1388  }
0xf2: {  	v3 =	vmin.u32 v3, $0x1388;
	[tilespmem:$0x220] =	vst v2  }
0xf3: {  	[tilespmem:$0x200] =	vst v3  }
0xf4: {  	[spmem:s2] =	stream.indirect.scatter.add.f32 [tilespmem:s26], [sflag:$0x5], $0x20, s5, s28, $0xb8;
	[tilespmem:$0x14020] =	vst v63  }
0xf5: {  	_ =	swait.ge [sflag:s6], $0x80  }
0xf6: {  	[sflag:s6] =	ssyncset.done $0x0  }
0xf7: {  	[sflag:s6] =	ssyncadd.s32 $0xFFFFFF80  }
0xf8: {  	_ =	swait.ge [sflag:s6], $0x4000  }
0xf9: {  	[sflag:s6] =	ssyncset.done $0x0  }
0xfa: {  	[sflag:s6] =	ssyncadd.s32 $0xFFFFC000  }
0xfb: {  	v2 =	vld [tilespmem:$0x80]  }
0xfc: {  	v3 =	vld [tilespmem:$0x90]  }
0xfd: {  	v56 =	vld [tilespmem:$0xE0]  }
0xfe: {  	v57 =	vld [tilespmem:$0xA0]  }
0xff: {  	v58 =	vld [tilespmem:$0xB0]  }
0x100: {  	v59 =	vld [tilespmem:$0xD0];
	v2 =	vsub.s32 v2, v0  }
0x101: {  	v60 =	vld [tilespmem:$0xF0];
	v3 =	vsub.s32 v3, v0;
	v2 =	vmin.u32 v2, $0x1388  }
0x102: {  	v4 =	vsub.s32 v56, v0;
	[tilespmem:$0x280] =	vst v2;
	v2 =	vmin.u32 v3, $0x1388;
	v3 =	vld [tilespmem:$0xC0]  }
0x103: {  	v4 =	vmin.u32 v4, $0x1388;
	[tilespmem:$0x290] =	vst v2;
	v2 =	vsub.s32 v57, v0  }
0x104: {  	v61 =	vsub.s32 v58, v0;
	[tilespmem:$0x2E0] =	vst v4;
	v2 =	vmin.u32 v2, $0x1388  }
0x105: {  	v62 =	vsub.s32 v59, v0;
	[tilespmem:$0x2A0] =	vst v2;
	v2 =	vmin.u32 v61, $0x1388  }
0x106: {  	v63 =	vsub.s32 v60, v0;
	[tilespmem:$0x2B0] =	vst v2;
	v2 =	vmin.u32 v62, $0x1388  }
0x107: {  	v3 =	vsub.s32 v3, v0;
	[tilespmem:$0x2D0] =	vst v2;
	v2 =	vmin.u32 v63, $0x1388  }
0x108: {  	v3 =	vmin.u32 v3, $0x1388;
	[tilespmem:$0x2F0] =	vst v2  }
0x109: {  	[tilespmem:$0x2C0] =	vst v3  }
0x10a: {  	[spmem:s2] =	stream.indirect.scatter.add.f32 [tilespmem:s29], [sflag:$0x6], $0x20, s7, s28, $0xb8;
	[tilespmem:$0x14020] =	vst v63  }
0x10b: {  	s15 =	sadd.s32 $0x2000, s15;
	_ =	swait.ge [sflag:s8], $0x80  }
0x10c: {  	p1 =	sne.s32 s15, $0x4E000;
	[sflag:s8] =	ssyncset.done $0x0  }
.Ltmp1:
0x10d: {  	[sflag:s8] =	ssyncadd.s32 $0xFFFFFF80;
	(pc) =	sbr.rel @p1 .LBB2_4-.Ltmp1, $4  }
0x10e: {  	_ =	swait.ge [sflag:s8], $0x4000  }
0x10f: {  	[sflag:s8] =	ssyncset.done $0x0  }
0x110: {  	[sflag:s8] =	ssyncadd.s32 $0xFFFFC000  }
0x111: {  	v2 =	vld [tilespmem:$0x170]  }
0x112: {  	v3 =	vld [tilespmem:$0x150]  }
0x113: {  	v4 =	vld [tilespmem:$0x130]  }
0x114: {  	v5 =	vld [tilespmem:$0x110]  }
0x115: {  	v6 =	vld [tilespmem:$0x120]  }
0x116: {  	v7 =	vld [tilespmem:$0x140];
	v2 =	vsub.s32 v2, v0  }
0x117: {  	v8 =	vld [tilespmem:$0x160];
	v3 =	vsub.s32 v3, v0;
	v2 =	vmin.u32 v2, $0x1388  }
0x118: {  	v9 =	vld [tilespmem:$0x100];
	v4 =	vsub.s32 v4, v0;
	v3 =	vmin.u32 v3, $0x1388;
	[tilespmem:$0x370] =	vst v2  }
0x119: {  	v2 =	vsub.s32 v5, v0;
	v4 =	vmin.u32 v4, $0x1388;
	[tilespmem:$0x350] =	vst v3  }
0x11a: {  	v2 =	vmin.u32 v2, $0x1388;
	v3 =	vsub.s32 v6, v0;
	[tilespmem:$0x330] =	vst v4  }
0x11b: {  	[tilespmem:$0x310] =	vst v2;
	v2 =	vmin.u32 v3, $0x1388;
	v3 =	vsub.s32 v7, v0  }
0x11c: {  	[tilespmem:$0x320] =	vst v2;
	v2 =	vmin.u32 v3, $0x1388;
	v3 =	vsub.s32 v8, v0  }
0x11d: {  	v55 =	vsub.s32 v9, v0;
	[tilespmem:$0x340] =	vst v2;
	v2 =	vmin.u32 v3, $0x1388  }
0x11e: {  	v3 =	vmin.u32 v55, $0x1388;
	[tilespmem:$0x360] =	vst v2  }
0x11f: {  	[tilespmem:$0x300] =	vst v3  }
0x120: {  	[spmem:s2] =	stream.indirect.scatter.add.f32 [tilespmem:s31], [sflag:$0x7], $0x20, s9, s28, $0xb8;
	[tilespmem:$0x14020] =	vst v63  }
0x121: {  	_ =	swait.ge [sflag:s10], $0x80  }
0x122: {  	[sflag:s10] =	ssyncset.done $0x0  }
0x123: {  	[sflag:s10] =	ssyncadd.s32 $0xFFFFFF80  }
0x124: {  	_ =	swait.ge [sflag:s10], $0x4000  }
0x125: {  	[sflag:s10] =	ssyncset.done $0x0  }
0x126: {  	[sflag:s10] =	ssyncadd.s32 $0xFFFFC000  }
0x127: {  	v2 =	vld [tilespmem:$0x180]  }
0x128: {  	v3 =	vld [tilespmem:$0x190]  }
0x129: {  	v56 =	vld [tilespmem:$0x1D0]  }
0x12a: {  	v57 =	vld [tilespmem:$0x1C0]  }
0x12b: {  	v58 =	vld [tilespmem:$0x1B0]  }
0x12c: {  	v59 =	vld [tilespmem:$0x1E0];
	v2 =	vsub.s32 v2, v0  }
0x12d: {  	v60 =	vld [tilespmem:$0x1A0];
	v3 =	vsub.s32 v3, v0;
	v2 =	vmin.u32 v2, $0x1388  }
0x12e: {  	v61 =	vld [tilespmem:$0x1F0];
	[tilespmem:$0x380] =	vst v2;
	v2 =	vmin.u32 v3, $0x1388;
	v3 =	vsub.s32 v56, v0  }
0x12f: {  	[tilespmem:$0x390] =	vst v2;
	v2 =	vsub.s32 v57, v0;
	v3 =	vmin.u32 v3, $0x1388  }
0x130: {  	v62 =	vsub.s32 v58, v0;
	v2 =	vmin.u32 v2, $0x1388;
	[tilespmem:$0x3D0] =	vst v3  }
0x131: {  	v3 =	vmin.u32 v62, $0x1388;
	[tilespmem:$0x3C0] =	vst v2;
	v2 =	vsub.s32 v59, v0  }
0x132: {  	v63 =	vsub.s32 v60, v0;
	[tilespmem:$0x3B0] =	vst v3;
	v2 =	vmin.u32 v2, $0x1388  }
0x133: {  	v3 =	vmin.u32 v63, $0x1388;
	[tilespmem:$0x3E0] =	vst v2;
	v2 =	vsub.s32 v61, v0  }
0x134: {  	[tilespmem:$0x3A0] =	vst v3;
	v2 =	vmin.u32 v2, $0x1388  }
0x135: {  	[tilespmem:$0x3F0] =	vst v2  }
0x136: {  	[spmem:s2] =	stream.indirect.scatter.add.f32 [tilespmem:s1], [sflag:$0x8], $0x20, s11, s28, $0xb8;
	[tilespmem:$0x14020] =	vst v63  }
0x137: {  	_ =	swait.ge [sflag:s12], $0x1000  }
0x138: {  	[sflag:s12] =	ssyncset.done $0x0  }
0x139: {  	s17 =	simm.s32 $0x10400;
	s15 =	rddreg [dreg:$0xe];
	[sflag:s12] =	ssyncadd.s32 $0xFFFFF000  }
0x13a: {  	[tilespmem:s17], [sflag:$0x1] =	stream.linear.gather [hbm4b:s15+s3], $0x20, $0x38;
	[tilespmem:$0x14020] =	vst v63  }
0x13b: {  	s18 =	rddreg [dreg:$0xd]  }
0x13c: {  	[tilespmem:s26], [sflag:$0x1] =	stream.linear.gather [hbm4b:s18+s3], $0x1000, $0x38;
	[tilespmem:$0x14020] =	vst v63  }
0x13d: {  	_ =	swait.ge [sflag:s4], $0x20  }
0x13e: {  	[sflag:s4] =	ssyncset.done $0x0  }
0x13f: {  	[sflag:s4] =	ssyncadd.s32 $0xFFFFFFE0  }
0x140: {  	_ =	swait.ge [sflag:s4], $0x1000  }
0x141: {  	[sflag:s4] =	ssyncset.done $0x0  }
0x142: {  	[sflag:s4] =	ssyncadd.s32 $0xFFFFF000  }
0x143: {  	v2 =	vld [tilespmem:$0x10400]  }
0x144: {  	v3 =	vld [tilespmem:$0x10410];
	_ =	sdelay $0x3  }
0x145: {  	v2 =	vsub.s32 v2, v0  }
0x146: {  	v3 =	vsub.s32 v3, v0;
	v2 =	vmin.u32 v2, $0x1388  }
0x147: {  	[tilespmem:$0x10480] =	vst v2;
	v2 =	vmin.u32 v3, $0x1388  }
0x148: {  	s19 =	simm.s32 $0x20;
	s23 =	simm.s32 $0x10480;
	[tilespmem:$0x10490] =	vst v2  }
0x149: {  	[spmem:s2] =	stream.indirect.scatter.add.f32 [tilespmem:s26], [sflag:$0x5], $0x20, s23, s19, $0xb8;
	[tilespmem:$0x14020] =	vst v63  }
0x14a: {  	_ =	swait.ge [sflag:s12], $0x400  }
0x14b: {  	[sflag:s12] =	ssyncset.done $0x0  }
0x14c: {  	s17 =	simm.s32 $0x6;
	[sflag:s12] =	ssyncadd.s32 $0xFFFFFC00  }
0x14d: {  	_ =	swait.ge [sflag:s17], $0x1000  }
0x14e: {  	[sflag:s17] =	ssyncset.done $0x0  }
0x14f: {  	s18 =	simm.s32 $0x7;
	[sflag:s17] =	ssyncadd.s32 $0xFFFFF000  }
0x150: {  	_ =	swait.ge [sflag:s18], $0x1000  }
0x151: {  	[sflag:s18] =	ssyncset.done $0x0  }
0x152: {  	s19 =	simm.s32 $0x8;
	[sflag:s18] =	ssyncadd.s32 $0xFFFFF000  }
0x153: {  	_ =	swait.ge [sflag:s19], $0x1000  }
0x154: {  	[sflag:s19] =	ssyncset.done $0x0  }
0x155: {  	[sflag:s19] =	ssyncadd.s32 $0xFFFFF000  }
0x156: {  	[bflag:$0x0] =	sbarrier.arrive $0xFFFF  }
0x157: {  	[tilespmem:s24], [sflag:$0xA] =	stream.linear.gather [spmem:s20], $0x1400, $0x38;
	[tilespmem:$0x14020] =	vst v63  }
0x158: {  	_ =	swait.ge [sflag:s14], $0x1400  }
0x159: {  	[sflag:s14] =	ssyncset.done $0x0  }
0x15a: {  	s23 =	rddreg [dreg:$0x5];
	[sflag:s14] =	ssyncadd.s32 $0xFFFFEC00  }
0x15b: {  	[hbm4b:s23+s3] =	stream.linear.scatter [tilespmem:s24], [sflag:$0x9], $0x1400, $0x38;
	[tilespmem:$0x14020] =	vst v63  }
0x15c: {  	_ =	swait.ge [sflag:s25], $0x1400  }
0x15d: {  	[sflag:s25] =	ssyncset.done $0x0  }
0x15e: {  	s17 =	rddreg [dreg:$0x10];
	[sflag:s25] =	ssyncadd.s32 $0xFFFFEC00  }
0x15f: {  	[tilespmem:s24], [sflag:$0xA] =	stream.linear.gather [spmem:s17], $0x1400, $0x38;
	[tilespmem:$0x14020] =	vst v63  }
0x160: {  	_ =	swait.ge [sflag:s14], $0x1400  }
0x161: {  	[sflag:s14] =	ssyncset.done $0x0  }
0x162: {  	s18 =	rddreg [dreg:$0x6];
	[sflag:s14] =	ssyncadd.s32 $0xFFFFEC00  }
0x163: {  	[hbm4b:s18+s3] =	stream.linear.scatter [tilespmem:s24], [sflag:$0x9], $0x1400, $0x38;
	[tilespmem:$0x14020] =	vst v63  }
0x164: {  	_ =	swait.ge [sflag:s25], $0x1400  }
0x165: {  	[sflag:s25] =	ssyncset.done $0x0  }
0x166: {  	s19 =	smov.u32 s20;
	s20 =	rddreg [dreg:$0x11];
	[sflag:s25] =	ssyncadd.s32 $0xFFFFEC00  }
0x167: {  	[tilespmem:s24], [sflag:$0xA] =	stream.linear.gather [spmem:s20], $0x1400, $0x38;
	[tilespmem:$0x14020] =	vst v63  }
0x168: {  	_ =	swait.ge [sflag:s14], $0x1400  }
0x169: {  	[sflag:s14] =	ssyncset.done $0x0  }
0x16a: {  	s23 =	rddreg [dreg:$0x7];
	[sflag:s14] =	ssyncadd.s32 $0xFFFFEC00  }
0x16b: {  	[hbm4b:s23+s3] =	stream.linear.scatter [tilespmem:s24], [sflag:$0x9], $0x1400, $0x38;
	[tilespmem:$0x14020] =	vst v63  }
0x16c: {  	_ =	swait.ge [sflag:s25], $0x1400  }
0x16d: {  	[sflag:s25] =	ssyncset.done $0x0  }
0x16e: {  	s17 =	rddreg [dreg:$0x12];
	[sflag:s25] =	ssyncadd.s32 $0xFFFFEC00  }
0x16f: {  	[tilespmem:s24], [sflag:$0xA] =	stream.linear.gather [spmem:s17], $0x1400, $0x38;
	[tilespmem:$0x14020] =	vst v63  }
0x170: {  	_ =	swait.ge [sflag:s14], $0x1400  }
0x171: {  	[sflag:s14] =	ssyncset.done $0x0  }
0x172: {  	s18 =	rddreg [dreg:$0x8];
	[sflag:s14] =	ssyncadd.s32 $0xFFFFEC00  }
0x173: {  	[hbm4b:s18+s3] =	stream.linear.scatter [tilespmem:s24], [sflag:$0x9], $0x1400, $0x38;
	[tilespmem:$0x14020] =	vst v63  }
0x174: {  	_ =	swait.ge [sflag:s25], $0x1400  }
0x175: {  	[sflag:s25] =	ssyncset.done $0x0  }
0x176: {  	s20 =	rddreg [dreg:$0x13];
	[sflag:s25] =	ssyncadd.s32 $0xFFFFEC00  }
0x177: {  	[tilespmem:s24], [sflag:$0xA] =	stream.linear.gather [spmem:s20], $0x1400, $0x38;
	[tilespmem:$0x14020] =	vst v63  }
0x178: {  	_ =	swait.ge [sflag:s14], $0x1400  }
0x179: {  	[sflag:s14] =	ssyncset.done $0x0  }
0x17a: {  	s23 =	rddreg [dreg:$0x9];
	[sflag:s14] =	ssyncadd.s32 $0xFFFFEC00  }
0x17b: {  	[hbm4b:s23+s3] =	stream.linear.scatter [tilespmem:s24], [sflag:$0x9], $0x1400, $0x38;
	[tilespmem:$0x14020] =	vst v63  }
0x17c: {  	_ =	swait.ge [sflag:s25], $0x1400  }
0x17d: {  	[sflag:s25] =	ssyncset.done $0x0  }
0x17e: {  	s17 =	rddreg [dreg:$0x14];
	[sflag:s25] =	ssyncadd.s32 $0xFFFFEC00  }
0x17f: {  	[tilespmem:s24], [sflag:$0xA] =	stream.linear.gather [spmem:s17], $0x1400, $0x38;
	[tilespmem:$0x14020] =	vst v63  }
0x180: {  	_ =	swait.ge [sflag:s14], $0x1400  }
0x181: {  	[sflag:s14] =	ssyncset.done $0x0  }
0x182: {  	s18 =	rddreg [dreg:$0xa];
	[sflag:s14] =	ssyncadd.s32 $0xFFFFEC00  }
0x183: {  	[hbm4b:s18+s3] =	stream.linear.scatter [tilespmem:s24], [sflag:$0x9], $0x1400, $0x38;
	[tilespmem:$0x14020] =	vst v63  }
0x184: {  	_ =	swait.ge [sflag:s25], $0x1400  }
0x185: {  	[sflag:s25] =	ssyncset.done $0x0  }
0x186: {  	[sflag:s25] =	ssyncadd.s32 $0xFFFFEC00  }
0x187: {  	[tilespmem:s24], [sflag:$0xA] =	stream.linear.gather [spmem:s21], $0x1400, $0x38;
	[tilespmem:$0x14020] =	vst v63  }
0x188: {  	_ =	swait.ge [sflag:s14], $0x1400  }
0x189: {  	[sflag:s14] =	ssyncset.done $0x0  }
0x18a: {  	s20 =	rddreg [dreg:$0xb];
	[sflag:s14] =	ssyncadd.s32 $0xFFFFEC00  }
0x18b: {  	[hbm4b:s20+s3] =	stream.linear.scatter [tilespmem:s24], [sflag:$0x9], $0x1400, $0x38;
	[tilespmem:$0x14020] =	vst v63  }
0x18c: {  	_ =	swait.ge [sflag:s25], $0x1400  }
0x18d: {  	[sflag:s25] =	ssyncset.done $0x0  }
0x18e: {  	s15 =	simm.s32 @!p0 $0x10500;
	s17 =	simm.s32 @!p0 $0xA;
	[sflag:s25] =	ssyncadd.s32 $0xFFFFEC00  }
0x18f: {  	[tilespmem:s15], [sflag:$0xA] =	stream.linear.gather @!p0 [spmem:s22], $0x1400, $0x38;
	[tilespmem:$0x14020] =	vst v63  }
0x190: {  	_ =	swait.ge @!p0 [sflag:s17], $0x1400  }
0x191: {  	[sflag:s17] =	ssyncset.done @!p0 $0x0  }
0x192: {  	s18 =	rddreg [dreg:$0xc];
	[sflag:s17] =	ssyncadd.s32 @!p0 $0xFFFFEC00;
	s17 =	simm.s32 @!p0 $0x0  }
0x193: {  	[hbm4b:s18+s17] =	stream.linear.scatter @!p0 [tilespmem:s15], [sflag:$0x9], $0x1400, $0x38;
	[tilespmem:$0x14020] =	vst v63  }
0x194: {  	s15 =	simm.s32 @!p0 $0x9  }
0x195: {  	_ =	swait.ge @!p0 [sflag:s15], $0x1400  }
0x196: {  	s13 =	sadd.s32 $0x1, s13;
	s23 =	rddreg [dreg:$0xf]  }
0x197: {  	p1 =	sne.s32 s13, s23  }
.Ltmp2:
0x198: {  	_ = 	snop;
	(pc) =	sbr.rel @p1 .LBB2_1-.Ltmp2, $3  }
0x199: {  	_ =	sdelay $0x1  }
0x19a: {  	[sflag:s15] =	ssyncset.done @!p0 $0x0  }
0x19b: {  	[sflag:s15] =	ssyncadd.s32 @!p0 $0xFFFFEC00  }
0x19c: {  	_ =	sfence.sel $0x180000  }
0x19d: {  	[bflag:$0x0] =	sbarrier.arrive $0xFFFF  }
0x19e: {  	_ =	strace $0x9000004A  }
0x19f: {  	s0 =	stileid.u32;
	[bflag:$0x2] =	sbarrier.arrive $0xFFFF  }
0x1a0: {  	p0 =	sne.s32 s0, $0x0;
	s0 =	rddreg [dreg:$0x3]  }
0x1a1: {  	s0 =	sadd.s32 @!p0 $0x100000, s0  }
0x1a2: {  	[sflag:s0] =	ssyncadd.tile.s32 @!p0 $0x1;
	_ =	shalt  }
.Lfunc_end2:
_tile_overlayer_lowered:
.L_overlay_start_2:
0x1a3: {  	(tag) =	ssettag $0x2  }
0x1a4: {  	s0 =	rddreg [dreg:$0x0];
	s2 =	stileid.u32  }
0x1a5: {  	s1 =	rddreg [dreg:$0x1];
	p0 =	sne.s32 s2, $0x0  }
0x1a6: {  	s3 =	rddreg [dreg:$0x2];
	[bflag:$0x3] =	sbarrier.arrive $0xFFFF;
	s2 =	simm.s32 @!p0 $0x1C09  }
0x1a7: {  	[timem:s3], [sflag:s2] =	dma.local @!p0 [hbm:s0], s1  }
0x1a8: {  	s0 =	simm.s32 @!p0 $0x9  }
0x1a9: {  	_ =	swait.ge @!p0 [sflag:s0], s1  }
0x1aa: {  	s1 =	ssub.s32 @!p0 $0x0, s1;
	[sflag:s0] =	ssyncset.done @!p0 $0x0  }
0x1ab: {  	[sflag:s0] =	ssyncadd.s32 @!p0 s1  }
0x1ac: {  	[bflag:$0x3] =	sbarrier.arrive $0xFFFF  }
0x1ad: {  	_ =	shalt  }

// kernel: kernel.7.cloned.1.call-start
scs
__scs_entry_jumppad:
0x0: {  	(pc) =	sbr.rel $0x88, $3  }
0x1: {  	(tag) =	ssettag $0x0;
	lr =	simm.s32 $0x1  }
0x2: {  	[smem:$0x3F92] =	sst lr;
	_ =	strace $0xD0000000  }
0x3: {  	_ = 	snop  }
0x4: {  	_ = 	snop  }
0x5: {  	_ = 	snop  }
0x6: {  	_ = 	snop  }
0x7: {  	_ = 	snop  }
__scs_overlays_trampoline_lowered:
0x8: {  	[smem:$0x3FA1] =	sst s0  }
0x9: {  	[smem:$0x3FA2] =	sst s1  }
0xa: {  	[smem:$0x3FA3] =	sst s2  }
0xb: {  	[smem:$0x3FA4] =	sst s3  }
0xc: {  	[smem:$0x3FA5] =	sst s4  }
0xd: {  	[smem:$0x3FA6] =	sst s5  }
0xe: {  	[smem:$0x3FA7] =	sst s6  }
0xf: {  	[smem:$0x3FA8] =	sst s7  }
0x10: {  	[smem:$0x3FA9] =	sst s8  }
0x11: {  	[smem:$0x3FAA] =	sst s9;
	s0 =	simm.s32 @!p0 $0x0  }
0x12: {  	s1 =	sld [smem:$0x3F90];
	s0 =	simm.s32 @p0 $0x1  }
0x13: {  	[smem:$0x3FAB] =	sst s0;
	s0 =	simm.s32 @!p1 $0x0  }
0x14: {  	s2 =	sld [smem:$0x3F8F];
	s0 =	simm.s32 @p1 $0x1  }
0x15: {  	[smem:$0x3FAC] =	sst s0;
	s0 =	simm.s32 @!p2 $0x0  }
0x16: {  	s3 =	sld [smem:$0x3FDB];
	s0 =	simm.s32 @p2 $0x1  }
0x17: {  	s4 =	simm.s32 $0x1BF5;
	[smem:$0x3FAE] =	sst s0  }
0x18: {  	s0 =	sld [smem:$0x3F91];
	_ =	swait.ge [sflag:s4], $0x0  }
0x19: {  	s7 =	sld [smem:$0x3F92]  }
0x1a: {  	s8 =	sadd.s32 $0xFFFFE003, lr  }
0x1b: {  	s9 =	sadd.s32 $0xFFFFFEF7, lr;
	s5 =	simm.s32 $0xFFFFFFFF;
	p2 =	slt.u32 s8, $0xFFFFF086  }
0x1c: {  	p1 =	slt.u32 s9, $0xF7A;
	s5 =	simm.s32 @!p2 $0x0  }
0x1d: {  	s5 =	simm.s32 @p1 $0x1;
	p0 =	seq.s32 s7, s2  }
0x1e: {  	s7 =	smul.u32 @!p0 $0xF7A, s2;
	p2 =	seq.s32 @!p0 s5, $0x0  }
0x1f: {  	s9 =	smul.u32 $0xF7A, s1;
	s8 =	simm.s32 @!p0 $0x1BF5;
	p2 =	por !p2, p0  }
0x20: {  	[sflag:s8] =	ssyncset.s32 @!p0 $0xFFFFF086;
	s6 =	sadd.s32 @!p0 s3, s7;
	s7 =	simm.s32 @!p0 $0x108  }
0x21: {  	s3 =	sadd.s32 s3, s9;
	s6 =	sadd.s32 @!p0 $0x88, s6;
	s7 =	simm.s32 @p2 $0x1082  }
0x22: {  	[simem:s7], [sflag:s8] =	dma.local @!p0 [hbm:s6], $0xF7A  }
0x23: {  	s9 =	sor.u32 $0xD0000000, s2;
	s6 =	simm.s32 $0x108;
	_ =	swait.ge @!p0 [sflag:s8], $0x0  }
0x24: {  	s3 =	sadd.s32 $0x88, s3;
	s6 =	simm.s32 @!p1 $0x1082;
	[sflag:s4] =	ssyncset.s32 $0xFFFFF086  }
0x25: {  	[simem:s6], [sflag:s4] =	dma.local [hbm:s3], $0xF7A  }
0x26: {  	[smem:$0x3F92] =	sst s1;
	(tag) =	ssettag s2;
	_ =	strace s9  }
0x27: {  	s1 =	sld [smem:$0x3FA2]  }
0x28: {  	s2 =	sld [smem:$0x3FA3]  }
0x29: {  	s4 =	sld [smem:$0x3FA5]  }
0x2a: {  	p0 =	seq.s32 s5, $0x0;
	s5 =	sld [smem:$0x3FA6]  }
0x2b: {  	s6 =	sld [smem:$0x3FA7]  }
0x2c: {  	s7 =	sld [smem:$0x3FA8]  }
0x2d: {  	s3 =	simm.s32 $0x108;
	s8 =	sld [smem:$0x3FA9]  }
0x2e: {  	s3 =	simm.s32 @!p0 $0x1082;
	s9 =	sld [smem:$0x3FAA]  }
0x2f: {  	lr =	sadd.s32 s0, s3;
	s0 =	sld [smem:$0x3FA1]  }
0x30: {  	s3 =	sld [smem:$0x3FA4]  }
0x31: {  	[smem:$0x3FAD] =	sst s10  }
0x32: {  	s10 =	sld [smem:$0x3FAB];
	_ =	sdelay $0x3  }
0x33: {  	p0 =	seq.s32 s10, $0x1;
	s10 =	sld [smem:$0x3FAD];
	_ =	sdelay $0x3  }
0x34: {  	[smem:$0x3FAD] =	sst s10  }
0x35: {  	s10 =	sld [smem:$0x3FAC];
	_ =	sdelay $0x3  }
0x36: {  	p1 =	seq.s32 s10, $0x1;
	s10 =	sld [smem:$0x3FAD];
	_ =	sdelay $0x3  }
0x37: {  	[smem:$0x3FAD] =	sst s10  }
0x38: {  	s10 =	sld [smem:$0x3FAE]  }
0x39: {  	_ = 	snop;
	(pc) =	sbr.ind lr, $3  }
0x3a: {  	_ = 	snop  }
0x3b: {  	_ = 	snop  }
0x3c: {  	p2 =	seq.s32 s10, $0x1;
	s10 =	sld [smem:$0x3FAD]  }
0x3d: {  	_ =	shalt  }
0x3e: {  	_ =	shalt  }
0x3f: {  	_ =	shalt  }
0x40: {  	_ =	shalt  }
0x41: {  	_ =	shalt  }
0x42: {  	_ =	shalt  }
0x43: {  	_ =	shalt  }
0x44: {  	_ =	shalt  }
0x45: {  	_ =	shalt  }
0x46: {  	_ =	shalt  }
0x47: {  	_ =	shalt  }
0x48: {  	_ =	shalt  }
0x49: {  	_ =	shalt  }
0x4a: {  	_ =	shalt  }
0x4b: {  	_ =	shalt  }
0x4c: {  	_ =	shalt  }
0x4d: {  	_ =	shalt  }
0x4e: {  	_ =	shalt  }
0x4f: {  	_ =	shalt  }
0x50: {  	_ =	shalt  }
0x51: {  	_ =	shalt  }
0x52: {  	_ =	shalt  }
0x53: {  	_ =	shalt  }
0x54: {  	_ =	shalt  }
0x55: {  	_ =	shalt  }
0x56: {  	_ =	shalt  }
0x57: {  	_ =	shalt  }
0x58: {  	_ =	shalt  }
0x59: {  	_ =	shalt  }
0x5a: {  	_ =	shalt  }
0x5b: {  	_ =	shalt  }
0x5c: {  	_ =	shalt  }
0x5d: {  	_ =	shalt  }
0x5e: {  	_ =	shalt  }
0x5f: {  	_ =	shalt  }
0x60: {  	_ =	shalt  }
0x61: {  	_ =	shalt  }
0x62: {  	_ =	shalt  }
0x63: {  	_ =	shalt  }
0x64: {  	_ =	shalt  }
0x65: {  	_ =	shalt  }
0x66: {  	_ =	shalt  }
0x67: {  	_ =	shalt  }
0x68: {  	_ =	shalt  }
0x69: {  	_ =	shalt  }
0x6a: {  	_ =	shalt  }
0x6b: {  	_ =	shalt  }
0x6c: {  	_ =	shalt  }
0x6d: {  	_ =	shalt  }
0x6e: {  	_ =	shalt  }
0x6f: {  	_ =	shalt  }
0x70: {  	_ =	shalt  }
0x71: {  	_ =	shalt  }
0x72: {  	_ =	shalt  }
0x73: {  	_ =	shalt  }
0x74: {  	_ =	shalt  }
0x75: {  	_ =	shalt  }
0x76: {  	_ =	shalt  }
0x77: {  	_ =	shalt  }
0x78: {  	_ =	shalt  }
0x79: {  	_ =	shalt  }
0x7a: {  	_ =	shalt  }
0x7b: {  	_ =	shalt  }
0x7c: {  	_ =	shalt  }
0x7d: {  	_ =	shalt  }
0x7e: {  	_ =	shalt  }
0x7f: {  	_ =	shalt  }
0x80: {  	_ =	shalt  }
0x81: {  	_ =	shalt  }
0x82: {  	_ =	shalt  }
0x83: {  	_ =	shalt  }
0x84: {  	_ =	shalt  }
0x85: {  	_ =	shalt  }
0x86: {  	_ =	shalt  }
0x87: {  	_ =	shalt  }
.Lfunc_end0:
.L_simem_size_0:
called_computation_lowered:
.L_overlay_start_0:
0x88: {  	s2 =	sld [smem:$0x3FD9]  }
0x89: {  	s3 =	sld [smem:$0x3FFE];
	_ =	sdelay $0x1  }
0x8a: {  	s1 =	srdreg.scid  }
0x8b: {  	s0 =	sand.u32 $0x1, s1  }
0x8c: {  	s14 =	sshll.u32 s0, $0xA;
	s2 =	sadd.s32 s3, s2  }
0x8d: {  	s2 =	sadd.s32 s2, s14  }
0x8e: {  	[smem:$0x3FB9] =	sst s2  }
0x8f: {  	_ = 	snop  }
0x90: {  	s2 =	sld [smem:$0x3FD0];
	_ =	sdelay $0x2  }
0x91: {  	s15 =	simm.s32 $0xA;
	s4 =	simm.s32 $0x10  }
0x92: {  	[smem:s4], [sflag:s15] =	dma.local [hbm:s2], $0x1  }
0x93: {  	_ =	swait.eq [sflag:s15], $0x1  }
0x94: {  	[sflag:s15] =	ssyncset.done $0x0  }
0x95: {  	s16 =	sld [smem:$0x10];
	[sflag:s15] =	ssyncadd.s32 $0xFFFFFFFF  }
0x96: {  	s17 =	sld [smem:$0x11];
	(tm) =	ssettm $0x1  }
0x97: {  	s18 =	sld [smem:$0x3FFB];
	_ =	sdelay $0x3  }
0x98: {  	_ =	strace s18  }
0x99: {  	s4 =	sld [smem:$0x3FFC];
	_ =	sdelay $0x3  }
0x9a: {  	_ =	strace s4  }
0x9b: {  	s4 =	sld [smem:$0x3FFD];
	_ =	sdelay $0x3  }
0x9c: {  	_ =	strace s4  }
0x9d: {  	_ =	strace $0x8FFFFFFF  }
0x9e: {  	s19 =	sld [smem:$0x3FDB];
	_ =	sdelay $0x1  }
0x9f: {  	s5 =	simm.s32 $_scs_section_size  }
0xa0: {  	s6 =	simm.s32 $_size__tile_overlayer_lowered;
	s7 =	simm.s32 $_tile_overlayer_lowered  }
0xa1: {  	s22 =	simm.s32 $0x1BFF;
	s21 =	sshll.u32 s7, $0x1;
	s4 =	sadd.s32 s5, s19  }
0xa2: {  	s8 =	simm.s32 $0x0;
	s20 =	sshll.u32 s6, $0x1;
	s6 =	sadd.s32 s21, s4  }
0xa3: {  	[timem:s8], [sflag:s22] =	dma.local [hbm:s6], s20  }
0xa4: {  	_ =	swait.ge [sflag:s22], s20  }
0xa5: {  	s5 =	ssub.s32 $0x0, s20;
	[sflag:s22] =	ssyncset.done $0x0  }
0xa6: {  	[sflag:s22] =	ssyncadd.s32 s5;
	_ =	sdelay $0x1  }
0xa7: {  	s23 =	simm.s32 $0x1B8B  }
0xa8: {  	_ =	swait.ge [sflag:s23], $0x1  }
0xa9: {  	[sflag:s23] =	ssyncset.done $0x0  }
0xaa: {  	s25 =	simm.s32 $0x1B8E;
	s24 =	sld [smem:$0x3FFE];
	[sflag:s23] =	ssyncadd.s32 $0xFFFFFFFF  }
0xab: {  	s26 =	simm.s32 $execute0_lowered;
	[smem:$0x3FD2] =	sst s25  }
0xac: {  	s6 =	sshll.u32 s26, $0x1;
	_ =	strace $0x80000046;
	[dreg:$0x1] =	wrdreg $0xFFFFFFFF  }
0xad: {  	s28 =	simm.s32 $_size_execute0_lowered;
	s4 =	sadd.s32 s4, s6;
	[dreg:$0x0] =	wrdreg $0x0  }
0xae: {  	s6 =	sshll.u32 s28, $0x1;
	[dreg:$0x2] =	wrdreg s4  }
0xaf: {  	[dreg:$0x3] =	wrdreg s6  }
0xb0: {  	[dreg:$0x4] =	wrdreg $0xC0  }
0xb1: {  	_ =	task [dreg:s8], $0x5FFFF  }
0xb2: {  	[dreg:$0x1] =	wrdreg $0xFFFFFFFF  }
0xb3: {  	[dreg:$0x0] =	wrdreg $0x60  }
0xb4: {  	[dreg:$0x2] =	wrdreg s16  }
0xb5: {  	[dreg:$0x3] =	wrdreg s17  }
0xb6: {  	[dreg:$0x4] =	wrdreg s24  }
0xb7: {  	[dreg:$0x5] =	wrdreg $0x9  }
0xb8: {  	_ =	task.clear_ibuf [dreg:s8], $0x6FFFF;
	_ =	strace $0x90000046  }
0xb9: {  	s29 =	simm.s32 $0x9;
	_ =	strace $0x80000048  }
0xba: {  	_ =	swait.ge [sflag:s29], $0x1  }
0xbb: {  	[sflag:s29] =	ssyncadd.s32 $0xFFFFFFFF  }
0xbc: {  	_ =	strace $0x90000048  }
0xbd: {  	_ =	sfence  }
0xbe: {  	s30 =	sld [smem:$0x0];
	_ =	sdelay $0x2  }
0xbf: {  	s31 =	sshll.u32 s1, $0xD;
	s1 =	sshrl.u32 s1, $0x2  }
0xc0: {  	s3 =	sand.u32 $0x4000, s31;
	s1 =	sadd.s32 s1, s30  }
0xc1: {  	s0 =	sor.u32 s3, s0;
	s1 =	sshll.u32 s1, $0x11  }
0xc2: {  	s0 =	sor.u32 s1, s0  }
0xc3: {  	s0 =	sadd.s32 $0x8F2B, s0  }
0xc4: {  	[sflag:s0] =	ssyncadd.remote.s32 $0x1  }
0xc5: {  	_ =	sfence.sel $0xFFFF  }
0xc6: {  	[dreg:$0x0] =	wrdreg $0xFFFFFFFF;
	(pc) =	sbr.abs _section_cstart, $3  }
0xc7: {  	[dreg:$0x1] =	wrdreg $0xFFFFFFFF  }
0xc8: {  	_ =	task.clear_ibuf [dreg:s8], $0x2FFFF;
	_ =	strace $0x9FFFFFFF  }
0xc9: {  	(tm) =	ssettm $0x7FFFFFFF  }
tec
execute0_lowered:
.L_overlay_start_1:
0x0: {  	(tag) =	ssettag $0x1  }
0x1: {  	s1 =	rddreg [dreg:$0x0]  }
0x2: {  	s0 =	srdreg.scid;
	s3 =	rddreg [dreg:$0x1]  }
0x3: {  	s2 =	stileid.u32;
	s6 =	rddreg [dreg:$0x2];
	s4 =	simm.s32 $0x0  }
0x4: {  	s11 =	simm.s32 $0x7;
	s13 =	simm.s32 $0x80;
	s14 =	simm.s32 $0x4F00  }
0x5: {  	s15 =	simm.s32 $0x10F00;
	s16 =	simm.s32 $0x8F00;
	s17 =	simm.s32 $0x14F00  }
0x6: {  	s18 =	simm.s32 $0xCF00;
	s19 =	simm.s32 $0x18F00;
	s20 =	simm.s32 $0x1  }
0x7: {  	s21 =	simm.s32 $0x2;
	s22 =	simm.s32 $0x3;
	s23 =	simm.s32 $0x4  }
0x8: {  	s24 =	simm.s32 $0x10;
	s0 =	sand.u32 $0x1, s0;
	s2 =	sshll.u32 s2, $0x1  }
0x9: {  	s28 =	simm.s32 $0x5;
	s29 =	simm.s32 $0x6;
	s2 =	sor.u32 s0, s2  }
0xa: {  	s30 =	simm.s32 $0x0;
	s0 =	ssub.s32 $0x2, s0;
	s5 =	smul.u32 $0x2710, s2  }
0xb: {  	[smem:$0x7FF] =	sst s4;
	s2 =	smul.u32 $0x138800, s2;
	s26 =	sshrl.u32 s0, $0x1  }
0xc: {  	_ =	strace $0x80000047;
	s0 =	ssub.s32 s0, s26;
	s7 =	sshrl.u32 s5, $0x3  }
0xd: {  	s2 =	sshrl.u32 s2, $0x3;
	s8 =	sadd.s32 s7, s6;
	s6 =	sadd.s32 $0x16400, s6  }
0xe: {  	s10 =	smax.u32 s0, $0x1;
	s31 =	sadd.s32 $0x2800, s8;
	s2 =	sadd.s32 s6, s2  }
0xf: {  	s8 =	sadd.s32 $0xC600, s8;
	[dreg:$0x4] =	wrdreg s31;
	s9 =	sadd.s32 $0x27000, s2  }
.LBB2_1:
0x10: {  	s0 =	rddreg [dreg:$0x4]  }
0x11: {  	[tilespmem:s4], [sflag:$0x7] =	stream.linear.gather [hbm4b:s0+s4], $0x2710, $0x38;
	[tilespmem:$0x1CF00] =	vst v63  }
0x12: {  	_ =	swait.ge [sflag:s11], $0x2710  }
0x13: {  	[sflag:s11] =	ssyncset.done $0x0  }
0x14: {  	s26 =	simm.s32 $0x2780;
	[sflag:s11] =	ssyncadd.s32 $0xFFFFD8F0  }
0x15: {  	[tilespmem:s26], [sflag:$0x7] =	stream.linear.gather [hbm4b:s8+s4], $0x2710, $0x38;
	[tilespmem:$0x1CF00] =	vst v63  }
0x16: {  	_ =	swait.ge [sflag:s11], $0x2710  }
0x17: {  	[sflag:s11] =	ssyncset.done $0x0  }
0x18: {  	s31 =	simm.s32 $0x0;
	[sflag:s11] =	ssyncadd.s32 $0xFFFFD8F0  }
.LBB2_2:
0x19: {  	p0 =	seq.s32 s31, $0x0  }
0x1a: {  	s0 =	simm.s32 @!p0 $0x4  }
0x1b: {  	_ =	swait.ge @!p0 [sflag:s0], $0x4000  }
0x1c: {  	s12 =	smul.u32 $0x180, s31;
	[sflag:s0] =	ssyncset.done @!p0 $0x0  }
0x1d: {  	[sflag:s0] =	ssyncadd.s32 @!p0 $0xFFFFC000  }
0x1e: {  	[tilespmem:s14], [sflag:$0x1] =	stream.indirect.gather [hbm4b:s1+s13], $0x80, s12, s13, $0xb8;
	[tilespmem:$0x1CF00] =	vst v63  }
0x1f: {  	s2 =	simm.s32 @!p0 $0x5;
	s7 =	sadd.s32 $0x2780, s12  }
0x20: {  	[tilespmem:s15], [sflag:$0x1] =	stream.indirect.gather [hbm4b:s3+s13], $0x80, s7, s13, $0xb8;
	[tilespmem:$0x1CF00] =	vst v63  }
0x21: {  	_ =	swait.ge @!p0 [sflag:s2], $0x4000  }
0x22: {  	[sflag:s2] =	ssyncset.done @!p0 $0x0  }
0x23: {  	s0 =	sadd.s32 $0x80, s12;
	[sflag:s2] =	ssyncadd.s32 @!p0 $0xFFFFC000  }
0x24: {  	[tilespmem:s16], [sflag:$0x2] =	stream.indirect.gather [hbm4b:s1+s13], $0x80, s0, s13, $0xb8;
	[tilespmem:$0x1CF00] =	vst v63  }
0x25: {  	s25 =	sadd.s32 $0x2780, s0  }
0x26: {  	[tilespmem:s17], [sflag:$0x2] =	stream.indirect.gather [hbm4b:s3+s13], $0x80, s25, s13, $0xb8;
	[tilespmem:$0x1CF00] =	vst v63  }
0x27: {  	s25 =	simm.s32 @!p0 $0x6  }
0x28: {  	_ =	swait.ge @!p0 [sflag:s25], $0x4000  }
0x29: {  	[sflag:s25] =	ssyncset.done @!p0 $0x0  }
0x2a: {  	s2 =	sadd.s32 $0x100, s12;
	[sflag:s25] =	ssyncadd.s32 @!p0 $0xFFFFC000  }
0x2b: {  	[tilespmem:s18], [sflag:$0x3] =	stream.indirect.gather [hbm4b:s1+s13], $0x80, s2, s13, $0xb8;
	[tilespmem:$0x1CF00] =	vst v63  }
0x2c: {  	s26 =	sadd.s32 $0x2780, s2  }
0x2d: {  	[tilespmem:s19], [sflag:$0x3] =	stream.indirect.gather [hbm4b:s3+s13], $0x80, s26, s13, $0xb8;
	[tilespmem:$0x1CF00] =	vst v63  }
0x2e: {  	_ =	swait.ge [sflag:s20], $0x4000  }
0x2f: {  	[sflag:s20] =	ssyncset.done $0x0  }
0x30: {  	[sflag:s20] =	ssyncadd.s32 $0xFFFFC000  }
0x31: {  	_ =	swait.ge [sflag:s20], $0x4000  }
0x32: {  	[sflag:s20] =	ssyncset.done $0x0  }
0x33: {  	s25 =	simm.s32 $0x0;
	[sflag:s20] =	ssyncadd.s32 $0xFFFFC000  }
0x34: {  	v7 =	vld [tilespmem:s25+$0x10F00]  }
0x35: {  	v11 =	vld [tilespmem:s25+$0x10F10]  }
0x36: {  	v5 =	vld [tilespmem:s25+$0x10F20]  }
0x37: {  	v4 =	vld [tilespmem:s25+$0x10F30]  }
0x38: {  	v3 =	vld [tilespmem:s25+$0x10F40]  }
0x39: {  	v2 =	vld [tilespmem:s25+$0x10F50]  }
0x3a: {  	v1 =	vld [tilespmem:s25+$0x10F60]  }
0x3b: {  	v0 =	vld [tilespmem:s25+$0x10F70]  }
0x3c: {  	v12 =	vld [tilespmem:s25+$0x4F00]  }
0x3d: {  	v13 =	vld [tilespmem:s25+$0x4F10]  }
0x3e: {  	v10 =	vld [tilespmem:s25+$0x4F20]  }
0x3f: {  	v9 =	vld [tilespmem:s25+$0x4F30]  }
0x40: {  	v8 =	vld [tilespmem:s25+$0x4F40]  }
0x41: {  	v6 =	vld [tilespmem:s25+$0x4F50];
	v12 =	vadd.f32 v7, v12  }
0x42: {  	s26 =	simm.s32 $0x200;
	v11 =	vadd.f32 v11, v13;
	v7 =	vld [tilespmem:s25+$0x4F60]  }
.LBB2_3:
0x43: {  	s7 =	sshra.s32 s26, $0x2;
	p0 =	sne.s32 s26, $0xFE00;
	[tilespmem:s25+$0x4F00] =	vst v12;
	v5 =	vadd.f32 v5, v10;
	v10 =	vld [tilespmem:s25+$0x4F70]  }
0x44: {  	v12 =	vld [tilespmem:s7+$0x10F00];
	[tilespmem:s25+$0x4F10] =	vst v11;
	v4 =	vadd.f32 v4, v9  }
0x45: {  	v11 =	vld [tilespmem:s7+$0x10F10];
	[tilespmem:s25+$0x4F20] =	vst v5;
	v3 =	vadd.f32 v3, v8  }
0x46: {  	v5 =	vld [tilespmem:s7+$0x10F20];
	[tilespmem:s25+$0x4F30] =	vst v4;
	v2 =	vadd.f32 v2, v6  }
0x47: {  	v4 =	vld [tilespmem:s7+$0x10F30];
	[tilespmem:s25+$0x4F40] =	vst v3;
	v1 =	vadd.f32 v1, v7  }
0x48: {  	v3 =	vld [tilespmem:s7+$0x10F40];
	[tilespmem:s25+$0x4F50] =	vst v2;
	v0 =	vadd.f32 v0, v10  }
0x49: {  	v2 =	vld [tilespmem:s7+$0x10F50];
	[tilespmem:s25+$0x4F60] =	vst v1  }
0x4a: {  	v1 =	vld [tilespmem:s7+$0x10F60];
	[tilespmem:s25+$0x4F70] =	vst v0;
	s25 =	smov.u32 s7  }
0x4b: {  	v0 =	vld [tilespmem:s25+$0x10F70]  }
0x4c: {  	v6 =	vld [tilespmem:s25+$0x4F00]  }
0x4d: {  	v7 =	vld [tilespmem:s25+$0x4F10]  }
.Ltmp0:
0x4e: {  	v10 =	vld [tilespmem:s25+$0x4F20];
	(pc) =	sbr.rel @p0 .LBB2_3-.Ltmp0, $4  }
0x4f: {  	v9 =	vld [tilespmem:s25+$0x4F30]  }
0x50: {  	v8 =	vld [tilespmem:s25+$0x4F40]  }
0x51: {  	v12 =	vadd.f32 v12, v6;
	v6 =	vld [tilespmem:s25+$0x4F50]  }
0x52: {  	s26 =	sadd.s32 $0x200, s26;
	v11 =	vadd.f32 v11, v7;
	v7 =	vld [tilespmem:s25+$0x4F60]  }
0x53: {  	[tilespmem:s25+$0x4F00] =	vst v12;
	v5 =	vadd.f32 v5, v10;
	v10 =	vld [tilespmem:s25+$0x4F70]  }
0x54: {  	[tilespmem:s25+$0x4F10] =	vst v11;
	v4 =	vadd.f32 v4, v9  }
0x55: {  	[tilespmem:s25+$0x4F20] =	vst v5;
	v3 =	vadd.f32 v3, v8  }
0x56: {  	[tilespmem:s25+$0x4F30] =	vst v4;
	v2 =	vadd.f32 v2, v6  }
0x57: {  	[tilespmem:s25+$0x4F40] =	vst v3;
	v1 =	vadd.f32 v1, v7  }
0x58: {  	s7 =	sadd.s32 s5, s12;
	[tilespmem:s25+$0x4F50] =	vst v2;
	v0 =	vadd.f32 v0, v10  }
0x59: {  	s7 =	sshll.u32 s7, $0x4;
	[tilespmem:s25+$0x4F60] =	vst v1  }
0x5a: {  	s26 =	simm.s32 $0x0;
	s7 =	sadd.s32 s6, s7;
	[tilespmem:s25+$0x4F70] =	vst v0  }
0x5b: {  	[hbm4b:s7+s26] =	stream.linear.scatter [tilespmem:s14], [sflag:$0x4], $0x4000, $0x38;
	[tilespmem:$0x1CF00] =	vst v63  }
0x5c: {  	_ =	swait.ge [sflag:s21], $0x4000  }
0x5d: {  	[sflag:s21] =	ssyncset.done $0x0  }
0x5e: {  	[sflag:s21] =	ssyncadd.s32 $0xFFFFC000  }
0x5f: {  	_ =	swait.ge [sflag:s21], $0x4000  }
0x60: {  	[sflag:s21] =	ssyncset.done $0x0  }
0x61: {  	s12 =	simm.s32 $0x0;
	[sflag:s21] =	ssyncadd.s32 $0xFFFFC000  }
0x62: {  	v7 =	vld [tilespmem:s12+$0x14F00]  }
0x63: {  	v11 =	vld [tilespmem:s12+$0x14F10]  }
0x64: {  	v5 =	vld [tilespmem:s12+$0x14F20]  }
0x65: {  	v4 =	vld [tilespmem:s12+$0x14F30]  }
0x66: {  	v3 =	vld [tilespmem:s12+$0x14F40]  }
0x67: {  	v2 =	vld [tilespmem:s12+$0x14F50]  }
0x68: {  	v1 =	vld [tilespmem:s12+$0x14F60]  }
0x69: {  	v0 =	vld [tilespmem:s12+$0x14F70]  }
0x6a: {  	v12 =	vld [tilespmem:s12+$0x8F00]  }
0x6b: {  	v13 =	vld [tilespmem:s12+$0x8F10]  }
0x6c: {  	v10 =	vld [tilespmem:s12+$0x8F20]  }
0x6d: {  	v9 =	vld [tilespmem:s12+$0x8F30]  }
0x6e: {  	v8 =	vld [tilespmem:s12+$0x8F40]  }
0x6f: {  	v6 =	vld [tilespmem:s12+$0x8F50];
	v12 =	vadd.f32 v7, v12  }
0x70: {  	s25 =	simm.s32 $0x200;
	v11 =	vadd.f32 v11, v13;
	v7 =	vld [tilespmem:s12+$0x8F60]  }
.LBB2_5:
0x71: {  	s7 =	sshra.s32 s25, $0x2;
	p0 =	sne.s32 s25, $0xFE00;
	[tilespmem:s12+$0x8F00] =	vst v12;
	v5 =	vadd.f32 v5, v10;
	v10 =	vld [tilespmem:s12+$0x8F70]  }
0x72: {  	v12 =	vld [tilespmem:s7+$0x14F00];
	[tilespmem:s12+$0x8F10] =	vst v11;
	v4 =	vadd.f32 v4, v9  }
0x73: {  	v11 =	vld [tilespmem:s7+$0x14F10];
	[tilespmem:s12+$0x8F20] =	vst v5;
	v3 =	vadd.f32 v3, v8  }
0x74: {  	v5 =	vld [tilespmem:s7+$0x14F20];
	[tilespmem:s12+$0x8F30] =	vst v4;
	v2 =	vadd.f32 v2, v6  }
0x75: {  	v4 =	vld [tilespmem:s7+$0x14F30];
	[tilespmem:s12+$0x8F40] =	vst v3;
	v1 =	vadd.f32 v1, v7  }
0x76: {  	v3 =	vld [tilespmem:s7+$0x14F40];
	[tilespmem:s12+$0x8F50] =	vst v2;
	v0 =	vadd.f32 v0, v10  }
0x77: {  	v2 =	vld [tilespmem:s7+$0x14F50];
	[tilespmem:s12+$0x8F60] =	vst v1  }
0x78: {  	v1 =	vld [tilespmem:s7+$0x14F60];
	[tilespmem:s12+$0x8F70] =	vst v0;
	s12 =	smov.u32 s7  }
0x79: {  	v0 =	vld [tilespmem:s12+$0x14F70]  }
0x7a: {  	v6 =	vld [tilespmem:s12+$0x8F00]  }
0x7b: {  	v7 =	vld [tilespmem:s12+$0x8F10]  }
.Ltmp1:
0x7c: {  	v10 =	vld [tilespmem:s12+$0x8F20];
	(pc) =	sbr.rel @p0 .LBB2_5-.Ltmp1, $4  }
0x7d: {  	v9 =	vld [tilespmem:s12+$0x8F30]  }
0x7e: {  	v8 =	vld [tilespmem:s12+$0x8F40]  }
0x7f: {  	v12 =	vadd.f32 v12, v6;
	v6 =	vld [tilespmem:s12+$0x8F50]  }
0x80: {  	s25 =	sadd.s32 $0x200, s25;
	v11 =	vadd.f32 v11, v7;
	v7 =	vld [tilespmem:s12+$0x8F60]  }
0x81: {  	[tilespmem:s12+$0x8F00] =	vst v12;
	v5 =	vadd.f32 v5, v10;
	v10 =	vld [tilespmem:s12+$0x8F70]  }
0x82: {  	[tilespmem:s12+$0x8F10] =	vst v11;
	v4 =	vadd.f32 v4, v9  }
0x83: {  	[tilespmem:s12+$0x8F20] =	vst v5;
	v3 =	vadd.f32 v3, v8  }
0x84: {  	[tilespmem:s12+$0x8F30] =	vst v4;
	v2 =	vadd.f32 v2, v6  }
0x85: {  	[tilespmem:s12+$0x8F40] =	vst v3;
	v1 =	vadd.f32 v1, v7  }
0x86: {  	s0 =	sadd.s32 s5, s0;
	[tilespmem:s12+$0x8F50] =	vst v2;
	v0 =	vadd.f32 v0, v10  }
0x87: {  	s0 =	sshll.u32 s0, $0x4;
	[tilespmem:s12+$0x8F60] =	vst v1  }
0x88: {  	s7 =	simm.s32 $0x0;
	s0 =	sadd.s32 s6, s0;
	[tilespmem:s12+$0x8F70] =	vst v0  }
0x89: {  	[hbm4b:s0+s7] =	stream.linear.scatter [tilespmem:s16], [sflag:$0x5], $0x4000, $0x38;
	[tilespmem:$0x1CF00] =	vst v63  }
0x8a: {  	_ =	swait.ge [sflag:s22], $0x4000  }
0x8b: {  	[sflag:s22] =	ssyncset.done $0x0  }
0x8c: {  	[sflag:s22] =	ssyncadd.s32 $0xFFFFC000  }
0x8d: {  	_ =	swait.ge [sflag:s22], $0x4000  }
0x8e: {  	[sflag:s22] =	ssyncset.done $0x0  }
0x8f: {  	s0 =	simm.s32 $0x0;
	[sflag:s22] =	ssyncadd.s32 $0xFFFFC000  }
0x90: {  	v7 =	vld [tilespmem:s0+$0x18F00]  }
0x91: {  	v11 =	vld [tilespmem:s0+$0x18F10]  }
0x92: {  	v5 =	vld [tilespmem:s0+$0x18F20]  }
0x93: {  	v4 =	vld [tilespmem:s0+$0x18F30]  }
0x94: {  	v3 =	vld [tilespmem:s0+$0x18F40]  }
0x95: {  	v2 =	vld [tilespmem:s0+$0x18F50]  }
0x96: {  	v1 =	vld [tilespmem:s0+$0x18F60]  }
0x97: {  	v0 =	vld [tilespmem:s0+$0x18F70]  }
0x98: {  	v12 =	vld [tilespmem:s0+$0xCF00]  }
0x99: {  	v13 =	vld [tilespmem:s0+$0xCF10]  }
0x9a: {  	v10 =	vld [tilespmem:s0+$0xCF20]  }
0x9b: {  	v9 =	vld [tilespmem:s0+$0xCF30]  }
0x9c: {  	v8 =	vld [tilespmem:s0+$0xCF40]  }
0x9d: {  	v6 =	vld [tilespmem:s0+$0xCF50];
	v12 =	vadd.f32 v7, v12  }
0x9e: {  	s12 =	simm.s32 $0x200;
	v11 =	vadd.f32 v11, v13;
	v7 =	vld [tilespmem:s0+$0xCF60]  }
.LBB2_7:
0x9f: {  	s7 =	sshra.s32 s12, $0x2;
	p0 =	sne.s32 s12, $0xFE00;
	[tilespmem:s0+$0xCF00] =	vst v12;
	v5 =	vadd.f32 v5, v10;
	v10 =	vld [tilespmem:s0+$0xCF70]  }
0xa0: {  	v12 =	vld [tilespmem:s7+$0x18F00];
	[tilespmem:s0+$0xCF10] =	vst v11;
	v4 =	vadd.f32 v4, v9  }
0xa1: {  	v11 =	vld [tilespmem:s7+$0x18F10];
	[tilespmem:s0+$0xCF20] =	vst v5;
	v3 =	vadd.f32 v3, v8  }
0xa2: {  	v5 =	vld [tilespmem:s7+$0x18F20];
	[tilespmem:s0+$0xCF30] =	vst v4;
	v2 =	vadd.f32 v2, v6  }
0xa3: {  	v4 =	vld [tilespmem:s7+$0x18F30];
	[tilespmem:s0+$0xCF40] =	vst v3;
	v1 =	vadd.f32 v1, v7  }
0xa4: {  	v3 =	vld [tilespmem:s7+$0x18F40];
	[tilespmem:s0+$0xCF50] =	vst v2;
	v0 =	vadd.f32 v0, v10  }
0xa5: {  	v2 =	vld [tilespmem:s7+$0x18F50];
	[tilespmem:s0+$0xCF60] =	vst v1  }
0xa6: {  	v1 =	vld [tilespmem:s7+$0x18F60];
	[tilespmem:s0+$0xCF70] =	vst v0;
	s0 =	smov.u32 s7  }
0xa7: {  	v0 =	vld [tilespmem:s0+$0x18F70]  }
0xa8: {  	v6 =	vld [tilespmem:s0+$0xCF00]  }
0xa9: {  	v7 =	vld [tilespmem:s0+$0xCF10]  }
.Ltmp2:
0xaa: {  	v10 =	vld [tilespmem:s0+$0xCF20];
	(pc) =	sbr.rel @p0 .LBB2_7-.Ltmp2, $4  }
0xab: {  	v9 =	vld [tilespmem:s0+$0xCF30]  }
0xac: {  	v8 =	vld [tilespmem:s0+$0xCF40]  }
0xad: {  	v12 =	vadd.f32 v12, v6;
	v6 =	vld [tilespmem:s0+$0xCF50]  }
0xae: {  	s12 =	sadd.s32 $0x200, s12;
	v11 =	vadd.f32 v11, v7;
	v7 =	vld [tilespmem:s0+$0xCF60]  }
0xaf: {  	[tilespmem:s0+$0xCF00] =	vst v12;
	v5 =	vadd.f32 v5, v10;
	v63 =	vld [tilespmem:s0+$0xCF70]  }
0xb0: {  	[tilespmem:s0+$0xCF10] =	vst v11;
	v4 =	vadd.f32 v4, v9  }
0xb1: {  	s31 =	sadd.s32 $0x1, s31;
	[tilespmem:s0+$0xCF20] =	vst v5;
	v3 =	vadd.f32 v3, v8  }
0xb2: {  	p0 =	sne.s32 s31, $0x1A;
	[tilespmem:s0+$0xCF30] =	vst v4;
	v2 =	vadd.f32 v2, v6  }
.Ltmp3:
0xb3: {  	[tilespmem:s0+$0xCF40] =	vst v3;
	v1 =	vadd.f32 v1, v7;
	(pc) =	sbr.rel @p0 .LBB2_2-.Ltmp3, $4  }
0xb4: {  	s2 =	sadd.s32 s5, s2;
	[tilespmem:s0+$0xCF50] =	vst v2;
	v0 =	vadd.f32 v0, v63  }
0xb5: {  	s2 =	sshll.u32 s2, $0x4;
	[tilespmem:s0+$0xCF60] =	vst v1  }
0xb6: {  	s26 =	sadd.s32 s6, s2;
	[tilespmem:s0+$0xCF70] =	vst v0  }
0xb7: {  	[hbm4b:s26+s4] =	stream.linear.scatter [tilespmem:s18], [sflag:$0x6], $0x4000, $0x38;
	[tilespmem:$0x1CF00] =	vst v63  }
0xb8: {  	_ =	swait.ge [sflag:s23], $0x4000  }
0xb9: {  	[sflag:s23] =	ssyncset.done $0x0  }
0xba: {  	s0 =	simm.s32 $0x2700;
	[sflag:s23] =	ssyncadd.s32 $0xFFFFC000  }
0xbb: {  	[tilespmem:s14], [sflag:$0x1] =	stream.indirect.gather [hbm4b:s1+s24], $0x80, s0, s24, $0xb8;
	[tilespmem:$0x1CF00] =	vst v63  }
0xbc: {  	s31 =	simm.s32 $0x4E80  }
0xbd: {  	[tilespmem:s15], [sflag:$0x1] =	stream.indirect.gather [hbm4b:s3+s24], $0x80, s31, s24, $0xb8;
	[tilespmem:$0x1CF00] =	vst v63  }
0xbe: {  	_ =	swait.ge [sflag:s20], $0x800  }
0xbf: {  	[sflag:s20] =	ssyncset.done $0x0  }
0xc0: {  	[sflag:s20] =	ssyncadd.s32 $0xFFFFF800  }
0xc1: {  	_ =	swait.ge [sflag:s20], $0x800  }
0xc2: {  	[sflag:s20] =	ssyncset.done $0x0  }
0xc3: {  	s0 =	simm.s32 $0x0;
	[sflag:s20] =	ssyncadd.s32 $0xFFFFF800  }
0xc4: {  	v7 =	vld [tilespmem:s0+$0x10F00]  }
0xc5: {  	v11 =	vld [tilespmem:s0+$0x10F10]  }
0xc6: {  	v5 =	vld [tilespmem:s0+$0x10F20]  }
0xc7: {  	v4 =	vld [tilespmem:s0+$0x10F30]  }
0xc8: {  	v3 =	vld [tilespmem:s0+$0x10F40]  }
0xc9: {  	v2 =	vld [tilespmem:s0+$0x10F50]  }
0xca: {  	v1 =	vld [tilespmem:s0+$0x10F60]  }
0xcb: {  	v0 =	vld [tilespmem:s0+$0x10F70]  }
0xcc: {  	v12 =	vld [tilespmem:s0+$0x4F00]  }
0xcd: {  	v13 =	vld [tilespmem:s0+$0x4F10]  }
0xce: {  	v10 =	vld [tilespmem:s0+$0x4F20]  }
0xcf: {  	v9 =	vld [tilespmem:s0+$0x4F30]  }
0xd0: {  	v8 =	vld [tilespmem:s0+$0x4F40]  }
0xd1: {  	v6 =	vld [tilespmem:s0+$0x4F50];
	v12 =	vadd.f32 v7, v12  }
0xd2: {  	s2 =	simm.s32 $0x200;
	v11 =	vadd.f32 v11, v13;
	v7 =	vld [tilespmem:s0+$0x4F60]  }
.LBB2_10:
0xd3: {  	s7 =	sshra.s32 s2, $0x2;
	p0 =	sne.s32 s2, $0x1E00;
	[tilespmem:s0+$0x4F00] =	vst v12;
	v5 =	vadd.f32 v5, v10;
	v10 =	vld [tilespmem:s0+$0x4F70]  }
0xd4: {  	v12 =	vld [tilespmem:s7+$0x10F00];
	[tilespmem:s0+$0x4F10] =	vst v11;
	v4 =	vadd.f32 v4, v9  }
0xd5: {  	v11 =	vld [tilespmem:s7+$0x10F10];
	[tilespmem:s0+$0x4F20] =	vst v5;
	v3 =	vadd.f32 v3, v8  }
0xd6: {  	v5 =	vld [tilespmem:s7+$0x10F20];
	[tilespmem:s0+$0x4F30] =	vst v4;
	v2 =	vadd.f32 v2, v6  }
0xd7: {  	v4 =	vld [tilespmem:s7+$0x10F30];
	[tilespmem:s0+$0x4F40] =	vst v3;
	v1 =	vadd.f32 v1, v7  }
0xd8: {  	v3 =	vld [tilespmem:s7+$0x10F40];
	[tilespmem:s0+$0x4F50] =	vst v2;
	v0 =	vadd.f32 v0, v10  }
0xd9: {  	v2 =	vld [tilespmem:s7+$0x10F50];
	[tilespmem:s0+$0x4F60] =	vst v1  }
0xda: {  	v1 =	vld [tilespmem:s7+$0x10F60];
	[tilespmem:s0+$0x4F70] =	vst v0;
	s0 =	smov.u32 s7  }
0xdb: {  	v0 =	vld [tilespmem:s0+$0x10F70]  }
0xdc: {  	v6 =	vld [tilespmem:s0+$0x4F00]  }
0xdd: {  	v7 =	vld [tilespmem:s0+$0x4F10]  }
.Ltmp4:
0xde: {  	v10 =	vld [tilespmem:s0+$0x4F20];
	(pc) =	sbr.rel @p0 .LBB2_10-.Ltmp4, $4  }
0xdf: {  	v9 =	vld [tilespmem:s0+$0x4F30]  }
0xe0: {  	v8 =	vld [tilespmem:s0+$0x4F40]  }
0xe1: {  	v12 =	vadd.f32 v12, v6;
	v6 =	vld [tilespmem:s0+$0x4F50]  }
0xe2: {  	s2 =	sadd.s32 $0x200, s2;
	v11 =	vadd.f32 v11, v7;
	v7 =	vld [tilespmem:s0+$0x4F60]  }
0xe3: {  	[tilespmem:s0+$0x4F00] =	vst v12;
	v5 =	vadd.f32 v5, v10;
	v63 =	vld [tilespmem:s0+$0x4F70]  }
0xe4: {  	[tilespmem:s0+$0x4F10] =	vst v11;
	v4 =	vadd.f32 v4, v9  }
0xe5: {  	[tilespmem:s0+$0x4F20] =	vst v5;
	v3 =	vadd.f32 v3, v8  }
0xe6: {  	[tilespmem:s0+$0x4F30] =	vst v4;
	v2 =	vadd.f32 v2, v6  }
0xe7: {  	[tilespmem:s0+$0x4F40] =	vst v3;
	v1 =	vadd.f32 v1, v7  }
0xe8: {  	[tilespmem:s0+$0x4F50] =	vst v2;
	v0 =	vadd.f32 v0, v63  }
0xe9: {  	[tilespmem:s0+$0x4F60] =	vst v1  }
0xea: {  	[tilespmem:s0+$0x4F70] =	vst v0  }
0xeb: {  	[hbm4b:s9+s4] =	stream.linear.scatter [tilespmem:s14], [sflag:$0x7], $0x800, $0x38;
	[tilespmem:$0x1CF00] =	vst v63  }
0xec: {  	_ =	swait.ge [sflag:s11], $0x800  }
0xed: {  	[sflag:s11] =	ssyncset.done $0x0  }
0xee: {  	s30 =	sadd.s32 $0x1, s30;
	[sflag:s11] =	ssyncadd.s32 $0xFFFFF800  }
0xef: {  	p0 =	sne.s32 s30, s10;
	_ =	swait.ge [sflag:s28], $0x4000  }
.Ltmp5:
0xf0: {  	[sflag:s28] =	ssyncset.done $0x0;
	(pc) =	sbr.rel @p0 .LBB2_1-.Ltmp5, $4  }
0xf1: {  	[sflag:s28] =	ssyncadd.s32 $0xFFFFC000  }
0xf2: {  	_ =	swait.ge [sflag:s29], $0x4000  }
0xf3: {  	[sflag:s29] =	ssyncset.done $0x0  }
0xf4: {  	[sflag:s29] =	ssyncadd.s32 $0xFFFFC000  }
0xf5: {  	_ =	sfence.sel $0x180000  }
0xf6: {  	[bflag:$0x0] =	sbarrier.arrive $0xFFFF  }
0xf7: {  	_ =	strace $0x90000047  }
0xf8: {  	s0 =	stileid.u32;
	[bflag:$0x2] =	sbarrier.arrive $0xFFFF  }
0xf9: {  	p0 =	sne.s32 s0, $0x0;
	s0 =	rddreg [dreg:$0x3]  }
0xfa: {  	s0 =	sadd.s32 @!p0 $0x100000, s0  }
0xfb: {  	[sflag:s0] =	ssyncadd.tile.s32 @!p0 $0x1;
	_ =	shalt  }
.Lfunc_end2:
_tile_overlayer_lowered:
.L_overlay_start_2:
0xfc: {  	(tag) =	ssettag $0x2  }
0xfd: {  	s0 =	rddreg [dreg:$0x0];
	s2 =	stileid.u32  }
0xfe: {  	s1 =	rddreg [dreg:$0x1];
	p0 =	sne.s32 s2, $0x0  }
0xff: {  	s3 =	rddreg [dreg:$0x2];
	[bflag:$0x3] =	sbarrier.arrive $0xFFFF;
	s2 =	simm.s32 @!p0 $0x1C07  }
0x100: {  	[timem:s3], [sflag:s2] =	dma.local @!p0 [hbm:s0], s1  }
0x101: {  	s0 =	simm.s32 @!p0 $0x7  }
0x102: {  	_ =	swait.ge @!p0 [sflag:s0], s1  }
0x103: {  	s1 =	ssub.s32 @!p0 $0x0, s1;
	[sflag:s0] =	ssyncset.done @!p0 $0x0  }
0x104: {  	[sflag:s0] =	ssyncadd.s32 @!p0 s1  }
0x105: {  	[bflag:$0x3] =	sbarrier.arrive $0xFFFF  }
0x106: {  	_ =	shalt  }

</sc_bundles>
